<compile_context>
chip_gen: v7x
topology: tpu7x:2x2x1
jax: 0.10.2.dev20260603
libtpu: 0.0.44.dev20260713+nightly
codegen_flags: <defaults>
</compile_context>

<pallas_src>
import functools

import jax
import jax.numpy as jnp
from jax import lax
from jax.experimental import pallas as pl
from jax.experimental.pallas import tpu as pltpu
from jax.experimental.pallas import tpu_sc as plsc

N = 10000
D = 128
E_RAW = 320000
E_TOT = E_RAW + N
NC, NS = 2, 16
NW = NC * NS

LANE = 128
ROWS_PER_TILE = 82
E_PAD = NW * ROWS_PER_TILE * LANE
ROWS_PER_CORE = (NW // NC) * ROWS_PER_TILE

PAD_ROWS = 10112
DUMMY = N
ZCHUNK = PAD_ROWS // NS

_mesh = plsc.VectorSubcoreMesh(core_axis_name="c", subcore_axis_name="s")



@functools.partial(
    pl.kernel,
    out_type=jax.ShapeDtypeStruct((NC, PAD_ROWS, 16), jnp.float32),
    mesh=_mesh,
    scratch_types=[
        pltpu.MemorySpace.VMEM_SHARED((PAD_ROWS, 16), jnp.float32),
        pltpu.MemorySpace.VMEM((ROWS_PER_TILE, LANE), jnp.int32),
        pltpu.MemorySpace.VMEM((LANE, 16), jnp.float32),
        pltpu.SemaphoreType.DMA,
        pltpu.SemaphoreType.DMA,
    ],
)
def _sc_degree(dst_rows, zeros16, ones16, out, deg_sh, idx_v, ones_v,
               dsem_a, dsem_b):
    cid = lax.axis_index("c")
    sid = lax.axis_index("s")
    w = cid * NS + sid
    pltpu.sync_copy(zeros16.at[pl.ds(sid * ZCHUNK, ZCHUNK)],
                    deg_sh.at[pl.ds(sid * ZCHUNK, ZCHUNK)])
    pltpu.sync_copy(dst_rows.at[w], idx_v)
    pltpu.sync_copy(ones16, ones_v)
    plsc.subcore_barrier()

    half = ROWS_PER_TILE // 2
    pltpu.async_copy(ones_v, deg_sh.at[idx_v.at[0]], dsem_a, add=True)

    def body(k, carry):
        j0 = 2 * k
        j1 = j0 + 1
        pltpu.async_copy(ones_v, deg_sh.at[idx_v.at[j1]], dsem_b, add=True)
        pltpu.make_async_copy(ones_v, deg_sh.at[idx_v.at[j0]],
                              dsem_a).wait()

        @pl.when(k < half - 1)
        def _():
            pltpu.async_copy(ones_v, deg_sh.at[idx_v.at[j0 + 2]],
                             dsem_a, add=True)

        pltpu.make_async_copy(ones_v, deg_sh.at[idx_v.at[j1]],
                              dsem_b).wait()
        return carry

    lax.fori_loop(0, half, body, 0)
    plsc.subcore_barrier()
    pltpu.sync_copy(deg_sh.at[pl.ds(sid * ZCHUNK, ZCHUNK)],
                    out.at[cid].at[pl.ds(sid * ZCHUNK, ZCHUNK)])


@functools.partial(
    pl.kernel,
    out_type=jax.ShapeDtypeStruct((NC, PAD_ROWS, D), jnp.float32),
    mesh=_mesh,
    scratch_types=[
        pltpu.MemorySpace.HBM((E_PAD, D), jnp.float32),
        pltpu.MemorySpace.VMEM_SHARED((PAD_ROWS, D), jnp.float32),
        pltpu.MemorySpace.VMEM((ROWS_PER_TILE, LANE), jnp.int32),
        pltpu.MemorySpace.VMEM((LANE, D), jnp.float32),
        pltpu.MemorySpace.VMEM((LANE, D), jnp.float32),
        pltpu.SemaphoreType.DMA,
        pltpu.SemaphoreType.DMA,
        pltpu.SemaphoreType.DMA,
        pltpu.SemaphoreType.DMA,
    ],
)
def _sc_edge_pass(y, src_rows, dst_rows, zeros, out,
                  msgs, shmem, idx_v, rows_a, rows_b,
                  sem_ga, sem_gb, sem_wa, sem_wb):
    cid = lax.axis_index("c")
    sid = lax.axis_index("s")
    w = cid * NS + sid
    ebase = w * ROWS_PER_TILE * LANE
    chunk = pl.ds(sid * ZCHUNK, ZCHUNK)
    half = ROWS_PER_TILE // 2

    pltpu.sync_copy(y.at[chunk], shmem.at[chunk])
    pltpu.sync_copy(src_rows.at[w], idx_v)
    plsc.subcore_barrier()

    pltpu.async_copy(shmem.at[idx_v.at[0]], rows_a, sem_ga)

    def body_a(k, carry):
        j0 = 2 * k
        j1 = j0 + 1
        pltpu.make_async_copy(shmem.at[idx_v.at[j0]], rows_a, sem_ga).wait()

        @pl.when(k > 0)
        def _():
            pltpu.make_async_copy(rows_b, msgs.at[pl.ds(0, LANE)],
                                  sem_wb).wait()

        pltpu.async_copy(shmem.at[idx_v.at[j1]], rows_b, sem_gb)
        pltpu.async_copy(rows_a, msgs.at[pl.ds(ebase + j0 * LANE, LANE)],
                         sem_wa)
        pltpu.make_async_copy(shmem.at[idx_v.at[j1]], rows_b, sem_gb).wait()
        pltpu.make_async_copy(rows_a, msgs.at[pl.ds(0, LANE)],
                              sem_wa).wait()

        @pl.when(k < half - 1)
        def _():
            pltpu.async_copy(shmem.at[idx_v.at[j0 + 2]], rows_a, sem_ga)

        pltpu.async_copy(rows_b, msgs.at[pl.ds(ebase + j1 * LANE, LANE)],
                         sem_wb)
        return carry

    lax.fori_loop(0, half, body_a, 0)
    pltpu.make_async_copy(rows_b, msgs.at[pl.ds(0, LANE)], sem_wb).wait()
    plsc.subcore_barrier()

    pltpu.sync_copy(zeros.at[chunk], shmem.at[chunk])
    pltpu.sync_copy(dst_rows.at[w], idx_v)
    plsc.subcore_barrier()

    pltpu.async_copy(msgs.at[pl.ds(ebase, LANE)], rows_a, sem_ga)

    def body_b(k, carry):
        j0 = 2 * k
        j1 = j0 + 1
        pltpu.async_copy(msgs.at[pl.ds(ebase + j1 * LANE, LANE)],
                         rows_b, sem_gb)
        pltpu.make_async_copy(msgs.at[pl.ds(0, LANE)], rows_a, sem_ga).wait()
        pltpu.sync_copy(rows_a, shmem.at[idx_v.at[j0]], add=True)

        @pl.when(k < half - 1)
        def _():
            pltpu.async_copy(msgs.at[pl.ds(ebase + (j0 + 2) * LANE, LANE)],
                             rows_a, sem_ga)

        pltpu.make_async_copy(msgs.at[pl.ds(0, LANE)], rows_b, sem_gb).wait()
        pltpu.sync_copy(rows_b, shmem.at[idx_v.at[j1]], add=True)
        return carry

    lax.fori_loop(0, half, body_b, 0)
    plsc.subcore_barrier()
    pltpu.sync_copy(shmem.at[chunk], out.at[cid].at[chunk])



_BLK = 1264
_GRID = PAD_ROWS // _BLK


def _row_spec(w, blk=_BLK):
    return pl.BlockSpec((blk, w), lambda i: (i, 0))


def _full_spec(h, w):
    return pl.BlockSpec((h, w), lambda i: (0, 0))


def _tc_pre_body(x_ref, d0_ref, d1_ref, w_ref, y_ref, dinv_ref):
    deg = d0_ref[...] + d1_ref[...]
    dinv = lax.rsqrt(jnp.maximum(deg, 1e-12))
    d1 = dinv[:, 0:1]
    y_ref[...] = jnp.dot(x_ref[...], w_ref[...],
                         preferred_element_type=jnp.float32) * d1
    dinv_ref[...] = dinv


def _tc_pre(x, d0, d1, W0):
    return pl.pallas_call(
        _tc_pre_body,
        grid=(_GRID,),
        in_specs=[_row_spec(D), _row_spec(16), _row_spec(16),
                  _full_spec(D, D)],
        out_specs=[_row_spec(D), _row_spec(16)],
        out_shape=[jax.ShapeDtypeStruct((PAD_ROWS, D), jnp.float32),
                   jax.ShapeDtypeStruct((PAD_ROWS, 16), jnp.float32)],
    )(x, d0, d1, W0)


def _tc_mid_body(p0_ref, p1_ref, dinv_ref, b_ref, w_ref, y_ref):
    d1 = dinv_ref[:, 0:1]
    t = jnp.maximum((p0_ref[...] + p1_ref[...]) * d1 + b_ref[...], 0.0)
    y_ref[...] = jnp.dot(t, w_ref[...],
                         preferred_element_type=jnp.float32) * d1


def _tc_mid(p, dinv16, b, W):
    return pl.pallas_call(
        _tc_mid_body,
        grid=(_GRID,),
        in_specs=[_row_spec(D), _row_spec(D), _row_spec(16),
                  _full_spec(1, D), _full_spec(D, D)],
        out_specs=_row_spec(D),
        out_shape=jax.ShapeDtypeStruct((PAD_ROWS, D), jnp.float32),
    )(p[0], p[1], dinv16, b, W)


def _tc_final_body(p0_ref, p1_ref, dinv_ref, b_ref, wl_ref, bl_ref, o_ref):
    d1 = dinv_ref[:, 0:1]
    t = jnp.maximum((p0_ref[...] + p1_ref[...]) * d1 + b_ref[...], 0.0)
    o_ref[...] = jnp.dot(t, wl_ref[...],
                         preferred_element_type=jnp.float32) + bl_ref[...]


def _tc_final(p, dinv16, b, Wl, bl):
    fb = 2000

    def fspec(w):
        return pl.BlockSpec((fb, w), lambda i: (i, 0))

    return pl.pallas_call(
        _tc_final_body,
        grid=(N // fb,),
        in_specs=[fspec(D), fspec(D), fspec(16), _full_spec(1, D),
                  _full_spec(D, 1), _full_spec(1, 1)],
        out_specs=fspec(1),
        out_shape=jax.ShapeDtypeStruct((N, 1), jnp.float32),
    )(p[0], p[1], dinv16, b, Wl, bl)



def kernel(x, edge_index, W0, b0, W1, b1, W2, b2, Wl, bl):
    loops = jnp.arange(N, dtype=jnp.int32)
    src = jnp.concatenate([edge_index[0].astype(jnp.int32), loops])
    dst = jnp.concatenate([edge_index[1].astype(jnp.int32), loops])
    pad = E_PAD - E_TOT
    src = jnp.concatenate([src, jnp.zeros((pad,), jnp.int32)])
    dst = jnp.concatenate([dst, jnp.full((pad,), DUMMY, jnp.int32)])
    src_rows = src.reshape(NW, ROWS_PER_TILE, LANE)
    dst_rows = dst.reshape(NW, ROWS_PER_TILE, LANE)

    zeros16 = jnp.zeros((PAD_ROWS, 16), jnp.float32)
    ones16 = jnp.ones((LANE, 16), jnp.float32)
    zeros = jnp.zeros((PAD_ROWS, D), jnp.float32)

    degp = _sc_degree(dst_rows, zeros16, ones16)
    y, dinv16 = _tc_pre(x, degp[0], degp[1], W0)

    p = _sc_edge_pass(y, src_rows, dst_rows, zeros)
    y = _tc_mid(p, dinv16, b0.reshape(1, D), W1)

    p = _sc_edge_pass(y, src_rows, dst_rows, zeros)
    y = _tc_mid(p, dinv16, b1.reshape(1, D), W2)

    p = _sc_edge_pass(y, src_rows, dst_rows, zeros)
    return _tc_final(p, dinv16, b2.reshape(1, D), Wl, bl.reshape(1, 1))

# --- scband reference (transcript-rebuilt; emitter-appended) ---
"""Pipeline reference for scband-critic-gnn-35502199669066 (READ-ONLY COPY).

The authoritative reference and input builder live on the scoring server;
editing this copy changes nothing except your own understanding.
"""

import jax, jax.numpy as jnp
import numpy as np

N_NODES = 10000
N_EDGES = 320000
D_IN = 128
D_H = 128


def _glorot(key, shape):
    fan_in, fan_out = shape[0], shape[1]
    scale = jnp.sqrt(2.0 / (fan_in + fan_out))
    return jax.random.normal(key, shape, dtype=jnp.float32) * scale


def _gcn_conv(x, W, b, src, dst, n_nodes):
    # GCNConv (PyG semantics): h = W x; out_i = sum_j norm_ij * h_j + b
    # with self-loops already included in (src, dst) and symmetric normalization.
    h = x @ W
    ones = jnp.ones(src.shape[0], dtype=x.dtype)
    deg = jnp.zeros((n_nodes,), dtype=x.dtype).at[dst].add(ones)
    dinv = jnp.where(deg > 0, jax.lax.rsqrt(jnp.maximum(deg, 1e-12)), 0.0)
    norm = dinv[src] * dinv[dst]
    msgs = h[src] * norm[:, None]
    out = jnp.zeros((n_nodes, h.shape[1]), dtype=x.dtype).at[dst].add(msgs)
    return out + b


def setup_inputs(seed: int = 0) -> dict:
    key = jax.random.key(seed)
    ks = jax.random.split(key, 12)
    x = jax.random.normal(ks[0], (N_NODES, D_IN), dtype=jnp.float32)
    edge_index = jax.random.randint(ks[1], (2, N_EDGES), 0, N_NODES, dtype=jnp.int32)
    W0 = _glorot(ks[2], (D_IN, D_H))
    b0 = jnp.zeros((D_H,), dtype=jnp.float32)
    W1 = _glorot(ks[3], (D_H, D_H))
    b1 = jnp.zeros((D_H,), dtype=jnp.float32)
    W2 = _glorot(ks[4], (D_H, D_H))
    b2 = jnp.zeros((D_H,), dtype=jnp.float32)
    Wl = _glorot(ks[5], (D_H, 1))
    bl = jnp.zeros((1,), dtype=jnp.float32)
    return {"x": x, "edge_index": edge_index, "W0": W0, "b0": b0,
            "W1": W1, "b1": b1, "W2": W2, "b2": b2, "Wl": Wl, "bl": bl}


def reference(x, edge_index, W0, b0, W1, b1, W2, b2, Wl, bl):
    n = x.shape[0]
    loops = jnp.arange(n, dtype=edge_index.dtype)
    src = jnp.concatenate([edge_index[0], loops])
    dst = jnp.concatenate([edge_index[1], loops])
    h = jax.nn.relu(_gcn_conv(x, W0, b0, src, dst, n))
    h = jax.nn.relu(_gcn_conv(h, W1, b1, src, dst, n))
    h = jax.nn.relu(_gcn_conv(h, W2, b2, src, dst, n))
    return h @ Wl + bl

if __name__ == "__main__":
    import jax
    _d = setup_inputs()
    print(jax.jit(kernel)(*tuple(_d.values())))

</pallas_src>

<mosaic_0001>
#map = affine_map<(d0, d1) -> (0, 0, 0)>
#map1 = affine_map<(d0, d1) -> (0, 0)>
module attributes {stable_mosaic.version = 14 : i64} {
  func.func @_sc_degree(%arg0: i32, %arg1: i32, %arg2: memref<32x82x128xi32, #tpu.memory_space<hbm>>, %arg3: memref<10112x16xf32, #tpu.memory_space<hbm>>, %arg4: memref<128x16xf32, #tpu.memory_space<hbm>>, %arg5: memref<2x10112x16xf32, #tpu.memory_space<hbm>>, %arg6: memref<10112x16xf32, #tpu.memory_space<vmem_shared>>, %arg7: memref<82x128xi32, #tpu.memory_space<vmem>>, %arg8: memref<128x16xf32, #tpu.memory_space<vmem>>, %arg9: memref<!tpu.dma_semaphore, #tpu.memory_space<semaphore_mem>>, %arg10: memref<!tpu.dma_semaphore, #tpu.memory_space<semaphore_mem>>) attributes {dimension_semantics = [#tpu.dimension_semantics<core_parallel>, #tpu.dimension_semantics<subcore_parallel>], iteration_bounds = array<i64: 2, 16>, scalar_prefetch = 0 : i64, scratch_operands = 5 : i64, tpu.core_type = #tpu.core_type<sc_vector_subcore>, window_params = [{transform_indices = #map}, {transform_indices = #map1}, {transform_indices = #map1}, {transform_indices = #map}]} {
    %mul3A = arith.constant 16 : i32
    %mul3A_0 = arith.muli %arg0, %mul3A : i32
    %add3A = arith.addi %mul3A_0, %arg1 : i32
    %mul3A_1 = arith.constant 632 : i32
    %mul3A_2 = arith.muli %arg1, %mul3A_1 : i32
    %mul3A_3 = arith.constant 632 : i32
    %mul3A_4 = arith.muli %arg1, %mul3A_3 : i32
    "tpu.region"() ({
      %run_scoped3A = tpu.sem_alloc : memref<!tpu.dma_semaphore, #tpu.memory_space<semaphore_mem>>
      %dma_start3A_21 = arith.constant 0 : i32
      %dma_start3A_22 = tpu.memref_slice %arg6[%mul3A_4, %dma_start3A_21] : memref<10112x16xf32, #tpu.memory_space<vmem_shared>> -> memref<632x16xf32, #tpu.memory_space<vmem_shared>>
      %dma_start3A_23 = arith.constant 0 : i32
      %dma_start3A_24 = tpu.memref_slice %arg3[%mul3A_2, %dma_start3A_23] : memref<10112x16xf32, #tpu.memory_space<hbm>> -> memref<632x16xf32, #tpu.memory_space<hbm>>
      tpu.enqueue_dma source(%dma_start3A_24 : memref<632x16xf32, #tpu.memory_space<hbm>>) target(%dma_start3A_22 : memref<632x16xf32, #tpu.memory_space<vmem_shared>>) target_semaphore(%run_scoped3A : memref<!tpu.dma_semaphore, #tpu.memory_space<semaphore_mem>>)
      %dma_wait3A = arith.constant 0 : i32
      %dma_wait3A_25 = tpu.memref_slice %arg6[%mul3A_4, %dma_wait3A] : memref<10112x16xf32, #tpu.memory_space<vmem_shared>> -> memref<632x16xf32, #tpu.memory_space<vmem_shared>>
      %dma_wait3A_26 = arith.constant 0 : i32
      %dma_wait3A_27 = tpu.memref_slice %arg3[%mul3A_2, %dma_wait3A_26] : memref<10112x16xf32, #tpu.memory_space<hbm>> -> memref<632x16xf32, #tpu.memory_space<hbm>>
      tpu.wait_dma2 semaphore(%run_scoped3A : memref<!tpu.dma_semaphore, #tpu.memory_space<semaphore_mem>>) src(%dma_wait3A_27 : memref<632x16xf32, #tpu.memory_space<hbm>>) dst(%dma_wait3A_25 : memref<632x16xf32, #tpu.memory_space<vmem_shared>>)
      tpu.yield
    }) : () -> ()
    "tpu.region"() ({
      %run_scoped3A = tpu.sem_alloc : memref<!tpu.dma_semaphore, #tpu.memory_space<semaphore_mem>>
      %dma_start3A_21 = arith.constant 0 : i32
      %dma_start3A_22 = arith.constant 0 : i32
      %dma_start3A_23 = tpu.memref_slice %arg2[%add3A, %dma_start3A_21, %dma_start3A_22] : memref<32x82x128xi32, #tpu.memory_space<hbm>> -> memref<1x82x128xi32, #tpu.memory_space<hbm>>
      %dma_start3A_24 = tpu.memref_squeeze %dma_start3A_23 : memref<1x82x128xi32, #tpu.memory_space<hbm>> -> memref<82x128xi32, #tpu.memory_space<hbm>>
      %dma_start3A_25 = arith.constant 0 : i32
      %dma_start3A_26 = arith.constant 0 : i32
      %dma_start3A_27 = tpu.memref_slice %arg2[%add3A, %dma_start3A_25, %dma_start3A_26] : memref<32x82x128xi32, #tpu.memory_space<hbm>> -> memref<1x82x128xi32, #tpu.memory_space<hbm>>
      %dma_start3A_28 = tpu.memref_squeeze %dma_start3A_27 : memref<1x82x128xi32, #tpu.memory_space<hbm>> -> memref<82x128xi32, #tpu.memory_space<hbm>>
      tpu.enqueue_dma source(%dma_start3A_28 : memref<82x128xi32, #tpu.memory_space<hbm>>) target(%arg7 : memref<82x128xi32, #tpu.memory_space<vmem>>) target_semaphore(%run_scoped3A : memref<!tpu.dma_semaphore, #tpu.memory_space<semaphore_mem>>)
      %dma_wait3A = arith.constant 0 : i32
      %dma_wait3A_29 = arith.constant 0 : i32
      %dma_wait3A_30 = tpu.memref_slice %arg2[%add3A, %dma_wait3A, %dma_wait3A_29] : memref<32x82x128xi32, #tpu.memory_space<hbm>> -> memref<1x82x128xi32, #tpu.memory_space<hbm>>
      %dma_wait3A_31 = tpu.memref_squeeze %dma_wait3A_30 : memref<1x82x128xi32, #tpu.memory_space<hbm>> -> memref<82x128xi32, #tpu.memory_space<hbm>>
      %dma_wait3A_32 = arith.constant 0 : i32
      %dma_wait3A_33 = arith.constant 0 : i32
      %dma_wait3A_34 = tpu.memref_slice %arg2[%add3A, %dma_wait3A_32, %dma_wait3A_33] : memref<32x82x128xi32, #tpu.memory_space<hbm>> -> memref<1x82x128xi32, #tpu.memory_space<hbm>>
      %dma_wait3A_35 = tpu.memref_squeeze %dma_wait3A_34 : memref<1x82x128xi32, #tpu.memory_space<hbm>> -> memref<82x128xi32, #tpu.memory_space<hbm>>
      tpu.wait_dma2 semaphore(%run_scoped3A : memref<!tpu.dma_semaphore, #tpu.memory_space<semaphore_mem>>) src(%dma_wait3A_35 : memref<82x128xi32, #tpu.memory_space<hbm>>) dst(%arg7 : memref<82x128xi32, #tpu.memory_space<vmem>>)
      tpu.yield
    }) : () -> ()
    "tpu.region"() ({
      %run_scoped3A = tpu.sem_alloc : memref<!tpu.dma_semaphore, #tpu.memory_space<semaphore_mem>>
      tpu.enqueue_dma source(%arg4 : memref<128x16xf32, #tpu.memory_space<hbm>>) target(%arg8 : memref<128x16xf32, #tpu.memory_space<vmem>>) target_semaphore(%run_scoped3A : memref<!tpu.dma_semaphore, #tpu.memory_space<semaphore_mem>>)
      tpu.wait_dma2 semaphore(%run_scoped3A : memref<!tpu.dma_semaphore, #tpu.memory_space<semaphore_mem>>) src(%arg4 : memref<128x16xf32, #tpu.memory_space<hbm>>) dst(%arg8 : memref<128x16xf32, #tpu.memory_space<vmem>>)
      tpu.yield
    }) : () -> ()
    %barrier3A = arith.constant 0 : index
    tpu.barrier barrier_id(%barrier3A)
    %dma_start3A = arith.constant 0 : i32
    %dma_start3A_5 = arith.constant 0 : i32
    %dma_start3A_6 = tpu.memref_slice %arg7[%dma_start3A, %dma_start3A_5] : memref<82x128xi32, #tpu.memory_space<vmem>> -> memref<1x128xi32, #tpu.memory_space<vmem>>
    %dma_start3A_7 = tpu.memref_squeeze %dma_start3A_6 : memref<1x128xi32, #tpu.memory_space<vmem>> -> memref<128xi32, #tpu.memory_space<vmem>>
    %dma_start3A_8 = arith.constant 0 : i32
    %dma_start3A_9 = arith.constant 0 : i32
    %dma_start3A_10 = tpu.memref_slice %arg6[%dma_start3A_8, %dma_start3A_9] : memref<10112x16xf32, #tpu.memory_space<vmem_shared>> -> memref<10112x16xf32, #tpu.memory_space<vmem_shared>>
    tpu.enqueue_indirect_dma source(%arg8 : memref<128x16xf32, #tpu.memory_space<vmem>>) target(%dma_start3A_10 : memref<10112x16xf32, #tpu.memory_space<vmem_shared>>) offsets(%dma_start3A_7 : memref<128xi32, #tpu.memory_space<vmem>>) semaphore(%arg9 : memref<!tpu.dma_semaphore, #tpu.memory_space<semaphore_mem>>) {add = true}
    %scan3A = arith.constant 0 : i32
    %scan3A_11 = arith.constant 0 : i32
    %scan3A_12 = arith.constant 41 : i32
    %scan3A_13 = arith.addi %scan3A_11, %scan3A_12 : i32
    %scan3A_14 = arith.constant 1 : i32
    scf.for %scan3A_21 = %scan3A_11 to %scan3A_13 step %scan3A_14  : i32 {
      %mul3A_22 = arith.constant 2 : i32
      %mul3A_23 = arith.muli %mul3A_22, %scan3A_21 : i32
      %add3A_24 = arith.constant 1 : i32
      %add3A_25 = arith.addi %mul3A_23, %add3A_24 : i32
      %dma_start3A_26 = arith.constant 0 : i32
      %dma_start3A_27 = tpu.memref_slice %arg7[%add3A_25, %dma_start3A_26] : memref<82x128xi32, #tpu.memory_space<vmem>> -> memref<1x128xi32, #tpu.memory_space<vmem>>
      %dma_start3A_28 = tpu.memref_squeeze %dma_start3A_27 : memref<1x128xi32, #tpu.memory_space<vmem>> -> memref<128xi32, #tpu.memory_space<vmem>>
      %dma_start3A_29 = arith.constant 0 : i32
      %dma_start3A_30 = arith.constant 0 : i32
      %dma_start3A_31 = tpu.memref_slice %arg6[%dma_start3A_29, %dma_start3A_30] : memref<10112x16xf32, #tpu.memory_space<vmem_shared>> -> memref<10112x16xf32, #tpu.memory_space<vmem_shared>>
      tpu.enqueue_indirect_dma source(%arg8 : memref<128x16xf32, #tpu.memory_space<vmem>>) target(%dma_start3A_31 : memref<10112x16xf32, #tpu.memory_space<vmem_shared>>) offsets(%dma_start3A_28 : memref<128xi32, #tpu.memory_space<vmem>>) semaphore(%arg10 : memref<!tpu.dma_semaphore, #tpu.memory_space<semaphore_mem>>) {add = true}
      %dma_wait3A = arith.constant 0 : i32
      %dma_wait3A_32 = tpu.memref_slice %arg7[%mul3A_23, %dma_wait3A] : memref<82x128xi32, #tpu.memory_space<vmem>> -> memref<1x128xi32, #tpu.memory_space<vmem>>
      %dma_wait3A_33 = tpu.memref_squeeze %dma_wait3A_32 : memref<1x128xi32, #tpu.memory_space<vmem>> -> memref<128xi32, #tpu.memory_space<vmem>>
      %dma_wait3A_34 = arith.constant 0 : i32
      %dma_wait3A_35 = arith.constant 0 : i32
      %dma_wait3A_36 = tpu.memref_slice %arg6[%dma_wait3A_34, %dma_wait3A_35] : memref<10112x16xf32, #tpu.memory_space<vmem_shared>> -> memref<10112x16xf32, #tpu.memory_space<vmem_shared>>
      tpu.wait_indirect_dma semaphore(%arg9 : memref<!tpu.dma_semaphore, #tpu.memory_space<semaphore_mem>>) src(%arg8 : memref<128x16xf32, #tpu.memory_space<vmem>>) dst(%dma_wait3A_36 : memref<10112x16xf32, #tpu.memory_space<vmem_shared>>)
      %lt3A = arith.constant 40 : i32
      %lt3A_37 = arith.cmpi slt, %scan3A_21, %lt3A : i32
      %convert_element_type3A = arith.extui %lt3A_37 : i1 to i32
      %cond3A = arith.constant 0 : i32
      %cond3A_38 = arith.cmpi ne, %convert_element_type3A, %cond3A : i32
      scf.if %cond3A_38 {
        %add3A_45 = arith.constant 2 : i32
        %add3A_46 = arith.addi %mul3A_23, %add3A_45 : i32
        %dma_start3A_47 = arith.constant 0 : i32
        %dma_start3A_48 = tpu.memref_slice %arg7[%add3A_46, %dma_start3A_47] : memref<82x128xi32, #tpu.memory_space<vmem>> -> memref<1x128xi32, #tpu.memory_space<vmem>>
        %dma_start3A_49 = tpu.memref_squeeze %dma_start3A_48 : memref<1x128xi32, #tpu.memory_space<vmem>> -> memref<128xi32, #tpu.memory_space<vmem>>
        %dma_start3A_50 = arith.constant 0 : i32
        %dma_start3A_51 = arith.constant 0 : i32
        %dma_start3A_52 = tpu.memref_slice %arg6[%dma_start3A_50, %dma_start3A_51] : memref<10112x16xf32, #tpu.memory_space<vmem_shared>> -> memref<10112x16xf32, #tpu.memory_space<vmem_shared>>
        tpu.enqueue_indirect_dma source(%arg8 : memref<128x16xf32, #tpu.memory_space<vmem>>) target(%dma_start3A_52 : memref<10112x16xf32, #tpu.memory_space<vmem_shared>>) offsets(%dma_start3A_49 : memref<128xi32, #tpu.memory_space<vmem>>) semaphore(%arg9 : memref<!tpu.dma_semaphore, #tpu.memory_space<semaphore_mem>>) {add = true}
      } else {
      }
      %dma_wait3A_39 = arith.constant 0 : i32
      %dma_wait3A_40 = tpu.memref_slice %arg7[%add3A_25, %dma_wait3A_39] : memref<82x128xi32, #tpu.memory_space<vmem>> -> memref<1x128xi32, #tpu.memory_space<vmem>>
      %dma_wait3A_41 = tpu.memref_squeeze %dma_wait3A_40 : memref<1x128xi32, #tpu.memory_space<vmem>> -> memref<128xi32, #tpu.memory_space<vmem>>
      %dma_wait3A_42 = arith.constant 0 : i32
      %dma_wait3A_43 = arith.constant 0 : i32
      %dma_wait3A_44 = tpu.memref_slice %arg6[%dma_wait3A_42, %dma_wait3A_43] : memref<10112x16xf32, #tpu.memory_space<vmem_shared>> -> memref<10112x16xf32, #tpu.memory_space<vmem_shared>>
      tpu.wait_indirect_dma semaphore(%arg10 : memref<!tpu.dma_semaphore, #tpu.memory_space<semaphore_mem>>) src(%arg8 : memref<128x16xf32, #tpu.memory_space<vmem>>) dst(%dma_wait3A_44 : memref<10112x16xf32, #tpu.memory_space<vmem_shared>>)
    }
    %scan3A_15 = arith.constant 41 : i32
    %barrier3A_16 = arith.constant 0 : index
    tpu.barrier barrier_id(%barrier3A_16)
    %mul3A_17 = arith.constant 632 : i32
    %mul3A_18 = arith.muli %arg1, %mul3A_17 : i32
    %mul3A_19 = arith.constant 632 : i32
    %mul3A_20 = arith.muli %arg1, %mul3A_19 : i32
    "tpu.region"() ({
      %run_scoped3A = tpu.sem_alloc : memref<!tpu.dma_semaphore, #tpu.memory_space<semaphore_mem>>
      %dma_start3A_21 = arith.constant 0 : i32
      %dma_start3A_22 = arith.constant 0 : i32
      %dma_start3A_23 = tpu.memref_slice %arg5[%arg0, %dma_start3A_21, %dma_start3A_22] : memref<2x10112x16xf32, #tpu.memory_space<hbm>> -> memref<1x10112x16xf32, #tpu.memory_space<hbm>>
      %dma_start3A_24 = tpu.memref_squeeze %dma_start3A_23 : memref<1x10112x16xf32, #tpu.memory_space<hbm>> -> memref<10112x16xf32, #tpu.memory_space<hbm>>
      %dma_start3A_25 = arith.constant 0 : i32
      %dma_start3A_26 = tpu.memref_slice %dma_start3A_24[%mul3A_20, %dma_start3A_25] : memref<10112x16xf32, #tpu.memory_space<hbm>> -> memref<632x16xf32, #tpu.memory_space<hbm>>
      %dma_start3A_27 = arith.constant 0 : i32
      %dma_start3A_28 = tpu.memref_slice %arg6[%mul3A_18, %dma_start3A_27] : memref<10112x16xf32, #tpu.memory_space<vmem_shared>> -> memref<632x16xf32, #tpu.memory_space<vmem_shared>>
      tpu.enqueue_dma source(%dma_start3A_28 : memref<632x16xf32, #tpu.memory_space<vmem_shared>>) target(%dma_start3A_26 : memref<632x16xf32, #tpu.memory_space<hbm>>) target_semaphore(%run_scoped3A : memref<!tpu.dma_semaphore, #tpu.memory_space<semaphore_mem>>)
      %dma_wait3A = arith.constant 0 : i32
      %dma_wait3A_29 = arith.constant 0 : i32
      %dma_wait3A_30 = tpu.memref_slice %arg5[%arg0, %dma_wait3A, %dma_wait3A_29] : memref<2x10112x16xf32, #tpu.memory_space<hbm>> -> memref<1x10112x16xf32, #tpu.memory_space<hbm>>
      %dma_wait3A_31 = tpu.memref_squeeze %dma_wait3A_30 : memref<1x10112x16xf32, #tpu.memory_space<hbm>> -> memref<10112x16xf32, #tpu.memory_space<hbm>>
      %dma_wait3A_32 = arith.constant 0 : i32
      %dma_wait3A_33 = tpu.memref_slice %dma_wait3A_31[%mul3A_20, %dma_wait3A_32] : memref<10112x16xf32, #tpu.memory_space<hbm>> -> memref<632x16xf32, #tpu.memory_space<hbm>>
      %dma_wait3A_34 = arith.constant 0 : i32
      %dma_wait3A_35 = tpu.memref_slice %arg6[%mul3A_18, %dma_wait3A_34] : memref<10112x16xf32, #tpu.memory_space<vmem_shared>> -> memref<632x16xf32, #tpu.memory_space<vmem_shared>>
      tpu.wait_dma2 semaphore(%run_scoped3A : memref<!tpu.dma_semaphore, #tpu.memory_space<semaphore_mem>>) src(%dma_wait3A_35 : memref<632x16xf32, #tpu.memory_space<vmem_shared>>) dst(%dma_wait3A_33 : memref<632x16xf32, #tpu.memory_space<hbm>>)
      tpu.yield
    }) : () -> ()
    return
  }
}

#map = affine_map<(d0, d1) -> (0, 0)>
#map1 = affine_map<(d0, d1) -> (0, 0, 0)>
module attributes {stable_mosaic.version = 14 : i64} {
  func.func @_sc_edge_pass(%arg0: i32, %arg1: i32, %arg2: memref<10112x128xf32, #tpu.memory_space<hbm>>, %arg3: memref<32x82x128xi32, #tpu.memory_space<hbm>>, %arg4: memref<32x82x128xi32, #tpu.memory_space<hbm>>, %arg5: memref<10112x128xf32, #tpu.memory_space<hbm>>, %arg6: memref<2x10112x128xf32, #tpu.memory_space<hbm>>, %arg7: memref<335872x128xf32, #tpu.memory_space<hbm>>, %arg8: memref<10112x128xf32, #tpu.memory_space<vmem_shared>>, %arg9: memref<82x128xi32, #tpu.memory_space<vmem>>, %arg10: memref<128x128xf32, #tpu.memory_space<vmem>>, %arg11: memref<128x128xf32, #tpu.memory_space<vmem>>, %arg12: memref<!tpu.dma_semaphore, #tpu.memory_space<semaphore_mem>>, %arg13: memref<!tpu.dma_semaphore, #tpu.memory_space<semaphore_mem>>, %arg14: memref<!tpu.dma_semaphore, #tpu.memory_space<semaphore_mem>>, %arg15: memref<!tpu.dma_semaphore, #tpu.memory_space<semaphore_mem>>) attributes {dimension_semantics = [#tpu.dimension_semantics<core_parallel>, #tpu.dimension_semantics<subcore_parallel>], iteration_bounds = array<i64: 2, 16>, scalar_prefetch = 0 : i64, scratch_operands = 9 : i64, tpu.core_type = #tpu.core_type<sc_vector_subcore>, window_params = [{transform_indices = #map}, {transform_indices = #map1}, {transform_indices = #map1}, {transform_indices = #map}, {transform_indices = #map1}]} {
    %mul3A = arith.constant 16 : i32
    %mul3A_0 = arith.muli %arg0, %mul3A : i32
    %add3A = arith.addi %mul3A_0, %arg1 : i32
    %mul3A_1 = arith.constant 82 : i32
    %mul3A_2 = arith.muli %add3A, %mul3A_1 : i32
    %mul3A_3 = arith.constant 128 : i32
    %mul3A_4 = arith.muli %mul3A_2, %mul3A_3 : i32
    %mul3A_5 = arith.constant 632 : i32
    %mul3A_6 = arith.muli %arg1, %mul3A_5 : i32
    "tpu.region"() ({
      %run_scoped3A = tpu.sem_alloc : memref<!tpu.dma_semaphore, #tpu.memory_space<semaphore_mem>>
      %dma_start3A_36 = arith.constant 0 : i32
      %dma_start3A_37 = tpu.memref_slice %arg8[%mul3A_6, %dma_start3A_36] : memref<10112x128xf32, #tpu.memory_space<vmem_shared>> -> memref<632x128xf32, #tpu.memory_space<vmem_shared>>
      %dma_start3A_38 = arith.constant 0 : i32
      %dma_start3A_39 = tpu.memref_slice %arg2[%mul3A_6, %dma_start3A_38] : memref<10112x128xf32, #tpu.memory_space<hbm>> -> memref<632x128xf32, #tpu.memory_space<hbm>>
      tpu.enqueue_dma source(%dma_start3A_39 : memref<632x128xf32, #tpu.memory_space<hbm>>) target(%dma_start3A_37 : memref<632x128xf32, #tpu.memory_space<vmem_shared>>) target_semaphore(%run_scoped3A : memref<!tpu.dma_semaphore, #tpu.memory_space<semaphore_mem>>)
      %dma_wait3A_40 = arith.constant 0 : i32
      %dma_wait3A_41 = tpu.memref_slice %arg8[%mul3A_6, %dma_wait3A_40] : memref<10112x128xf32, #tpu.memory_space<vmem_shared>> -> memref<632x128xf32, #tpu.memory_space<vmem_shared>>
      %dma_wait3A_42 = arith.constant 0 : i32
      %dma_wait3A_43 = tpu.memref_slice %arg2[%mul3A_6, %dma_wait3A_42] : memref<10112x128xf32, #tpu.memory_space<hbm>> -> memref<632x128xf32, #tpu.memory_space<hbm>>
      tpu.wait_dma2 semaphore(%run_scoped3A : memref<!tpu.dma_semaphore, #tpu.memory_space<semaphore_mem>>) src(%dma_wait3A_43 : memref<632x128xf32, #tpu.memory_space<hbm>>) dst(%dma_wait3A_41 : memref<632x128xf32, #tpu.memory_space<vmem_shared>>)
      tpu.yield
    }) : () -> ()
    "tpu.region"() ({
      %run_scoped3A = tpu.sem_alloc : memref<!tpu.dma_semaphore, #tpu.memory_space<semaphore_mem>>
      %dma_start3A_36 = arith.constant 0 : i32
      %dma_start3A_37 = arith.constant 0 : i32
      %dma_start3A_38 = tpu.memref_slice %arg3[%add3A, %dma_start3A_36, %dma_start3A_37] : memref<32x82x128xi32, #tpu.memory_space<hbm>> -> memref<1x82x128xi32, #tpu.memory_space<hbm>>
      %dma_start3A_39 = tpu.memref_squeeze %dma_start3A_38 : memref<1x82x128xi32, #tpu.memory_space<hbm>> -> memref<82x128xi32, #tpu.memory_space<hbm>>
      %dma_start3A_40 = arith.constant 0 : i32
      %dma_start3A_41 = arith.constant 0 : i32
      %dma_start3A_42 = tpu.memref_slice %arg3[%add3A, %dma_start3A_40, %dma_start3A_41] : memref<32x82x128xi32, #tpu.memory_space<hbm>> -> memref<1x82x128xi32, #tpu.memory_space<hbm>>
      %dma_start3A_43 = tpu.memref_squeeze %dma_start3A_42 : memref<1x82x128xi32, #tpu.memory_space<hbm>> -> memref<82x128xi32, #tpu.memory_space<hbm>>
      tpu.enqueue_dma source(%dma_start3A_43 : memref<82x128xi32, #tpu.memory_space<hbm>>) target(%arg9 : memref<82x128xi32, #tpu.memory_space<vmem>>) target_semaphore(%run_scoped3A : memref<!tpu.dma_semaphore, #tpu.memory_space<semaphore_mem>>)
      %dma_wait3A_44 = arith.constant 0 : i32
      %dma_wait3A_45 = arith.constant 0 : i32
      %dma_wait3A_46 = tpu.memref_slice %arg3[%add3A, %dma_wait3A_44, %dma_wait3A_45] : memref<32x82x128xi32, #tpu.memory_space<hbm>> -> memref<1x82x128xi32, #tpu.memory_space<hbm>>
      %dma_wait3A_47 = tpu.memref_squeeze %dma_wait3A_46 : memref<1x82x128xi32, #tpu.memory_space<hbm>> -> memref<82x128xi32, #tpu.memory_space<hbm>>
      %dma_wait3A_48 = arith.constant 0 : i32
      %dma_wait3A_49 = arith.constant 0 : i32
      %dma_wait3A_50 = tpu.memref_slice %arg3[%add3A, %dma_wait3A_48, %dma_wait3A_49] : memref<32x82x128xi32, #tpu.memory_space<hbm>> -> memref<1x82x128xi32, #tpu.memory_space<hbm>>
      %dma_wait3A_51 = tpu.memref_squeeze %dma_wait3A_50 : memref<1x82x128xi32, #tpu.memory_space<hbm>> -> memref<82x128xi32, #tpu.memory_space<hbm>>
      tpu.wait_dma2 semaphore(%run_scoped3A : memref<!tpu.dma_semaphore, #tpu.memory_space<semaphore_mem>>) src(%dma_wait3A_51 : memref<82x128xi32, #tpu.memory_space<hbm>>) dst(%arg9 : memref<82x128xi32, #tpu.memory_space<vmem>>)
      tpu.yield
    }) : () -> ()
    %barrier3A = arith.constant 0 : index
    tpu.barrier barrier_id(%barrier3A)
    %dma_start3A = arith.constant 0 : i32
    %dma_start3A_7 = arith.constant 0 : i32
    %dma_start3A_8 = tpu.memref_slice %arg9[%dma_start3A, %dma_start3A_7] : memref<82x128xi32, #tpu.memory_space<vmem>> -> memref<1x128xi32, #tpu.memory_space<vmem>>
    %dma_start3A_9 = tpu.memref_squeeze %dma_start3A_8 : memref<1x128xi32, #tpu.memory_space<vmem>> -> memref<128xi32, #tpu.memory_space<vmem>>
    %dma_start3A_10 = arith.constant 0 : i32
    %dma_start3A_11 = arith.constant 0 : i32
    %dma_start3A_12 = tpu.memref_slice %arg8[%dma_start3A_10, %dma_start3A_11] : memref<10112x128xf32, #tpu.memory_space<vmem_shared>> -> memref<10112x128xf32, #tpu.memory_space<vmem_shared>>
    tpu.enqueue_indirect_dma source(%dma_start3A_12 : memref<10112x128xf32, #tpu.memory_space<vmem_shared>>) target(%arg10 : memref<128x128xf32, #tpu.memory_space<vmem>>) offsets(%dma_start3A_9 : memref<128xi32, #tpu.memory_space<vmem>>) semaphore(%arg12 : memref<!tpu.dma_semaphore, #tpu.memory_space<semaphore_mem>>)
    %scan3A = arith.constant 0 : i32
    %scan3A_13 = arith.constant 0 : i32
    %scan3A_14 = arith.constant 41 : i32
    %scan3A_15 = arith.addi %scan3A_13, %scan3A_14 : i32
    %scan3A_16 = arith.constant 1 : i32
    scf.for %scan3A_36 = %scan3A_13 to %scan3A_15 step %scan3A_16  : i32 {
      %mul3A_37 = arith.constant 2 : i32
      %mul3A_38 = arith.muli %mul3A_37, %scan3A_36 : i32
      %add3A_39 = arith.constant 1 : i32
      %add3A_40 = arith.addi %mul3A_38, %add3A_39 : i32
      %dma_wait3A_41 = arith.constant 0 : i32
      %dma_wait3A_42 = tpu.memref_slice %arg9[%mul3A_38, %dma_wait3A_41] : memref<82x128xi32, #tpu.memory_space<vmem>> -> memref<1x128xi32, #tpu.memory_space<vmem>>
      %dma_wait3A_43 = tpu.memref_squeeze %dma_wait3A_42 : memref<1x128xi32, #tpu.memory_space<vmem>> -> memref<128xi32, #tpu.memory_space<vmem>>
      %dma_wait3A_44 = arith.constant 0 : i32
      %dma_wait3A_45 = arith.constant 0 : i32
      %dma_wait3A_46 = tpu.memref_slice %arg8[%dma_wait3A_44, %dma_wait3A_45] : memref<10112x128xf32, #tpu.memory_space<vmem_shared>> -> memref<10112x128xf32, #tpu.memory_space<vmem_shared>>
      tpu.wait_indirect_dma semaphore(%arg12 : memref<!tpu.dma_semaphore, #tpu.memory_space<semaphore_mem>>) src(%dma_wait3A_46 : memref<10112x128xf32, #tpu.memory_space<vmem_shared>>) dst(%arg10 : memref<128x128xf32, #tpu.memory_space<vmem>>)
      %gt3A = arith.constant 0 : i32
      %gt3A_47 = arith.cmpi sgt, %scan3A_36, %gt3A : i32
      %convert_element_type3A = arith.extui %gt3A_47 : i1 to i32
      %cond3A = arith.constant 0 : i32
      %cond3A_48 = arith.cmpi ne, %convert_element_type3A, %cond3A : i32
      scf.if %cond3A_48 {
        %dma_wait3A_85 = arith.constant 0 : i32
        %dma_wait3A_86 = arith.constant 0 : i32
        %dma_wait3A_87 = tpu.memref_slice %arg7[%dma_wait3A_85, %dma_wait3A_86] : memref<335872x128xf32, #tpu.memory_space<hbm>> -> memref<128x128xf32, #tpu.memory_space<hbm>>
        %dma_wait3A_88 = arith.constant 0 : i32
        %dma_wait3A_89 = arith.constant 0 : i32
        %dma_wait3A_90 = tpu.memref_slice %arg7[%dma_wait3A_88, %dma_wait3A_89] : memref<335872x128xf32, #tpu.memory_space<hbm>> -> memref<128x128xf32, #tpu.memory_space<hbm>>
        tpu.wait_dma2 semaphore(%arg15 : memref<!tpu.dma_semaphore, #tpu.memory_space<semaphore_mem>>) src(%arg11 : memref<128x128xf32, #tpu.memory_space<vmem>>) dst(%dma_wait3A_90 : memref<128x128xf32, #tpu.memory_space<hbm>>)
      } else {
      }
      %dma_start3A_49 = arith.constant 0 : i32
      %dma_start3A_50 = tpu.memref_slice %arg9[%add3A_40, %dma_start3A_49] : memref<82x128xi32, #tpu.memory_space<vmem>> -> memref<1x128xi32, #tpu.memory_space<vmem>>
      %dma_start3A_51 = tpu.memref_squeeze %dma_start3A_50 : memref<1x128xi32, #tpu.memory_space<vmem>> -> memref<128xi32, #tpu.memory_space<vmem>>
      %dma_start3A_52 = arith.constant 0 : i32
      %dma_start3A_53 = arith.constant 0 : i32
      %dma_start3A_54 = tpu.memref_slice %arg8[%dma_start3A_52, %dma_start3A_53] : memref<10112x128xf32, #tpu.memory_space<vmem_shared>> -> memref<10112x128xf32, #tpu.memory_space<vmem_shared>>
      tpu.enqueue_indirect_dma source(%dma_start3A_54 : memref<10112x128xf32, #tpu.memory_space<vmem_shared>>) target(%arg11 : memref<128x128xf32, #tpu.memory_space<vmem>>) offsets(%dma_start3A_51 : memref<128xi32, #tpu.memory_space<vmem>>) semaphore(%arg13 : memref<!tpu.dma_semaphore, #tpu.memory_space<semaphore_mem>>)
      %mul3A_55 = arith.constant 128 : i32
      %mul3A_56 = arith.muli %mul3A_38, %mul3A_55 : i32
      %add3A_57 = arith.addi %mul3A_4, %mul3A_56 : i32
      %dma_start3A_58 = arith.constant 0 : i32
      %dma_start3A_59 = tpu.memref_slice %arg7[%add3A_57, %dma_start3A_58] : memref<335872x128xf32, #tpu.memory_space<hbm>> -> memref<128x128xf32, #tpu.memory_space<hbm>>
      %dma_start3A_60 = arith.constant 0 : i32
      %dma_start3A_61 = tpu.memref_slice %arg7[%add3A_57, %dma_start3A_60] : memref<335872x128xf32, #tpu.memory_space<hbm>> -> memref<128x128xf32, #tpu.memory_space<hbm>>
      tpu.enqueue_dma source(%arg10 : memref<128x128xf32, #tpu.memory_space<vmem>>) target(%dma_start3A_61 : memref<128x128xf32, #tpu.memory_space<hbm>>) target_semaphore(%arg14 : memref<!tpu.dma_semaphore, #tpu.memory_space<semaphore_mem>>)
      %dma_wait3A_62 = arith.constant 0 : i32
      %dma_wait3A_63 = tpu.memref_slice %arg9[%add3A_40, %dma_wait3A_62] : memref<82x128xi32, #tpu.memory_space<vmem>> -> memref<1x128xi32, #tpu.memory_space<vmem>>
      %dma_wait3A_64 = tpu.memref_squeeze %dma_wait3A_63 : memref<1x128xi32, #tpu.memory_space<vmem>> -> memref<128xi32, #tpu.memory_space<vmem>>
      %dma_wait3A_65 = arith.constant 0 : i32
      %dma_wait3A_66 = arith.constant 0 : i32
      %dma_wait3A_67 = tpu.memref_slice %arg8[%dma_wait3A_65, %dma_wait3A_66] : memref<10112x128xf32, #tpu.memory_space<vmem_shared>> -> memref<10112x128xf32, #tpu.memory_space<vmem_shared>>
      tpu.wait_indirect_dma semaphore(%arg13 : memref<!tpu.dma_semaphore, #tpu.memory_space<semaphore_mem>>) src(%dma_wait3A_67 : memref<10112x128xf32, #tpu.memory_space<vmem_shared>>) dst(%arg11 : memref<128x128xf32, #tpu.memory_space<vmem>>)
      %dma_wait3A_68 = arith.constant 0 : i32
      %dma_wait3A_69 = arith.constant 0 : i32
      %dma_wait3A_70 = tpu.memref_slice %arg7[%dma_wait3A_68, %dma_wait3A_69] : memref<335872x128xf32, #tpu.memory_space<hbm>> -> memref<128x128xf32, #tpu.memory_space<hbm>>
      %dma_wait3A_71 = arith.constant 0 : i32
      %dma_wait3A_72 = arith.constant 0 : i32
      %dma_wait3A_73 = tpu.memref_slice %arg7[%dma_wait3A_71, %dma_wait3A_72] : memref<335872x128xf32, #tpu.memory_space<hbm>> -> memref<128x128xf32, #tpu.memory_space<hbm>>
      tpu.wait_dma2 semaphore(%arg14 : memref<!tpu.dma_semaphore, #tpu.memory_space<semaphore_mem>>) src(%arg10 : memref<128x128xf32, #tpu.memory_space<vmem>>) dst(%dma_wait3A_73 : memref<128x128xf32, #tpu.memory_space<hbm>>)
      %lt3A = arith.constant 40 : i32
      %lt3A_74 = arith.cmpi slt, %scan3A_36, %lt3A : i32
      %convert_element_type3A_75 = arith.extui %lt3A_74 : i1 to i32
      %cond3A_76 = arith.constant 0 : i32
      %cond3A_77 = arith.cmpi ne, %convert_element_type3A_75, %cond3A_76 : i32
      scf.if %cond3A_77 {
        %add3A_85 = arith.constant 2 : i32
        %add3A_86 = arith.addi %mul3A_38, %add3A_85 : i32
        %dma_start3A_87 = arith.constant 0 : i32
        %dma_start3A_88 = tpu.memref_slice %arg9[%add3A_86, %dma_start3A_87] : memref<82x128xi32, #tpu.memory_space<vmem>> -> memref<1x128xi32, #tpu.memory_space<vmem>>
        %dma_start3A_89 = tpu.memref_squeeze %dma_start3A_88 : memref<1x128xi32, #tpu.memory_space<vmem>> -> memref<128xi32, #tpu.memory_space<vmem>>
        %dma_start3A_90 = arith.constant 0 : i32
        %dma_start3A_91 = arith.constant 0 : i32
        %dma_start3A_92 = tpu.memref_slice %arg8[%dma_start3A_90, %dma_start3A_91] : memref<10112x128xf32, #tpu.memory_space<vmem_shared>> -> memref<10112x128xf32, #tpu.memory_space<vmem_shared>>
        tpu.enqueue_indirect_dma source(%dma_start3A_92 : memref<10112x128xf32, #tpu.memory_space<vmem_shared>>) target(%arg10 : memref<128x128xf32, #tpu.memory_space<vmem>>) offsets(%dma_start3A_89 : memref<128xi32, #tpu.memory_space<vmem>>) semaphore(%arg12 : memref<!tpu.dma_semaphore, #tpu.memory_space<semaphore_mem>>)
      } else {
      }
      %mul3A_78 = arith.constant 128 : i32
      %mul3A_79 = arith.muli %add3A_40, %mul3A_78 : i32
      %add3A_80 = arith.addi %mul3A_4, %mul3A_79 : i32
      %dma_start3A_81 = arith.constant 0 : i32
      %dma_start3A_82 = tpu.memref_slice %arg7[%add3A_80, %dma_start3A_81] : memref<335872x128xf32, #tpu.memory_space<hbm>> -> memref<128x128xf32, #tpu.memory_space<hbm>>
      %dma_start3A_83 = arith.constant 0 : i32
      %dma_start3A_84 = tpu.memref_slice %arg7[%add3A_80, %dma_start3A_83] : memref<335872x128xf32, #tpu.memory_space<hbm>> -> memref<128x128xf32, #tpu.memory_space<hbm>>
      tpu.enqueue_dma source(%arg11 : memref<128x128xf32, #tpu.memory_space<vmem>>) target(%dma_start3A_84 : memref<128x128xf32, #tpu.memory_space<hbm>>) target_semaphore(%arg15 : memref<!tpu.dma_semaphore, #tpu.memory_space<semaphore_mem>>)
    }
    %scan3A_17 = arith.constant 41 : i32
    %dma_wait3A = arith.constant 0 : i32
    %dma_wait3A_18 = arith.constant 0 : i32
    %dma_wait3A_19 = tpu.memref_slice %arg7[%dma_wait3A, %dma_wait3A_18] : memref<335872x128xf32, #tpu.memory_space<hbm>> -> memref<128x128xf32, #tpu.memory_space<hbm>>
    %dma_wait3A_20 = arith.constant 0 : i32
    %dma_wait3A_21 = arith.constant 0 : i32
    %dma_wait3A_22 = tpu.memref_slice %arg7[%dma_wait3A_20, %dma_wait3A_21] : memref<335872x128xf32, #tpu.memory_space<hbm>> -> memref<128x128xf32, #tpu.memory_space<hbm>>
    tpu.wait_dma2 semaphore(%arg15 : memref<!tpu.dma_semaphore, #tpu.memory_space<semaphore_mem>>) src(%arg11 : memref<128x128xf32, #tpu.memory_space<vmem>>) dst(%dma_wait3A_22 : memref<128x128xf32, #tpu.memory_space<hbm>>)
    %barrier3A_23 = arith.constant 0 : index
    tpu.barrier barrier_id(%barrier3A_23)
    "tpu.region"() ({
      %run_scoped3A = tpu.sem_alloc : memref<!tpu.dma_semaphore, #tpu.memory_space<semaphore_mem>>
      %dma_start3A_36 = arith.constant 0 : i32
      %dma_start3A_37 = tpu.memref_slice %arg8[%mul3A_6, %dma_start3A_36] : memref<10112x128xf32, #tpu.memory_space<vmem_shared>> -> memref<632x128xf32, #tpu.memory_space<vmem_shared>>
      %dma_start3A_38 = arith.constant 0 : i32
      %dma_start3A_39 = tpu.memref_slice %arg5[%mul3A_6, %dma_start3A_38] : memref<10112x128xf32, #tpu.memory_space<hbm>> -> memref<632x128xf32, #tpu.memory_space<hbm>>
      tpu.enqueue_dma source(%dma_start3A_39 : memref<632x128xf32, #tpu.memory_space<hbm>>) target(%dma_start3A_37 : memref<632x128xf32, #tpu.memory_space<vmem_shared>>) target_semaphore(%run_scoped3A : memref<!tpu.dma_semaphore, #tpu.memory_space<semaphore_mem>>)
      %dma_wait3A_40 = arith.constant 0 : i32
      %dma_wait3A_41 = tpu.memref_slice %arg8[%mul3A_6, %dma_wait3A_40] : memref<10112x128xf32, #tpu.memory_space<vmem_shared>> -> memref<632x128xf32, #tpu.memory_space<vmem_shared>>
      %dma_wait3A_42 = arith.constant 0 : i32
      %dma_wait3A_43 = tpu.memref_slice %arg5[%mul3A_6, %dma_wait3A_42] : memref<10112x128xf32, #tpu.memory_space<hbm>> -> memref<632x128xf32, #tpu.memory_space<hbm>>
      tpu.wait_dma2 semaphore(%run_scoped3A : memref<!tpu.dma_semaphore, #tpu.memory_space<semaphore_mem>>) src(%dma_wait3A_43 : memref<632x128xf32, #tpu.memory_space<hbm>>) dst(%dma_wait3A_41 : memref<632x128xf32, #tpu.memory_space<vmem_shared>>)
      tpu.yield
    }) : () -> ()
    "tpu.region"() ({
      %run_scoped3A = tpu.sem_alloc : memref<!tpu.dma_semaphore, #tpu.memory_space<semaphore_mem>>
      %dma_start3A_36 = arith.constant 0 : i32
      %dma_start3A_37 = arith.constant 0 : i32
      %dma_start3A_38 = tpu.memref_slice %arg4[%add3A, %dma_start3A_36, %dma_start3A_37] : memref<32x82x128xi32, #tpu.memory_space<hbm>> -> memref<1x82x128xi32, #tpu.memory_space<hbm>>
      %dma_start3A_39 = tpu.memref_squeeze %dma_start3A_38 : memref<1x82x128xi32, #tpu.memory_space<hbm>> -> memref<82x128xi32, #tpu.memory_space<hbm>>
      %dma_start3A_40 = arith.constant 0 : i32
      %dma_start3A_41 = arith.constant 0 : i32
      %dma_start3A_42 = tpu.memref_slice %arg4[%add3A, %dma_start3A_40, %dma_start3A_41] : memref<32x82x128xi32, #tpu.memory_space<hbm>> -> memref<1x82x128xi32, #tpu.memory_space<hbm>>
      %dma_start3A_43 = tpu.memref_squeeze %dma_start3A_42 : memref<1x82x128xi32, #tpu.memory_space<hbm>> -> memref<82x128xi32, #tpu.memory_space<hbm>>
      tpu.enqueue_dma source(%dma_start3A_43 : memref<82x128xi32, #tpu.memory_space<hbm>>) target(%arg9 : memref<82x128xi32, #tpu.memory_space<vmem>>) target_semaphore(%run_scoped3A : memref<!tpu.dma_semaphore, #tpu.memory_space<semaphore_mem>>)
      %dma_wait3A_44 = arith.constant 0 : i32
      %dma_wait3A_45 = arith.constant 0 : i32
      %dma_wait3A_46 = tpu.memref_slice %arg4[%add3A, %dma_wait3A_44, %dma_wait3A_45] : memref<32x82x128xi32, #tpu.memory_space<hbm>> -> memref<1x82x128xi32, #tpu.memory_space<hbm>>
      %dma_wait3A_47 = tpu.memref_squeeze %dma_wait3A_46 : memref<1x82x128xi32, #tpu.memory_space<hbm>> -> memref<82x128xi32, #tpu.memory_space<hbm>>
      %dma_wait3A_48 = arith.constant 0 : i32
      %dma_wait3A_49 = arith.constant 0 : i32
      %dma_wait3A_50 = tpu.memref_slice %arg4[%add3A, %dma_wait3A_48, %dma_wait3A_49] : memref<32x82x128xi32, #tpu.memory_space<hbm>> -> memref<1x82x128xi32, #tpu.memory_space<hbm>>
      %dma_wait3A_51 = tpu.memref_squeeze %dma_wait3A_50 : memref<1x82x128xi32, #tpu.memory_space<hbm>> -> memref<82x128xi32, #tpu.memory_space<hbm>>
      tpu.wait_dma2 semaphore(%run_scoped3A : memref<!tpu.dma_semaphore, #tpu.memory_space<semaphore_mem>>) src(%dma_wait3A_51 : memref<82x128xi32, #tpu.memory_space<hbm>>) dst(%arg9 : memref<82x128xi32, #tpu.memory_space<vmem>>)
      tpu.yield
    }) : () -> ()
    %barrier3A_24 = arith.constant 0 : index
    tpu.barrier barrier_id(%barrier3A_24)
    %dma_start3A_25 = arith.constant 0 : i32
    %dma_start3A_26 = tpu.memref_slice %arg7[%mul3A_4, %dma_start3A_25] : memref<335872x128xf32, #tpu.memory_space<hbm>> -> memref<128x128xf32, #tpu.memory_space<hbm>>
    %dma_start3A_27 = arith.constant 0 : i32
    %dma_start3A_28 = tpu.memref_slice %arg7[%mul3A_4, %dma_start3A_27] : memref<335872x128xf32, #tpu.memory_space<hbm>> -> memref<128x128xf32, #tpu.memory_space<hbm>>
    tpu.enqueue_dma source(%dma_start3A_28 : memref<128x128xf32, #tpu.memory_space<hbm>>) target(%arg10 : memref<128x128xf32, #tpu.memory_space<vmem>>) target_semaphore(%arg12 : memref<!tpu.dma_semaphore, #tpu.memory_space<semaphore_mem>>)
    %scan3A_29 = arith.constant 0 : i32
    %scan3A_30 = arith.constant 0 : i32
    %scan3A_31 = arith.constant 41 : i32
    %scan3A_32 = arith.addi %scan3A_30, %scan3A_31 : i32
    %scan3A_33 = arith.constant 1 : i32
    scf.for %scan3A_36 = %scan3A_30 to %scan3A_32 step %scan3A_33  : i32 {
      %mul3A_37 = arith.constant 2 : i32
      %mul3A_38 = arith.muli %mul3A_37, %scan3A_36 : i32
      %add3A_39 = arith.constant 1 : i32
      %add3A_40 = arith.addi %mul3A_38, %add3A_39 : i32
      %mul3A_41 = arith.constant 128 : i32
      %mul3A_42 = arith.muli %add3A_40, %mul3A_41 : i32
      %add3A_43 = arith.addi %mul3A_4, %mul3A_42 : i32
      %dma_start3A_44 = arith.constant 0 : i32
      %dma_start3A_45 = tpu.memref_slice %arg7[%add3A_43, %dma_start3A_44] : memref<335872x128xf32, #tpu.memory_space<hbm>> -> memref<128x128xf32, #tpu.memory_space<hbm>>
      %dma_start3A_46 = arith.constant 0 : i32
      %dma_start3A_47 = tpu.memref_slice %arg7[%add3A_43, %dma_start3A_46] : memref<335872x128xf32, #tpu.memory_space<hbm>> -> memref<128x128xf32, #tpu.memory_space<hbm>>
      tpu.enqueue_dma source(%dma_start3A_47 : memref<128x128xf32, #tpu.memory_space<hbm>>) target(%arg11 : memref<128x128xf32, #tpu.memory_space<vmem>>) target_semaphore(%arg13 : memref<!tpu.dma_semaphore, #tpu.memory_space<semaphore_mem>>)
      %dma_wait3A_48 = arith.constant 0 : i32
      %dma_wait3A_49 = arith.constant 0 : i32
      %dma_wait3A_50 = tpu.memref_slice %arg7[%dma_wait3A_48, %dma_wait3A_49] : memref<335872x128xf32, #tpu.memory_space<hbm>> -> memref<128x128xf32, #tpu.memory_space<hbm>>
      %dma_wait3A_51 = arith.constant 0 : i32
      %dma_wait3A_52 = arith.constant 0 : i32
      %dma_wait3A_53 = tpu.memref_slice %arg7[%dma_wait3A_51, %dma_wait3A_52] : memref<335872x128xf32, #tpu.memory_space<hbm>> -> memref<128x128xf32, #tpu.memory_space<hbm>>
      tpu.wait_dma2 semaphore(%arg12 : memref<!tpu.dma_semaphore, #tpu.memory_space<semaphore_mem>>) src(%dma_wait3A_53 : memref<128x128xf32, #tpu.memory_space<hbm>>) dst(%arg10 : memref<128x128xf32, #tpu.memory_space<vmem>>)
      "tpu.region"() ({
        %run_scoped3A = tpu.sem_alloc : memref<!tpu.dma_semaphore, #tpu.memory_space<semaphore_mem>>
        %dma_start3A_62 = arith.constant 0 : i32
        %dma_start3A_63 = tpu.memref_slice %arg9[%mul3A_38, %dma_start3A_62] : memref<82x128xi32, #tpu.memory_space<vmem>> -> memref<1x128xi32, #tpu.memory_space<vmem>>
        %dma_start3A_64 = tpu.memref_squeeze %dma_start3A_63 : memref<1x128xi32, #tpu.memory_space<vmem>> -> memref<128xi32, #tpu.memory_space<vmem>>
        %dma_start3A_65 = arith.constant 0 : i32
        %dma_start3A_66 = arith.constant 0 : i32
        %dma_start3A_67 = tpu.memref_slice %arg8[%dma_start3A_65, %dma_start3A_66] : memref<10112x128xf32, #tpu.memory_space<vmem_shared>> -> memref<10112x128xf32, #tpu.memory_space<vmem_shared>>
        tpu.enqueue_indirect_dma source(%arg10 : memref<128x128xf32, #tpu.memory_space<vmem>>) target(%dma_start3A_67 : memref<10112x128xf32, #tpu.memory_space<vmem_shared>>) offsets(%dma_start3A_64 : memref<128xi32, #tpu.memory_space<vmem>>) semaphore(%run_scoped3A : memref<!tpu.dma_semaphore, #tpu.memory_space<semaphore_mem>>) {add = true}
        %dma_wait3A_68 = arith.constant 0 : i32
        %dma_wait3A_69 = tpu.memref_slice %arg9[%mul3A_38, %dma_wait3A_68] : memref<82x128xi32, #tpu.memory_space<vmem>> -> memref<1x128xi32, #tpu.memory_space<vmem>>
        %dma_wait3A_70 = tpu.memref_squeeze %dma_wait3A_69 : memref<1x128xi32, #tpu.memory_space<vmem>> -> memref<128xi32, #tpu.memory_space<vmem>>
        %dma_wait3A_71 = arith.constant 0 : i32
        %dma_wait3A_72 = arith.constant 0 : i32
        %dma_wait3A_73 = tpu.memref_slice %arg8[%dma_wait3A_71, %dma_wait3A_72] : memref<10112x128xf32, #tpu.memory_space<vmem_shared>> -> memref<10112x128xf32, #tpu.memory_space<vmem_shared>>
        tpu.wait_indirect_dma semaphore(%run_scoped3A : memref<!tpu.dma_semaphore, #tpu.memory_space<semaphore_mem>>) src(%arg10 : memref<128x128xf32, #tpu.memory_space<vmem>>) dst(%dma_wait3A_73 : memref<10112x128xf32, #tpu.memory_space<vmem_shared>>)
        tpu.yield
      }) : () -> ()
      %lt3A = arith.constant 40 : i32
      %lt3A_54 = arith.cmpi slt, %scan3A_36, %lt3A : i32
      %convert_element_type3A = arith.extui %lt3A_54 : i1 to i32
      %cond3A = arith.constant 0 : i32
      %cond3A_55 = arith.cmpi ne, %convert_element_type3A, %cond3A : i32
      scf.if %cond3A_55 {
        %add3A_62 = arith.constant 2 : i32
        %add3A_63 = arith.addi %mul3A_38, %add3A_62 : i32
        %mul3A_64 = arith.constant 128 : i32
        %mul3A_65 = arith.muli %add3A_63, %mul3A_64 : i32
        %add3A_66 = arith.addi %mul3A_4, %mul3A_65 : i32
        %dma_start3A_67 = arith.constant 0 : i32
        %dma_start3A_68 = tpu.memref_slice %arg7[%add3A_66, %dma_start3A_67] : memref<335872x128xf32, #tpu.memory_space<hbm>> -> memref<128x128xf32, #tpu.memory_space<hbm>>
        %dma_start3A_69 = arith.constant 0 : i32
        %dma_start3A_70 = tpu.memref_slice %arg7[%add3A_66, %dma_start3A_69] : memref<335872x128xf32, #tpu.memory_space<hbm>> -> memref<128x128xf32, #tpu.memory_space<hbm>>
        tpu.enqueue_dma source(%dma_start3A_70 : memref<128x128xf32, #tpu.memory_space<hbm>>) target(%arg10 : memref<128x128xf32, #tpu.memory_space<vmem>>) target_semaphore(%arg12 : memref<!tpu.dma_semaphore, #tpu.memory_space<semaphore_mem>>)
      } else {
      }
      %dma_wait3A_56 = arith.constant 0 : i32
      %dma_wait3A_57 = arith.constant 0 : i32
      %dma_wait3A_58 = tpu.memref_slice %arg7[%dma_wait3A_56, %dma_wait3A_57] : memref<335872x128xf32, #tpu.memory_space<hbm>> -> memref<128x128xf32, #tpu.memory_space<hbm>>
      %dma_wait3A_59 = arith.constant 0 : i32
      %dma_wait3A_60 = arith.constant 0 : i32
      %dma_wait3A_61 = tpu.memref_slice %arg7[%dma_wait3A_59, %dma_wait3A_60] : memref<335872x128xf32, #tpu.memory_space<hbm>> -> memref<128x128xf32, #tpu.memory_space<hbm>>
      tpu.wait_dma2 semaphore(%arg13 : memref<!tpu.dma_semaphore, #tpu.memory_space<semaphore_mem>>) src(%dma_wait3A_61 : memref<128x128xf32, #tpu.memory_space<hbm>>) dst(%arg11 : memref<128x128xf32, #tpu.memory_space<vmem>>)
      "tpu.region"() ({
        %run_scoped3A = tpu.sem_alloc : memref<!tpu.dma_semaphore, #tpu.memory_space<semaphore_mem>>
        %dma_start3A_62 = arith.constant 0 : i32
        %dma_start3A_63 = tpu.memref_slice %arg9[%add3A_40, %dma_start3A_62] : memref<82x128xi32, #tpu.memory_space<vmem>> -> memref<1x128xi32, #tpu.memory_space<vmem>>
        %dma_start3A_64 = tpu.memref_squeeze %dma_start3A_63 : memref<1x128xi32, #tpu.memory_space<vmem>> -> memref<128xi32, #tpu.memory_space<vmem>>
        %dma_start3A_65 = arith.constant 0 : i32
        %dma_start3A_66 = arith.constant 0 : i32
        %dma_start3A_67 = tpu.memref_slice %arg8[%dma_start3A_65, %dma_start3A_66] : memref<10112x128xf32, #tpu.memory_space<vmem_shared>> -> memref<10112x128xf32, #tpu.memory_space<vmem_shared>>
        tpu.enqueue_indirect_dma source(%arg11 : memref<128x128xf32, #tpu.memory_space<vmem>>) target(%dma_start3A_67 : memref<10112x128xf32, #tpu.memory_space<vmem_shared>>) offsets(%dma_start3A_64 : memref<128xi32, #tpu.memory_space<vmem>>) semaphore(%run_scoped3A : memref<!tpu.dma_semaphore, #tpu.memory_space<semaphore_mem>>) {add = true}
        %dma_wait3A_68 = arith.constant 0 : i32
        %dma_wait3A_69 = tpu.memref_slice %arg9[%add3A_40, %dma_wait3A_68] : memref<82x128xi32, #tpu.memory_space<vmem>> -> memref<1x128xi32, #tpu.memory_space<vmem>>
        %dma_wait3A_70 = tpu.memref_squeeze %dma_wait3A_69 : memref<1x128xi32, #tpu.memory_space<vmem>> -> memref<128xi32, #tpu.memory_space<vmem>>
        %dma_wait3A_71 = arith.constant 0 : i32
        %dma_wait3A_72 = arith.constant 0 : i32
        %dma_wait3A_73 = tpu.memref_slice %arg8[%dma_wait3A_71, %dma_wait3A_72] : memref<10112x128xf32, #tpu.memory_space<vmem_shared>> -> memref<10112x128xf32, #tpu.memory_space<vmem_shared>>
        tpu.wait_indirect_dma semaphore(%run_scoped3A : memref<!tpu.dma_semaphore, #tpu.memory_space<semaphore_mem>>) src(%arg11 : memref<128x128xf32, #tpu.memory_space<vmem>>) dst(%dma_wait3A_73 : memref<10112x128xf32, #tpu.memory_space<vmem_shared>>)
        tpu.yield
      }) : () -> ()
    }
    %scan3A_34 = arith.constant 41 : i32
    %barrier3A_35 = arith.constant 0 : index
    tpu.barrier barrier_id(%barrier3A_35)
    "tpu.region"() ({
      %run_scoped3A = tpu.sem_alloc : memref<!tpu.dma_semaphore, #tpu.memory_space<semaphore_mem>>
      %dma_start3A_36 = arith.constant 0 : i32
      %dma_start3A_37 = arith.constant 0 : i32
      %dma_start3A_38 = tpu.memref_slice %arg6[%arg0, %dma_start3A_36, %dma_start3A_37] : memref<2x10112x128xf32, #tpu.memory_space<hbm>> -> memref<1x10112x128xf32, #tpu.memory_space<hbm>>
      %dma_start3A_39 = tpu.memref_squeeze %dma_start3A_38 : memref<1x10112x128xf32, #tpu.memory_space<hbm>> -> memref<10112x128xf32, #tpu.memory_space<hbm>>
      %dma_start3A_40 = arith.constant 0 : i32
      %dma_start3A_41 = tpu.memref_slice %dma_start3A_39[%mul3A_6, %dma_start3A_40] : memref<10112x128xf32, #tpu.memory_space<hbm>> -> memref<632x128xf32, #tpu.memory_space<hbm>>
      %dma_start3A_42 = arith.constant 0 : i32
      %dma_start3A_43 = tpu.memref_slice %arg8[%mul3A_6, %dma_start3A_42] : memref<10112x128xf32, #tpu.memory_space<vmem_shared>> -> memref<632x128xf32, #tpu.memory_space<vmem_shared>>
      tpu.enqueue_dma source(%dma_start3A_43 : memref<632x128xf32, #tpu.memory_space<vmem_shared>>) target(%dma_start3A_41 : memref<632x128xf32, #tpu.memory_space<hbm>>) target_semaphore(%run_scoped3A : memref<!tpu.dma_semaphore, #tpu.memory_space<semaphore_mem>>)
      %dma_wait3A_44 = arith.constant 0 : i32
      %dma_wait3A_45 = arith.constant 0 : i32
      %dma_wait3A_46 = tpu.memref_slice %arg6[%arg0, %dma_wait3A_44, %dma_wait3A_45] : memref<2x10112x128xf32, #tpu.memory_space<hbm>> -> memref<1x10112x128xf32, #tpu.memory_space<hbm>>
      %dma_wait3A_47 = tpu.memref_squeeze %dma_wait3A_46 : memref<1x10112x128xf32, #tpu.memory_space<hbm>> -> memref<10112x128xf32, #tpu.memory_space<hbm>>
      %dma_wait3A_48 = arith.constant 0 : i32
      %dma_wait3A_49 = tpu.memref_slice %dma_wait3A_47[%mul3A_6, %dma_wait3A_48] : memref<10112x128xf32, #tpu.memory_space<hbm>> -> memref<632x128xf32, #tpu.memory_space<hbm>>
      %dma_wait3A_50 = arith.constant 0 : i32
      %dma_wait3A_51 = tpu.memref_slice %arg8[%mul3A_6, %dma_wait3A_50] : memref<10112x128xf32, #tpu.memory_space<vmem_shared>> -> memref<632x128xf32, #tpu.memory_space<vmem_shared>>
      tpu.wait_dma2 semaphore(%run_scoped3A : memref<!tpu.dma_semaphore, #tpu.memory_space<semaphore_mem>>) src(%dma_wait3A_51 : memref<632x128xf32, #tpu.memory_space<vmem_shared>>) dst(%dma_wait3A_49 : memref<632x128xf32, #tpu.memory_space<hbm>>)
      tpu.yield
    }) : () -> ()
    return
  }
}

#map = affine_map<(d0, d1) -> (0, 0)>
#map1 = affine_map<(d0, d1) -> (0, 0, 0)>
module attributes {stable_mosaic.version = 14 : i64} {
  func.func @_sc_edge_pass(%arg0: i32, %arg1: i32, %arg2: memref<10112x128xf32, #tpu.memory_space<hbm>>, %arg3: memref<32x82x128xi32, #tpu.memory_space<hbm>>, %arg4: memref<32x82x128xi32, #tpu.memory_space<hbm>>, %arg5: memref<10112x128xf32, #tpu.memory_space<hbm>>, %arg6: memref<2x10112x128xf32, #tpu.memory_space<hbm>>, %arg7: memref<335872x128xf32, #tpu.memory_space<hbm>>, %arg8: memref<10112x128xf32, #tpu.memory_space<vmem_shared>>, %arg9: memref<82x128xi32, #tpu.memory_space<vmem>>, %arg10: memref<128x128xf32, #tpu.memory_space<vmem>>, %arg11: memref<128x128xf32, #tpu.memory_space<vmem>>, %arg12: memref<!tpu.dma_semaphore, #tpu.memory_space<semaphore_mem>>, %arg13: memref<!tpu.dma_semaphore, #tpu.memory_space<semaphore_mem>>, %arg14: memref<!tpu.dma_semaphore, #tpu.memory_space<semaphore_mem>>, %arg15: memref<!tpu.dma_semaphore, #tpu.memory_space<semaphore_mem>>) attributes {dimension_semantics = [#tpu.dimension_semantics<core_parallel>, #tpu.dimension_semantics<subcore_parallel>], iteration_bounds = array<i64: 2, 16>, scalar_prefetch = 0 : i64, scratch_operands = 9 : i64, tpu.core_type = #tpu.core_type<sc_vector_subcore>, window_params = [{transform_indices = #map}, {transform_indices = #map1}, {transform_indices = #map1}, {transform_indices = #map}, {transform_indices = #map1}]} {
    %mul3A = arith.constant 16 : i32
    %mul3A_0 = arith.muli %arg0, %mul3A : i32
    %add3A = arith.addi %mul3A_0, %arg1 : i32
    %mul3A_1 = arith.constant 82 : i32
    %mul3A_2 = arith.muli %add3A, %mul3A_1 : i32
    %mul3A_3 = arith.constant 128 : i32
    %mul3A_4 = arith.muli %mul3A_2, %mul3A_3 : i32
    %mul3A_5 = arith.constant 632 : i32
    %mul3A_6 = arith.muli %arg1, %mul3A_5 : i32
    "tpu.region"() ({
      %run_scoped3A = tpu.sem_alloc : memref<!tpu.dma_semaphore, #tpu.memory_space<semaphore_mem>>
      %dma_start3A_36 = arith.constant 0 : i32
      %dma_start3A_37 = tpu.memref_slice %arg8[%mul3A_6, %dma_start3A_36] : memref<10112x128xf32, #tpu.memory_space<vmem_shared>> -> memref<632x128xf32, #tpu.memory_space<vmem_shared>>
      %dma_start3A_38 = arith.constant 0 : i32
      %dma_start3A_39 = tpu.memref_slice %arg2[%mul3A_6, %dma_start3A_38] : memref<10112x128xf32, #tpu.memory_space<hbm>> -> memref<632x128xf32, #tpu.memory_space<hbm>>
      tpu.enqueue_dma source(%dma_start3A_39 : memref<632x128xf32, #tpu.memory_space<hbm>>) target(%dma_start3A_37 : memref<632x128xf32, #tpu.memory_space<vmem_shared>>) target_semaphore(%run_scoped3A : memref<!tpu.dma_semaphore, #tpu.memory_space<semaphore_mem>>)
      %dma_wait3A_40 = arith.constant 0 : i32
      %dma_wait3A_41 = tpu.memref_slice %arg8[%mul3A_6, %dma_wait3A_40] : memref<10112x128xf32, #tpu.memory_space<vmem_shared>> -> memref<632x128xf32, #tpu.memory_space<vmem_shared>>
      %dma_wait3A_42 = arith.constant 0 : i32
      %dma_wait3A_43 = tpu.memref_slice %arg2[%mul3A_6, %dma_wait3A_42] : memref<10112x128xf32, #tpu.memory_space<hbm>> -> memref<632x128xf32, #tpu.memory_space<hbm>>
      tpu.wait_dma2 semaphore(%run_scoped3A : memref<!tpu.dma_semaphore, #tpu.memory_space<semaphore_mem>>) src(%dma_wait3A_43 : memref<632x128xf32, #tpu.memory_space<hbm>>) dst(%dma_wait3A_41 : memref<632x128xf32, #tpu.memory_space<vmem_shared>>)
      tpu.yield
    }) : () -> ()
    "tpu.region"() ({
      %run_scoped3A = tpu.sem_alloc : memref<!tpu.dma_semaphore, #tpu.memory_space<semaphore_mem>>
      %dma_start3A_36 = arith.constant 0 : i32
      %dma_start3A_37 = arith.constant 0 : i32
      %dma_start3A_38 = tpu.memref_slice %arg3[%add3A, %dma_start3A_36, %dma_start3A_37] : memref<32x82x128xi32, #tpu.memory_space<hbm>> -> memref<1x82x128xi32, #tpu.memory_space<hbm>>
      %dma_start3A_39 = tpu.memref_squeeze %dma_start3A_38 : memref<1x82x128xi32, #tpu.memory_space<hbm>> -> memref<82x128xi32, #tpu.memory_space<hbm>>
      %dma_start3A_40 = arith.constant 0 : i32
      %dma_start3A_41 = arith.constant 0 : i32
      %dma_start3A_42 = tpu.memref_slice %arg3[%add3A, %dma_start3A_40, %dma_start3A_41] : memref<32x82x128xi32, #tpu.memory_space<hbm>> -> memref<1x82x128xi32, #tpu.memory_space<hbm>>
      %dma_start3A_43 = tpu.memref_squeeze %dma_start3A_42 : memref<1x82x128xi32, #tpu.memory_space<hbm>> -> memref<82x128xi32, #tpu.memory_space<hbm>>
      tpu.enqueue_dma source(%dma_start3A_43 : memref<82x128xi32, #tpu.memory_space<hbm>>) target(%arg9 : memref<82x128xi32, #tpu.memory_space<vmem>>) target_semaphore(%run_scoped3A : memref<!tpu.dma_semaphore, #tpu.memory_space<semaphore_mem>>)
      %dma_wait3A_44 = arith.constant 0 : i32
      %dma_wait3A_45 = arith.constant 0 : i32
      %dma_wait3A_46 = tpu.memref_slice %arg3[%add3A, %dma_wait3A_44, %dma_wait3A_45] : memref<32x82x128xi32, #tpu.memory_space<hbm>> -> memref<1x82x128xi32, #tpu.memory_space<hbm>>
      %dma_wait3A_47 = tpu.memref_squeeze %dma_wait3A_46 : memref<1x82x128xi32, #tpu.memory_space<hbm>> -> memref<82x128xi32, #tpu.memory_space<hbm>>
      %dma_wait3A_48 = arith.constant 0 : i32
      %dma_wait3A_49 = arith.constant 0 : i32
      %dma_wait3A_50 = tpu.memref_slice %arg3[%add3A, %dma_wait3A_48, %dma_wait3A_49] : memref<32x82x128xi32, #tpu.memory_space<hbm>> -> memref<1x82x128xi32, #tpu.memory_space<hbm>>
      %dma_wait3A_51 = tpu.memref_squeeze %dma_wait3A_50 : memref<1x82x128xi32, #tpu.memory_space<hbm>> -> memref<82x128xi32, #tpu.memory_space<hbm>>
      tpu.wait_dma2 semaphore(%run_scoped3A : memref<!tpu.dma_semaphore, #tpu.memory_space<semaphore_mem>>) src(%dma_wait3A_51 : memref<82x128xi32, #tpu.memory_space<hbm>>) dst(%arg9 : memref<82x128xi32, #tpu.memory_space<vmem>>)
      tpu.yield
    }) : () -> ()
    %barrier3A = arith.constant 0 : index
    tpu.barrier barrier_id(%barrier3A)
    %dma_start3A = arith.constant 0 : i32
    %dma_start3A_7 = arith.constant 0 : i32
    %dma_start3A_8 = tpu.memref_slice %arg9[%dma_start3A, %dma_start3A_7] : memref<82x128xi32, #tpu.memory_space<vmem>> -> memref<1x128xi32, #tpu.memory_space<vmem>>
    %dma_start3A_9 = tpu.memref_squeeze %dma_start3A_8 : memref<1x128xi32, #tpu.memory_space<vmem>> -> memref<128xi32, #tpu.memory_space<vmem>>
    %dma_start3A_10 = arith.constant 0 : i32
    %dma_start3A_11 = arith.constant 0 : i32
    %dma_start3A_12 = tpu.memref_slice %arg8[%dma_start3A_10, %dma_start3A_11] : memref<10112x128xf32, #tpu.memory_space<vmem_shared>> -> memref<10112x128xf32, #tpu.memory_space<vmem_shared>>
    tpu.enqueue_indirect_dma source(%dma_start3A_12 : memref<10112x128xf32, #tpu.memory_space<vmem_shared>>) target(%arg10 : memref<128x128xf32, #tpu.memory_space<vmem>>) offsets(%dma_start3A_9 : memref<128xi32, #tpu.memory_space<vmem>>) semaphore(%arg12 : memref<!tpu.dma_semaphore, #tpu.memory_space<semaphore_mem>>)
    %scan3A = arith.constant 0 : i32
    %scan3A_13 = arith.constant 0 : i32
    %scan3A_14 = arith.constant 41 : i32
    %scan3A_15 = arith.addi %scan3A_13, %scan3A_14 : i32
    %scan3A_16 = arith.constant 1 : i32
    scf.for %scan3A_36 = %scan3A_13 to %scan3A_15 step %scan3A_16  : i32 {
      %mul3A_37 = arith.constant 2 : i32
      %mul3A_38 = arith.muli %mul3A_37, %scan3A_36 : i32
      %add3A_39 = arith.constant 1 : i32
      %add3A_40 = arith.addi %mul3A_38, %add3A_39 : i32
      %dma_wait3A_41 = arith.constant 0 : i32
      %dma_wait3A_42 = tpu.memref_slice %arg9[%mul3A_38, %dma_wait3A_41] : memref<82x128xi32, #tpu.memory_space<vmem>> -> memref<1x128xi32, #tpu.memory_space<vmem>>
      %dma_wait3A_43 = tpu.memref_squeeze %dma_wait3A_42 : memref<1x128xi32, #tpu.memory_space<vmem>> -> memref<128xi32, #tpu.memory_space<vmem>>
      %dma_wait3A_44 = arith.constant 0 : i32
      %dma_wait3A_45 = arith.constant 0 : i32
      %dma_wait3A_46 = tpu.memref_slice %arg8[%dma_wait3A_44, %dma_wait3A_45] : memref<10112x128xf32, #tpu.memory_space<vmem_shared>> -> memref<10112x128xf32, #tpu.memory_space<vmem_shared>>
      tpu.wait_indirect_dma semaphore(%arg12 : memref<!tpu.dma_semaphore, #tpu.memory_space<semaphore_mem>>) src(%dma_wait3A_46 : memref<10112x128xf32, #tpu.memory_space<vmem_shared>>) dst(%arg10 : memref<128x128xf32, #tpu.memory_space<vmem>>)
      %gt3A = arith.constant 0 : i32
      %gt3A_47 = arith.cmpi sgt, %scan3A_36, %gt3A : i32
      %convert_element_type3A = arith.extui %gt3A_47 : i1 to i32
      %cond3A = arith.constant 0 : i32
      %cond3A_48 = arith.cmpi ne, %convert_element_type3A, %cond3A : i32
      scf.if %cond3A_48 {
        %dma_wait3A_85 = arith.constant 0 : i32
        %dma_wait3A_86 = arith.constant 0 : i32
        %dma_wait3A_87 = tpu.memref_slice %arg7[%dma_wait3A_85, %dma_wait3A_86] : memref<335872x128xf32, #tpu.memory_space<hbm>> -> memref<128x128xf32, #tpu.memory_space<hbm>>
        %dma_wait3A_88 = arith.constant 0 : i32
        %dma_wait3A_89 = arith.constant 0 : i32
        %dma_wait3A_90 = tpu.memref_slice %arg7[%dma_wait3A_88, %dma_wait3A_89] : memref<335872x128xf32, #tpu.memory_space<hbm>> -> memref<128x128xf32, #tpu.memory_space<hbm>>
        tpu.wait_dma2 semaphore(%arg15 : memref<!tpu.dma_semaphore, #tpu.memory_space<semaphore_mem>>) src(%arg11 : memref<128x128xf32, #tpu.memory_space<vmem>>) dst(%dma_wait3A_90 : memref<128x128xf32, #tpu.memory_space<hbm>>)
      } else {
      }
      %dma_start3A_49 = arith.constant 0 : i32
      %dma_start3A_50 = tpu.memref_slice %arg9[%add3A_40, %dma_start3A_49] : memref<82x128xi32, #tpu.memory_space<vmem>> -> memref<1x128xi32, #tpu.memory_space<vmem>>
      %dma_start3A_51 = tpu.memref_squeeze %dma_start3A_50 : memref<1x128xi32, #tpu.memory_space<vmem>> -> memref<128xi32, #tpu.memory_space<vmem>>
      %dma_start3A_52 = arith.constant 0 : i32
      %dma_start3A_53 = arith.constant 0 : i32
      %dma_start3A_54 = tpu.memref_slice %arg8[%dma_start3A_52, %dma_start3A_53] : memref<10112x128xf32, #tpu.memory_space<vmem_shared>> -> memref<10112x128xf32, #tpu.memory_space<vmem_shared>>
      tpu.enqueue_indirect_dma source(%dma_start3A_54 : memref<10112x128xf32, #tpu.memory_space<vmem_shared>>) target(%arg11 : memref<128x128xf32, #tpu.memory_space<vmem>>) offsets(%dma_start3A_51 : memref<128xi32, #tpu.memory_space<vmem>>) semaphore(%arg13 : memref<!tpu.dma_semaphore, #tpu.memory_space<semaphore_mem>>)
      %mul3A_55 = arith.constant 128 : i32
      %mul3A_56 = arith.muli %mul3A_38, %mul3A_55 : i32
      %add3A_57 = arith.addi %mul3A_4, %mul3A_56 : i32
      %dma_start3A_58 = arith.constant 0 : i32
      %dma_start3A_59 = tpu.memref_slice %arg7[%add3A_57, %dma_start3A_58] : memref<335872x128xf32, #tpu.memory_space<hbm>> -> memref<128x128xf32, #tpu.memory_space<hbm>>
      %dma_start3A_60 = arith.constant 0 : i32
      %dma_start3A_61 = tpu.memref_slice %arg7[%add3A_57, %dma_start3A_60] : memref<335872x128xf32, #tpu.memory_space<hbm>> -> memref<128x128xf32, #tpu.memory_space<hbm>>
      tpu.enqueue_dma source(%arg10 : memref<128x128xf32, #tpu.memory_space<vmem>>) target(%dma_start3A_61 : memref<128x128xf32, #tpu.memory_space<hbm>>) target_semaphore(%arg14 : memref<!tpu.dma_semaphore, #tpu.memory_space<semaphore_mem>>)
      %dma_wait3A_62 = arith.constant 0 : i32
      %dma_wait3A_63 = tpu.memref_slice %arg9[%add3A_40, %dma_wait3A_62] : memref<82x128xi32, #tpu.memory_space<vmem>> -> memref<1x128xi32, #tpu.memory_space<vmem>>
      %dma_wait3A_64 = tpu.memref_squeeze %dma_wait3A_63 : memref<1x128xi32, #tpu.memory_space<vmem>> -> memref<128xi32, #tpu.memory_space<vmem>>
      %dma_wait3A_65 = arith.constant 0 : i32
      %dma_wait3A_66 = arith.constant 0 : i32
      %dma_wait3A_67 = tpu.memref_slice %arg8[%dma_wait3A_65, %dma_wait3A_66] : memref<10112x128xf32, #tpu.memory_space<vmem_shared>> -> memref<10112x128xf32, #tpu.memory_space<vmem_shared>>
      tpu.wait_indirect_dma semaphore(%arg13 : memref<!tpu.dma_semaphore, #tpu.memory_space<semaphore_mem>>) src(%dma_wait3A_67 : memref<10112x128xf32, #tpu.memory_space<vmem_shared>>) dst(%arg11 : memref<128x128xf32, #tpu.memory_space<vmem>>)
      %dma_wait3A_68 = arith.constant 0 : i32
      %dma_wait3A_69 = arith.constant 0 : i32
      %dma_wait3A_70 = tpu.memref_slice %arg7[%dma_wait3A_68, %dma_wait3A_69] : memref<335872x128xf32, #tpu.memory_space<hbm>> -> memref<128x128xf32, #tpu.memory_space<hbm>>
      %dma_wait3A_71 = arith.constant 0 : i32
      %dma_wait3A_72 = arith.constant 0 : i32
      %dma_wait3A_73 = tpu.memref_slice %arg7[%dma_wait3A_71, %dma_wait3A_72] : memref<335872x128xf32, #tpu.memory_space<hbm>> -> memref<128x128xf32, #tpu.memory_space<hbm>>
      tpu.wait_dma2 semaphore(%arg14 : memref<!tpu.dma_semaphore, #tpu.memory_space<semaphore_mem>>) src(%arg10 : memref<128x128xf32, #tpu.memory_space<vmem>>) dst(%dma_wait3A_73 : memref<128x128xf32, #tpu.memory_space<hbm>>)
      %lt3A = arith.constant 40 : i32
      %lt3A_74 = arith.cmpi slt, %scan3A_36, %lt3A : i32
      %convert_element_type3A_75 = arith.extui %lt3A_74 : i1 to i32
      %cond3A_76 = arith.constant 0 : i32
      %cond3A_77 = arith.cmpi ne, %convert_element_type3A_75, %cond3A_76 : i32
      scf.if %cond3A_77 {
        %add3A_85 = arith.constant 2 : i32
        %add3A_86 = arith.addi %mul3A_38, %add3A_85 : i32
        %dma_start3A_87 = arith.constant 0 : i32
        %dma_start3A_88 = tpu.memref_slice %arg9[%add3A_86, %dma_start3A_87] : memref<82x128xi32, #tpu.memory_space<vmem>> -> memref<1x128xi32, #tpu.memory_space<vmem>>
        %dma_start3A_89 = tpu.memref_squeeze %dma_start3A_88 : memref<1x128xi32, #tpu.memory_space<vmem>> -> memref<128xi32, #tpu.memory_space<vmem>>
        %dma_start3A_90 = arith.constant 0 : i32
        %dma_start3A_91 = arith.constant 0 : i32
        %dma_start3A_92 = tpu.memref_slice %arg8[%dma_start3A_90, %dma_start3A_91] : memref<10112x128xf32, #tpu.memory_space<vmem_shared>> -> memref<10112x128xf32, #tpu.memory_space<vmem_shared>>
        tpu.enqueue_indirect_dma source(%dma_start3A_92 : memref<10112x128xf32, #tpu.memory_space<vmem_shared>>) target(%arg10 : memref<128x128xf32, #tpu.memory_space<vmem>>) offsets(%dma_start3A_89 : memref<128xi32, #tpu.memory_space<vmem>>) semaphore(%arg12 : memref<!tpu.dma_semaphore, #tpu.memory_space<semaphore_mem>>)
      } else {
      }
      %mul3A_78 = arith.constant 128 : i32
      %mul3A_79 = arith.muli %add3A_40, %mul3A_78 : i32
      %add3A_80 = arith.addi %mul3A_4, %mul3A_79 : i32
      %dma_start3A_81 = arith.constant 0 : i32
      %dma_start3A_82 = tpu.memref_slice %arg7[%add3A_80, %dma_start3A_81] : memref<335872x128xf32, #tpu.memory_space<hbm>> -> memref<128x128xf32, #tpu.memory_space<hbm>>
      %dma_start3A_83 = arith.constant 0 : i32
      %dma_start3A_84 = tpu.memref_slice %arg7[%add3A_80, %dma_start3A_83] : memref<335872x128xf32, #tpu.memory_space<hbm>> -> memref<128x128xf32, #tpu.memory_space<hbm>>
      tpu.enqueue_dma source(%arg11 : memref<128x128xf32, #tpu.memory_space<vmem>>) target(%dma_start3A_84 : memref<128x128xf32, #tpu.memory_space<hbm>>) target_semaphore(%arg15 : memref<!tpu.dma_semaphore, #tpu.memory_space<semaphore_mem>>)
    }
    %scan3A_17 = arith.constant 41 : i32
    %dma_wait3A = arith.constant 0 : i32
    %dma_wait3A_18 = arith.constant 0 : i32
    %dma_wait3A_19 = tpu.memref_slice %arg7[%dma_wait3A, %dma_wait3A_18] : memref<335872x128xf32, #tpu.memory_space<hbm>> -> memref<128x128xf32, #tpu.memory_space<hbm>>
    %dma_wait3A_20 = arith.constant 0 : i32
    %dma_wait3A_21 = arith.constant 0 : i32
    %dma_wait3A_22 = tpu.memref_slice %arg7[%dma_wait3A_20, %dma_wait3A_21] : memref<335872x128xf32, #tpu.memory_space<hbm>> -> memref<128x128xf32, #tpu.memory_space<hbm>>
    tpu.wait_dma2 semaphore(%arg15 : memref<!tpu.dma_semaphore, #tpu.memory_space<semaphore_mem>>) src(%arg11 : memref<128x128xf32, #tpu.memory_space<vmem>>) dst(%dma_wait3A_22 : memref<128x128xf32, #tpu.memory_space<hbm>>)
    %barrier3A_23 = arith.constant 0 : index
    tpu.barrier barrier_id(%barrier3A_23)
    "tpu.region"() ({
      %run_scoped3A = tpu.sem_alloc : memref<!tpu.dma_semaphore, #tpu.memory_space<semaphore_mem>>
      %dma_start3A_36 = arith.constant 0 : i32
      %dma_start3A_37 = tpu.memref_slice %arg8[%mul3A_6, %dma_start3A_36] : memref<10112x128xf32, #tpu.memory_space<vmem_shared>> -> memref<632x128xf32, #tpu.memory_space<vmem_shared>>
      %dma_start3A_38 = arith.constant 0 : i32
      %dma_start3A_39 = tpu.memref_slice %arg5[%mul3A_6, %dma_start3A_38] : memref<10112x128xf32, #tpu.memory_space<hbm>> -> memref<632x128xf32, #tpu.memory_space<hbm>>
      tpu.enqueue_dma source(%dma_start3A_39 : memref<632x128xf32, #tpu.memory_space<hbm>>) target(%dma_start3A_37 : memref<632x128xf32, #tpu.memory_space<vmem_shared>>) target_semaphore(%run_scoped3A : memref<!tpu.dma_semaphore, #tpu.memory_space<semaphore_mem>>)
      %dma_wait3A_40 = arith.constant 0 : i32
      %dma_wait3A_41 = tpu.memref_slice %arg8[%mul3A_6, %dma_wait3A_40] : memref<10112x128xf32, #tpu.memory_space<vmem_shared>> -> memref<632x128xf32, #tpu.memory_space<vmem_shared>>
      %dma_wait3A_42 = arith.constant 0 : i32
      %dma_wait3A_43 = tpu.memref_slice %arg5[%mul3A_6, %dma_wait3A_42] : memref<10112x128xf32, #tpu.memory_space<hbm>> -> memref<632x128xf32, #tpu.memory_space<hbm>>
      tpu.wait_dma2 semaphore(%run_scoped3A : memref<!tpu.dma_semaphore, #tpu.memory_space<semaphore_mem>>) src(%dma_wait3A_43 : memref<632x128xf32, #tpu.memory_space<hbm>>) dst(%dma_wait3A_41 : memref<632x128xf32, #tpu.memory_space<vmem_shared>>)
      tpu.yield
    }) : () -> ()
    "tpu.region"() ({
      %run_scoped3A = tpu.sem_alloc : memref<!tpu.dma_semaphore, #tpu.memory_space<semaphore_mem>>
      %dma_start3A_36 = arith.constant 0 : i32
      %dma_start3A_37 = arith.constant 0 : i32
      %dma_start3A_38 = tpu.memref_slice %arg4[%add3A, %dma_start3A_36, %dma_start3A_37] : memref<32x82x128xi32, #tpu.memory_space<hbm>> -> memref<1x82x128xi32, #tpu.memory_space<hbm>>
      %dma_start3A_39 = tpu.memref_squeeze %dma_start3A_38 : memref<1x82x128xi32, #tpu.memory_space<hbm>> -> memref<82x128xi32, #tpu.memory_space<hbm>>
      %dma_start3A_40 = arith.constant 0 : i32
      %dma_start3A_41 = arith.constant 0 : i32
      %dma_start3A_42 = tpu.memref_slice %arg4[%add3A, %dma_start3A_40, %dma_start3A_41] : memref<32x82x128xi32, #tpu.memory_space<hbm>> -> memref<1x82x128xi32, #tpu.memory_space<hbm>>
      %dma_start3A_43 = tpu.memref_squeeze %dma_start3A_42 : memref<1x82x128xi32, #tpu.memory_space<hbm>> -> memref<82x128xi32, #tpu.memory_space<hbm>>
      tpu.enqueue_dma source(%dma_start3A_43 : memref<82x128xi32, #tpu.memory_space<hbm>>) target(%arg9 : memref<82x128xi32, #tpu.memory_space<vmem>>) target_semaphore(%run_scoped3A : memref<!tpu.dma_semaphore, #tpu.memory_space<semaphore_mem>>)
      %dma_wait3A_44 = arith.constant 0 : i32
      %dma_wait3A_45 = arith.constant 0 : i32
      %dma_wait3A_46 = tpu.memref_slice %arg4[%add3A, %dma_wait3A_44, %dma_wait3A_45] : memref<32x82x128xi32, #tpu.memory_space<hbm>> -> memref<1x82x128xi32, #tpu.memory_space<hbm>>
      %dma_wait3A_47 = tpu.memref_squeeze %dma_wait3A_46 : memref<1x82x128xi32, #tpu.memory_space<hbm>> -> memref<82x128xi32, #tpu.memory_space<hbm>>
      %dma_wait3A_48 = arith.constant 0 : i32
      %dma_wait3A_49 = arith.constant 0 : i32
      %dma_wait3A_50 = tpu.memref_slice %arg4[%add3A, %dma_wait3A_48, %dma_wait3A_49] : memref<32x82x128xi32, #tpu.memory_space<hbm>> -> memref<1x82x128xi32, #tpu.memory_space<hbm>>
      %dma_wait3A_51 = tpu.memref_squeeze %dma_wait3A_50 : memref<1x82x128xi32, #tpu.memory_space<hbm>> -> memref<82x128xi32, #tpu.memory_space<hbm>>
      tpu.wait_dma2 semaphore(%run_scoped3A : memref<!tpu.dma_semaphore, #tpu.memory_space<semaphore_mem>>) src(%dma_wait3A_51 : memref<82x128xi32, #tpu.memory_space<hbm>>) dst(%arg9 : memref<82x128xi32, #tpu.memory_space<vmem>>)
      tpu.yield
    }) : () -> ()
    %barrier3A_24 = arith.constant 0 : index
    tpu.barrier barrier_id(%barrier3A_24)
    %dma_start3A_25 = arith.constant 0 : i32
    %dma_start3A_26 = tpu.memref_slice %arg7[%mul3A_4, %dma_start3A_25] : memref<335872x128xf32, #tpu.memory_space<hbm>> -> memref<128x128xf32, #tpu.memory_space<hbm>>
    %dma_start3A_27 = arith.constant 0 : i32
    %dma_start3A_28 = tpu.memref_slice %arg7[%mul3A_4, %dma_start3A_27] : memref<335872x128xf32, #tpu.memory_space<hbm>> -> memref<128x128xf32, #tpu.memory_space<hbm>>
    tpu.enqueue_dma source(%dma_start3A_28 : memref<128x128xf32, #tpu.memory_space<hbm>>) target(%arg10 : memref<128x128xf32, #tpu.memory_space<vmem>>) target_semaphore(%arg12 : memref<!tpu.dma_semaphore, #tpu.memory_space<semaphore_mem>>)
    %scan3A_29 = arith.constant 0 : i32
    %scan3A_30 = arith.constant 0 : i32
    %scan3A_31 = arith.constant 41 : i32
    %scan3A_32 = arith.addi %scan3A_30, %scan3A_31 : i32
    %scan3A_33 = arith.constant 1 : i32
    scf.for %scan3A_36 = %scan3A_30 to %scan3A_32 step %scan3A_33  : i32 {
      %mul3A_37 = arith.constant 2 : i32
      %mul3A_38 = arith.muli %mul3A_37, %scan3A_36 : i32
      %add3A_39 = arith.constant 1 : i32
      %add3A_40 = arith.addi %mul3A_38, %add3A_39 : i32
      %mul3A_41 = arith.constant 128 : i32
      %mul3A_42 = arith.muli %add3A_40, %mul3A_41 : i32
      %add3A_43 = arith.addi %mul3A_4, %mul3A_42 : i32
      %dma_start3A_44 = arith.constant 0 : i32
      %dma_start3A_45 = tpu.memref_slice %arg7[%add3A_43, %dma_start3A_44] : memref<335872x128xf32, #tpu.memory_space<hbm>> -> memref<128x128xf32, #tpu.memory_space<hbm>>
      %dma_start3A_46 = arith.constant 0 : i32
      %dma_start3A_47 = tpu.memref_slice %arg7[%add3A_43, %dma_start3A_46] : memref<335872x128xf32, #tpu.memory_space<hbm>> -> memref<128x128xf32, #tpu.memory_space<hbm>>
      tpu.enqueue_dma source(%dma_start3A_47 : memref<128x128xf32, #tpu.memory_space<hbm>>) target(%arg11 : memref<128x128xf32, #tpu.memory_space<vmem>>) target_semaphore(%arg13 : memref<!tpu.dma_semaphore, #tpu.memory_space<semaphore_mem>>)
      %dma_wait3A_48 = arith.constant 0 : i32
      %dma_wait3A_49 = arith.constant 0 : i32
      %dma_wait3A_50 = tpu.memref_slice %arg7[%dma_wait3A_48, %dma_wait3A_49] : memref<335872x128xf32, #tpu.memory_space<hbm>> -> memref<128x128xf32, #tpu.memory_space<hbm>>
      %dma_wait3A_51 = arith.constant 0 : i32
      %dma_wait3A_52 = arith.constant 0 : i32
      %dma_wait3A_53 = tpu.memref_slice %arg7[%dma_wait3A_51, %dma_wait3A_52] : memref<335872x128xf32, #tpu.memory_space<hbm>> -> memref<128x128xf32, #tpu.memory_space<hbm>>
      tpu.wait_dma2 semaphore(%arg12 : memref<!tpu.dma_semaphore, #tpu.memory_space<semaphore_mem>>) src(%dma_wait3A_53 : memref<128x128xf32, #tpu.memory_space<hbm>>) dst(%arg10 : memref<128x128xf32, #tpu.memory_space<vmem>>)
      "tpu.region"() ({
        %run_scoped3A = tpu.sem_alloc : memref<!tpu.dma_semaphore, #tpu.memory_space<semaphore_mem>>
        %dma_start3A_62 = arith.constant 0 : i32
        %dma_start3A_63 = tpu.memref_slice %arg9[%mul3A_38, %dma_start3A_62] : memref<82x128xi32, #tpu.memory_space<vmem>> -> memref<1x128xi32, #tpu.memory_space<vmem>>
        %dma_start3A_64 = tpu.memref_squeeze %dma_start3A_63 : memref<1x128xi32, #tpu.memory_space<vmem>> -> memref<128xi32, #tpu.memory_space<vmem>>
        %dma_start3A_65 = arith.constant 0 : i32
        %dma_start3A_66 = arith.constant 0 : i32
        %dma_start3A_67 = tpu.memref_slice %arg8[%dma_start3A_65, %dma_start3A_66] : memref<10112x128xf32, #tpu.memory_space<vmem_shared>> -> memref<10112x128xf32, #tpu.memory_space<vmem_shared>>
        tpu.enqueue_indirect_dma source(%arg10 : memref<128x128xf32, #tpu.memory_space<vmem>>) target(%dma_start3A_67 : memref<10112x128xf32, #tpu.memory_space<vmem_shared>>) offsets(%dma_start3A_64 : memref<128xi32, #tpu.memory_space<vmem>>) semaphore(%run_scoped3A : memref<!tpu.dma_semaphore, #tpu.memory_space<semaphore_mem>>) {add = true}
        %dma_wait3A_68 = arith.constant 0 : i32
        %dma_wait3A_69 = tpu.memref_slice %arg9[%mul3A_38, %dma_wait3A_68] : memref<82x128xi32, #tpu.memory_space<vmem>> -> memref<1x128xi32, #tpu.memory_space<vmem>>
        %dma_wait3A_70 = tpu.memref_squeeze %dma_wait3A_69 : memref<1x128xi32, #tpu.memory_space<vmem>> -> memref<128xi32, #tpu.memory_space<vmem>>
        %dma_wait3A_71 = arith.constant 0 : i32
        %dma_wait3A_72 = arith.constant 0 : i32
        %dma_wait3A_73 = tpu.memref_slice %arg8[%dma_wait3A_71, %dma_wait3A_72] : memref<10112x128xf32, #tpu.memory_space<vmem_shared>> -> memref<10112x128xf32, #tpu.memory_space<vmem_shared>>
        tpu.wait_indirect_dma semaphore(%run_scoped3A : memref<!tpu.dma_semaphore, #tpu.memory_space<semaphore_mem>>) src(%arg10 : memref<128x128xf32, #tpu.memory_space<vmem>>) dst(%dma_wait3A_73 : memref<10112x128xf32, #tpu.memory_space<vmem_shared>>)
        tpu.yield
      }) : () -> ()
      %lt3A = arith.constant 40 : i32
      %lt3A_54 = arith.cmpi slt, %scan3A_36, %lt3A : i32
      %convert_element_type3A = arith.extui %lt3A_54 : i1 to i32
      %cond3A = arith.constant 0 : i32
      %cond3A_55 = arith.cmpi ne, %convert_element_type3A, %cond3A : i32
      scf.if %cond3A_55 {
        %add3A_62 = arith.constant 2 : i32
        %add3A_63 = arith.addi %mul3A_38, %add3A_62 : i32
        %mul3A_64 = arith.constant 128 : i32
        %mul3A_65 = arith.muli %add3A_63, %mul3A_64 : i32
        %add3A_66 = arith.addi %mul3A_4, %mul3A_65 : i32
        %dma_start3A_67 = arith.constant 0 : i32
        %dma_start3A_68 = tpu.memref_slice %arg7[%add3A_66, %dma_start3A_67] : memref<335872x128xf32, #tpu.memory_space<hbm>> -> memref<128x128xf32, #tpu.memory_space<hbm>>
        %dma_start3A_69 = arith.constant 0 : i32
        %dma_start3A_70 = tpu.memref_slice %arg7[%add3A_66, %dma_start3A_69] : memref<335872x128xf32, #tpu.memory_space<hbm>> -> memref<128x128xf32, #tpu.memory_space<hbm>>
        tpu.enqueue_dma source(%dma_start3A_70 : memref<128x128xf32, #tpu.memory_space<hbm>>) target(%arg10 : memref<128x128xf32, #tpu.memory_space<vmem>>) target_semaphore(%arg12 : memref<!tpu.dma_semaphore, #tpu.memory_space<semaphore_mem>>)
      } else {
      }
      %dma_wait3A_56 = arith.constant 0 : i32
      %dma_wait3A_57 = arith.constant 0 : i32
      %dma_wait3A_58 = tpu.memref_slice %arg7[%dma_wait3A_56, %dma_wait3A_57] : memref<335872x128xf32, #tpu.memory_space<hbm>> -> memref<128x128xf32, #tpu.memory_space<hbm>>
      %dma_wait3A_59 = arith.constant 0 : i32
      %dma_wait3A_60 = arith.constant 0 : i32
      %dma_wait3A_61 = tpu.memref_slice %arg7[%dma_wait3A_59, %dma_wait3A_60] : memref<335872x128xf32, #tpu.memory_space<hbm>> -> memref<128x128xf32, #tpu.memory_space<hbm>>
      tpu.wait_dma2 semaphore(%arg13 : memref<!tpu.dma_semaphore, #tpu.memory_space<semaphore_mem>>) src(%dma_wait3A_61 : memref<128x128xf32, #tpu.memory_space<hbm>>) dst(%arg11 : memref<128x128xf32, #tpu.memory_space<vmem>>)
      "tpu.region"() ({
        %run_scoped3A = tpu.sem_alloc : memref<!tpu.dma_semaphore, #tpu.memory_space<semaphore_mem>>
        %dma_start3A_62 = arith.constant 0 : i32
        %dma_start3A_63 = tpu.memref_slice %arg9[%add3A_40, %dma_start3A_62] : memref<82x128xi32, #tpu.memory_space<vmem>> -> memref<1x128xi32, #tpu.memory_space<vmem>>
        %dma_start3A_64 = tpu.memref_squeeze %dma_start3A_63 : memref<1x128xi32, #tpu.memory_space<vmem>> -> memref<128xi32, #tpu.memory_space<vmem>>
        %dma_start3A_65 = arith.constant 0 : i32
        %dma_start3A_66 = arith.constant 0 : i32
        %dma_start3A_67 = tpu.memref_slice %arg8[%dma_start3A_65, %dma_start3A_66] : memref<10112x128xf32, #tpu.memory_space<vmem_shared>> -> memref<10112x128xf32, #tpu.memory_space<vmem_shared>>
        tpu.enqueue_indirect_dma source(%arg11 : memref<128x128xf32, #tpu.memory_space<vmem>>) target(%dma_start3A_67 : memref<10112x128xf32, #tpu.memory_space<vmem_shared>>) offsets(%dma_start3A_64 : memref<128xi32, #tpu.memory_space<vmem>>) semaphore(%run_scoped3A : memref<!tpu.dma_semaphore, #tpu.memory_space<semaphore_mem>>) {add = true}
        %dma_wait3A_68 = arith.constant 0 : i32
        %dma_wait3A_69 = tpu.memref_slice %arg9[%add3A_40, %dma_wait3A_68] : memref<82x128xi32, #tpu.memory_space<vmem>> -> memref<1x128xi32, #tpu.memory_space<vmem>>
        %dma_wait3A_70 = tpu.memref_squeeze %dma_wait3A_69 : memref<1x128xi32, #tpu.memory_space<vmem>> -> memref<128xi32, #tpu.memory_space<vmem>>
        %dma_wait3A_71 = arith.constant 0 : i32
        %dma_wait3A_72 = arith.constant 0 : i32
        %dma_wait3A_73 = tpu.memref_slice %arg8[%dma_wait3A_71, %dma_wait3A_72] : memref<10112x128xf32, #tpu.memory_space<vmem_shared>> -> memref<10112x128xf32, #tpu.memory_space<vmem_shared>>
        tpu.wait_indirect_dma semaphore(%run_scoped3A : memref<!tpu.dma_semaphore, #tpu.memory_space<semaphore_mem>>) src(%arg11 : memref<128x128xf32, #tpu.memory_space<vmem>>) dst(%dma_wait3A_73 : memref<10112x128xf32, #tpu.memory_space<vmem_shared>>)
        tpu.yield
      }) : () -> ()
    }
    %scan3A_34 = arith.constant 41 : i32
    %barrier3A_35 = arith.constant 0 : index
    tpu.barrier barrier_id(%barrier3A_35)
    "tpu.region"() ({
      %run_scoped3A = tpu.sem_alloc : memref<!tpu.dma_semaphore, #tpu.memory_space<semaphore_mem>>
      %dma_start3A_36 = arith.constant 0 : i32
      %dma_start3A_37 = arith.constant 0 : i32
      %dma_start3A_38 = tpu.memref_slice %arg6[%arg0, %dma_start3A_36, %dma_start3A_37] : memref<2x10112x128xf32, #tpu.memory_space<hbm>> -> memref<1x10112x128xf32, #tpu.memory_space<hbm>>
      %dma_start3A_39 = tpu.memref_squeeze %dma_start3A_38 : memref<1x10112x128xf32, #tpu.memory_space<hbm>> -> memref<10112x128xf32, #tpu.memory_space<hbm>>
      %dma_start3A_40 = arith.constant 0 : i32
      %dma_start3A_41 = tpu.memref_slice %dma_start3A_39[%mul3A_6, %dma_start3A_40] : memref<10112x128xf32, #tpu.memory_space<hbm>> -> memref<632x128xf32, #tpu.memory_space<hbm>>
      %dma_start3A_42 = arith.constant 0 : i32
      %dma_start3A_43 = tpu.memref_slice %arg8[%mul3A_6, %dma_start3A_42] : memref<10112x128xf32, #tpu.memory_space<vmem_shared>> -> memref<632x128xf32, #tpu.memory_space<vmem_shared>>
      tpu.enqueue_dma source(%dma_start3A_43 : memref<632x128xf32, #tpu.memory_space<vmem_shared>>) target(%dma_start3A_41 : memref<632x128xf32, #tpu.memory_space<hbm>>) target_semaphore(%run_scoped3A : memref<!tpu.dma_semaphore, #tpu.memory_space<semaphore_mem>>)
      %dma_wait3A_44 = arith.constant 0 : i32
      %dma_wait3A_45 = arith.constant 0 : i32
      %dma_wait3A_46 = tpu.memref_slice %arg6[%arg0, %dma_wait3A_44, %dma_wait3A_45] : memref<2x10112x128xf32, #tpu.memory_space<hbm>> -> memref<1x10112x128xf32, #tpu.memory_space<hbm>>
      %dma_wait3A_47 = tpu.memref_squeeze %dma_wait3A_46 : memref<1x10112x128xf32, #tpu.memory_space<hbm>> -> memref<10112x128xf32, #tpu.memory_space<hbm>>
      %dma_wait3A_48 = arith.constant 0 : i32
      %dma_wait3A_49 = tpu.memref_slice %dma_wait3A_47[%mul3A_6, %dma_wait3A_48] : memref<10112x128xf32, #tpu.memory_space<hbm>> -> memref<632x128xf32, #tpu.memory_space<hbm>>
      %dma_wait3A_50 = arith.constant 0 : i32
      %dma_wait3A_51 = tpu.memref_slice %arg8[%mul3A_6, %dma_wait3A_50] : memref<10112x128xf32, #tpu.memory_space<vmem_shared>> -> memref<632x128xf32, #tpu.memory_space<vmem_shared>>
      tpu.wait_dma2 semaphore(%run_scoped3A : memref<!tpu.dma_semaphore, #tpu.memory_space<semaphore_mem>>) src(%dma_wait3A_51 : memref<632x128xf32, #tpu.memory_space<vmem_shared>>) dst(%dma_wait3A_49 : memref<632x128xf32, #tpu.memory_space<hbm>>)
      tpu.yield
    }) : () -> ()
    return
  }
}

#map = affine_map<(d0, d1) -> (0, 0)>
#map1 = affine_map<(d0, d1) -> (0, 0, 0)>
module attributes {stable_mosaic.version = 14 : i64} {
  func.func @_sc_edge_pass(%arg0: i32, %arg1: i32, %arg2: memref<10112x128xf32, #tpu.memory_space<hbm>>, %arg3: memref<32x82x128xi32, #tpu.memory_space<hbm>>, %arg4: memref<32x82x128xi32, #tpu.memory_space<hbm>>, %arg5: memref<10112x128xf32, #tpu.memory_space<hbm>>, %arg6: memref<2x10112x128xf32, #tpu.memory_space<hbm>>, %arg7: memref<335872x128xf32, #tpu.memory_space<hbm>>, %arg8: memref<10112x128xf32, #tpu.memory_space<vmem_shared>>, %arg9: memref<82x128xi32, #tpu.memory_space<vmem>>, %arg10: memref<128x128xf32, #tpu.memory_space<vmem>>, %arg11: memref<128x128xf32, #tpu.memory_space<vmem>>, %arg12: memref<!tpu.dma_semaphore, #tpu.memory_space<semaphore_mem>>, %arg13: memref<!tpu.dma_semaphore, #tpu.memory_space<semaphore_mem>>, %arg14: memref<!tpu.dma_semaphore, #tpu.memory_space<semaphore_mem>>, %arg15: memref<!tpu.dma_semaphore, #tpu.memory_space<semaphore_mem>>) attributes {dimension_semantics = [#tpu.dimension_semantics<core_parallel>, #tpu.dimension_semantics<subcore_parallel>], iteration_bounds = array<i64: 2, 16>, scalar_prefetch = 0 : i64, scratch_operands = 9 : i64, tpu.core_type = #tpu.core_type<sc_vector_subcore>, window_params = [{transform_indices = #map}, {transform_indices = #map1}, {transform_indices = #map1}, {transform_indices = #map}, {transform_indices = #map1}]} {
    %mul3A = arith.constant 16 : i32
    %mul3A_0 = arith.muli %arg0, %mul3A : i32
    %add3A = arith.addi %mul3A_0, %arg1 : i32
    %mul3A_1 = arith.constant 82 : i32
    %mul3A_2 = arith.muli %add3A, %mul3A_1 : i32
    %mul3A_3 = arith.constant 128 : i32
    %mul3A_4 = arith.muli %mul3A_2, %mul3A_3 : i32
    %mul3A_5 = arith.constant 632 : i32
    %mul3A_6 = arith.muli %arg1, %mul3A_5 : i32
    "tpu.region"() ({
      %run_scoped3A = tpu.sem_alloc : memref<!tpu.dma_semaphore, #tpu.memory_space<semaphore_mem>>
      %dma_start3A_36 = arith.constant 0 : i32
      %dma_start3A_37 = tpu.memref_slice %arg8[%mul3A_6, %dma_start3A_36] : memref<10112x128xf32, #tpu.memory_space<vmem_shared>> -> memref<632x128xf32, #tpu.memory_space<vmem_shared>>
      %dma_start3A_38 = arith.constant 0 : i32
      %dma_start3A_39 = tpu.memref_slice %arg2[%mul3A_6, %dma_start3A_38] : memref<10112x128xf32, #tpu.memory_space<hbm>> -> memref<632x128xf32, #tpu.memory_space<hbm>>
      tpu.enqueue_dma source(%dma_start3A_39 : memref<632x128xf32, #tpu.memory_space<hbm>>) target(%dma_start3A_37 : memref<632x128xf32, #tpu.memory_space<vmem_shared>>) target_semaphore(%run_scoped3A : memref<!tpu.dma_semaphore, #tpu.memory_space<semaphore_mem>>)
      %dma_wait3A_40 = arith.constant 0 : i32
      %dma_wait3A_41 = tpu.memref_slice %arg8[%mul3A_6, %dma_wait3A_40] : memref<10112x128xf32, #tpu.memory_space<vmem_shared>> -> memref<632x128xf32, #tpu.memory_space<vmem_shared>>
      %dma_wait3A_42 = arith.constant 0 : i32
      %dma_wait3A_43 = tpu.memref_slice %arg2[%mul3A_6, %dma_wait3A_42] : memref<10112x128xf32, #tpu.memory_space<hbm>> -> memref<632x128xf32, #tpu.memory_space<hbm>>
      tpu.wait_dma2 semaphore(%run_scoped3A : memref<!tpu.dma_semaphore, #tpu.memory_space<semaphore_mem>>) src(%dma_wait3A_43 : memref<632x128xf32, #tpu.memory_space<hbm>>) dst(%dma_wait3A_41 : memref<632x128xf32, #tpu.memory_space<vmem_shared>>)
      tpu.yield
    }) : () -> ()
    "tpu.region"() ({
      %run_scoped3A = tpu.sem_alloc : memref<!tpu.dma_semaphore, #tpu.memory_space<semaphore_mem>>
      %dma_start3A_36 = arith.constant 0 : i32
      %dma_start3A_37 = arith.constant 0 : i32
      %dma_start3A_38 = tpu.memref_slice %arg3[%add3A, %dma_start3A_36, %dma_start3A_37] : memref<32x82x128xi32, #tpu.memory_space<hbm>> -> memref<1x82x128xi32, #tpu.memory_space<hbm>>
      %dma_start3A_39 = tpu.memref_squeeze %dma_start3A_38 : memref<1x82x128xi32, #tpu.memory_space<hbm>> -> memref<82x128xi32, #tpu.memory_space<hbm>>
      %dma_start3A_40 = arith.constant 0 : i32
      %dma_start3A_41 = arith.constant 0 : i32
      %dma_start3A_42 = tpu.memref_slice %arg3[%add3A, %dma_start3A_40, %dma_start3A_41] : memref<32x82x128xi32, #tpu.memory_space<hbm>> -> memref<1x82x128xi32, #tpu.memory_space<hbm>>
      %dma_start3A_43 = tpu.memref_squeeze %dma_start3A_42 : memref<1x82x128xi32, #tpu.memory_space<hbm>> -> memref<82x128xi32, #tpu.memory_space<hbm>>
      tpu.enqueue_dma source(%dma_start3A_43 : memref<82x128xi32, #tpu.memory_space<hbm>>) target(%arg9 : memref<82x128xi32, #tpu.memory_space<vmem>>) target_semaphore(%run_scoped3A : memref<!tpu.dma_semaphore, #tpu.memory_space<semaphore_mem>>)
      %dma_wait3A_44 = arith.constant 0 : i32
      %dma_wait3A_45 = arith.constant 0 : i32
      %dma_wait3A_46 = tpu.memref_slice %arg3[%add3A, %dma_wait3A_44, %dma_wait3A_45] : memref<32x82x128xi32, #tpu.memory_space<hbm>> -> memref<1x82x128xi32, #tpu.memory_space<hbm>>
      %dma_wait3A_47 = tpu.memref_squeeze %dma_wait3A_46 : memref<1x82x128xi32, #tpu.memory_space<hbm>> -> memref<82x128xi32, #tpu.memory_space<hbm>>
      %dma_wait3A_48 = arith.constant 0 : i32
      %dma_wait3A_49 = arith.constant 0 : i32
      %dma_wait3A_50 = tpu.memref_slice %arg3[%add3A, %dma_wait3A_48, %dma_wait3A_49] : memref<32x82x128xi32, #tpu.memory_space<hbm>> -> memref<1x82x128xi32, #tpu.memory_space<hbm>>
      %dma_wait3A_51 = tpu.memref_squeeze %dma_wait3A_50 : memref<1x82x128xi32, #tpu.memory_space<hbm>> -> memref<82x128xi32, #tpu.memory_space<hbm>>
      tpu.wait_dma2 semaphore(%run_scoped3A : memref<!tpu.dma_semaphore, #tpu.memory_space<semaphore_mem>>) src(%dma_wait3A_51 : memref<82x128xi32, #tpu.memory_space<hbm>>) dst(%arg9 : memref<82x128xi32, #tpu.memory_space<vmem>>)
      tpu.yield
    }) : () -> ()
    %barrier3A = arith.constant 0 : index
    tpu.barrier barrier_id(%barrier3A)
    %dma_start3A = arith.constant 0 : i32
    %dma_start3A_7 = arith.constant 0 : i32
    %dma_start3A_8 = tpu.memref_slice %arg9[%dma_start3A, %dma_start3A_7] : memref<82x128xi32, #tpu.memory_space<vmem>> -> memref<1x128xi32, #tpu.memory_space<vmem>>
    %dma_start3A_9 = tpu.memref_squeeze %dma_start3A_8 : memref<1x128xi32, #tpu.memory_space<vmem>> -> memref<128xi32, #tpu.memory_space<vmem>>
    %dma_start3A_10 = arith.constant 0 : i32
    %dma_start3A_11 = arith.constant 0 : i32
    %dma_start3A_12 = tpu.memref_slice %arg8[%dma_start3A_10, %dma_start3A_11] : memref<10112x128xf32, #tpu.memory_space<vmem_shared>> -> memref<10112x128xf32, #tpu.memory_space<vmem_shared>>
    tpu.enqueue_indirect_dma source(%dma_start3A_12 : memref<10112x128xf32, #tpu.memory_space<vmem_shared>>) target(%arg10 : memref<128x128xf32, #tpu.memory_space<vmem>>) offsets(%dma_start3A_9 : memref<128xi32, #tpu.memory_space<vmem>>) semaphore(%arg12 : memref<!tpu.dma_semaphore, #tpu.memory_space<semaphore_mem>>)
    %scan3A = arith.constant 0 : i32
    %scan3A_13 = arith.constant 0 : i32
    %scan3A_14 = arith.constant 41 : i32
    %scan3A_15 = arith.addi %scan3A_13, %scan3A_14 : i32
    %scan3A_16 = arith.constant 1 : i32
    scf.for %scan3A_36 = %scan3A_13 to %scan3A_15 step %scan3A_16  : i32 {
      %mul3A_37 = arith.constant 2 : i32
      %mul3A_38 = arith.muli %mul3A_37, %scan3A_36 : i32
      %add3A_39 = arith.constant 1 : i32
      %add3A_40 = arith.addi %mul3A_38, %add3A_39 : i32
      %dma_wait3A_41 = arith.constant 0 : i32
      %dma_wait3A_42 = tpu.memref_slice %arg9[%mul3A_38, %dma_wait3A_41] : memref<82x128xi32, #tpu.memory_space<vmem>> -> memref<1x128xi32, #tpu.memory_space<vmem>>
      %dma_wait3A_43 = tpu.memref_squeeze %dma_wait3A_42 : memref<1x128xi32, #tpu.memory_space<vmem>> -> memref<128xi32, #tpu.memory_space<vmem>>
      %dma_wait3A_44 = arith.constant 0 : i32
      %dma_wait3A_45 = arith.constant 0 : i32
      %dma_wait3A_46 = tpu.memref_slice %arg8[%dma_wait3A_44, %dma_wait3A_45] : memref<10112x128xf32, #tpu.memory_space<vmem_shared>> -> memref<10112x128xf32, #tpu.memory_space<vmem_shared>>
      tpu.wait_indirect_dma semaphore(%arg12 : memref<!tpu.dma_semaphore, #tpu.memory_space<semaphore_mem>>) src(%dma_wait3A_46 : memref<10112x128xf32, #tpu.memory_space<vmem_shared>>) dst(%arg10 : memref<128x128xf32, #tpu.memory_space<vmem>>)
      %gt3A = arith.constant 0 : i32
      %gt3A_47 = arith.cmpi sgt, %scan3A_36, %gt3A : i32
      %convert_element_type3A = arith.extui %gt3A_47 : i1 to i32
      %cond3A = arith.constant 0 : i32
      %cond3A_48 = arith.cmpi ne, %convert_element_type3A, %cond3A : i32
      scf.if %cond3A_48 {
        %dma_wait3A_85 = arith.constant 0 : i32
        %dma_wait3A_86 = arith.constant 0 : i32
        %dma_wait3A_87 = tpu.memref_slice %arg7[%dma_wait3A_85, %dma_wait3A_86] : memref<335872x128xf32, #tpu.memory_space<hbm>> -> memref<128x128xf32, #tpu.memory_space<hbm>>
        %dma_wait3A_88 = arith.constant 0 : i32
        %dma_wait3A_89 = arith.constant 0 : i32
        %dma_wait3A_90 = tpu.memref_slice %arg7[%dma_wait3A_88, %dma_wait3A_89] : memref<335872x128xf32, #tpu.memory_space<hbm>> -> memref<128x128xf32, #tpu.memory_space<hbm>>
        tpu.wait_dma2 semaphore(%arg15 : memref<!tpu.dma_semaphore, #tpu.memory_space<semaphore_mem>>) src(%arg11 : memref<128x128xf32, #tpu.memory_space<vmem>>) dst(%dma_wait3A_90 : memref<128x128xf32, #tpu.memory_space<hbm>>)
      } else {
      }
      %dma_start3A_49 = arith.constant 0 : i32
      %dma_start3A_50 = tpu.memref_slice %arg9[%add3A_40, %dma_start3A_49] : memref<82x128xi32, #tpu.memory_space<vmem>> -> memref<1x128xi32, #tpu.memory_space<vmem>>
      %dma_start3A_51 = tpu.memref_squeeze %dma_start3A_50 : memref<1x128xi32, #tpu.memory_space<vmem>> -> memref<128xi32, #tpu.memory_space<vmem>>
      %dma_start3A_52 = arith.constant 0 : i32
      %dma_start3A_53 = arith.constant 0 : i32
      %dma_start3A_54 = tpu.memref_slice %arg8[%dma_start3A_52, %dma_start3A_53] : memref<10112x128xf32, #tpu.memory_space<vmem_shared>> -> memref<10112x128xf32, #tpu.memory_space<vmem_shared>>
      tpu.enqueue_indirect_dma source(%dma_start3A_54 : memref<10112x128xf32, #tpu.memory_space<vmem_shared>>) target(%arg11 : memref<128x128xf32, #tpu.memory_space<vmem>>) offsets(%dma_start3A_51 : memref<128xi32, #tpu.memory_space<vmem>>) semaphore(%arg13 : memref<!tpu.dma_semaphore, #tpu.memory_space<semaphore_mem>>)
      %mul3A_55 = arith.constant 128 : i32
      %mul3A_56 = arith.muli %mul3A_38, %mul3A_55 : i32
      %add3A_57 = arith.addi %mul3A_4, %mul3A_56 : i32
      %dma_start3A_58 = arith.constant 0 : i32
      %dma_start3A_59 = tpu.memref_slice %arg7[%add3A_57, %dma_start3A_58] : memref<335872x128xf32, #tpu.memory_space<hbm>> -> memref<128x128xf32, #tpu.memory_space<hbm>>
      %dma_start3A_60 = arith.constant 0 : i32
      %dma_start3A_61 = tpu.memref_slice %arg7[%add3A_57, %dma_start3A_60] : memref<335872x128xf32, #tpu.memory_space<hbm>> -> memref<128x128xf32, #tpu.memory_space<hbm>>
      tpu.enqueue_dma source(%arg10 : memref<128x128xf32, #tpu.memory_space<vmem>>) target(%dma_start3A_61 : memref<128x128xf32, #tpu.memory_space<hbm>>) target_semaphore(%arg14 : memref<!tpu.dma_semaphore, #tpu.memory_space<semaphore_mem>>)
      %dma_wait3A_62 = arith.constant 0 : i32
      %dma_wait3A_63 = tpu.memref_slice %arg9[%add3A_40, %dma_wait3A_62] : memref<82x128xi32, #tpu.memory_space<vmem>> -> memref<1x128xi32, #tpu.memory_space<vmem>>
      %dma_wait3A_64 = tpu.memref_squeeze %dma_wait3A_63 : memref<1x128xi32, #tpu.memory_space<vmem>> -> memref<128xi32, #tpu.memory_space<vmem>>
      %dma_wait3A_65 = arith.constant 0 : i32
      %dma_wait3A_66 = arith.constant 0 : i32
      %dma_wait3A_67 = tpu.memref_slice %arg8[%dma_wait3A_65, %dma_wait3A_66] : memref<10112x128xf32, #tpu.memory_space<vmem_shared>> -> memref<10112x128xf32, #tpu.memory_space<vmem_shared>>
      tpu.wait_indirect_dma semaphore(%arg13 : memref<!tpu.dma_semaphore, #tpu.memory_space<semaphore_mem>>) src(%dma_wait3A_67 : memref<10112x128xf32, #tpu.memory_space<vmem_shared>>) dst(%arg11 : memref<128x128xf32, #tpu.memory_space<vmem>>)
      %dma_wait3A_68 = arith.constant 0 : i32
      %dma_wait3A_69 = arith.constant 0 : i32
      %dma_wait3A_70 = tpu.memref_slice %arg7[%dma_wait3A_68, %dma_wait3A_69] : memref<335872x128xf32, #tpu.memory_space<hbm>> -> memref<128x128xf32, #tpu.memory_space<hbm>>
      %dma_wait3A_71 = arith.constant 0 : i32
      %dma_wait3A_72 = arith.constant 0 : i32
      %dma_wait3A_73 = tpu.memref_slice %arg7[%dma_wait3A_71, %dma_wait3A_72] : memref<335872x128xf32, #tpu.memory_space<hbm>> -> memref<128x128xf32, #tpu.memory_space<hbm>>
      tpu.wait_dma2 semaphore(%arg14 : memref<!tpu.dma_semaphore, #tpu.memory_space<semaphore_mem>>) src(%arg10 : memref<128x128xf32, #tpu.memory_space<vmem>>) dst(%dma_wait3A_73 : memref<128x128xf32, #tpu.memory_space<hbm>>)
      %lt3A = arith.constant 40 : i32
      %lt3A_74 = arith.cmpi slt, %scan3A_36, %lt3A : i32
      %convert_element_type3A_75 = arith.extui %lt3A_74 : i1 to i32
      %cond3A_76 = arith.constant 0 : i32
      %cond3A_77 = arith.cmpi ne, %convert_element_type3A_75, %cond3A_76 : i32
      scf.if %cond3A_77 {
        %add3A_85 = arith.constant 2 : i32
        %add3A_86 = arith.addi %mul3A_38, %add3A_85 : i32
        %dma_start3A_87 = arith.constant 0 : i32
        %dma_start3A_88 = tpu.memref_slice %arg9[%add3A_86, %dma_start3A_87] : memref<82x128xi32, #tpu.memory_space<vmem>> -> memref<1x128xi32, #tpu.memory_space<vmem>>
        %dma_start3A_89 = tpu.memref_squeeze %dma_start3A_88 : memref<1x128xi32, #tpu.memory_space<vmem>> -> memref<128xi32, #tpu.memory_space<vmem>>
        %dma_start3A_90 = arith.constant 0 : i32
        %dma_start3A_91 = arith.constant 0 : i32
        %dma_start3A_92 = tpu.memref_slice %arg8[%dma_start3A_90, %dma_start3A_91] : memref<10112x128xf32, #tpu.memory_space<vmem_shared>> -> memref<10112x128xf32, #tpu.memory_space<vmem_shared>>
        tpu.enqueue_indirect_dma source(%dma_start3A_92 : memref<10112x128xf32, #tpu.memory_space<vmem_shared>>) target(%arg10 : memref<128x128xf32, #tpu.memory_space<vmem>>) offsets(%dma_start3A_89 : memref<128xi32, #tpu.memory_space<vmem>>) semaphore(%arg12 : memref<!tpu.dma_semaphore, #tpu.memory_space<semaphore_mem>>)
      } else {
      }
      %mul3A_78 = arith.constant 128 : i32
      %mul3A_79 = arith.muli %add3A_40, %mul3A_78 : i32
      %add3A_80 = arith.addi %mul3A_4, %mul3A_79 : i32
      %dma_start3A_81 = arith.constant 0 : i32
      %dma_start3A_82 = tpu.memref_slice %arg7[%add3A_80, %dma_start3A_81] : memref<335872x128xf32, #tpu.memory_space<hbm>> -> memref<128x128xf32, #tpu.memory_space<hbm>>
      %dma_start3A_83 = arith.constant 0 : i32
      %dma_start3A_84 = tpu.memref_slice %arg7[%add3A_80, %dma_start3A_83] : memref<335872x128xf32, #tpu.memory_space<hbm>> -> memref<128x128xf32, #tpu.memory_space<hbm>>
      tpu.enqueue_dma source(%arg11 : memref<128x128xf32, #tpu.memory_space<vmem>>) target(%dma_start3A_84 : memref<128x128xf32, #tpu.memory_space<hbm>>) target_semaphore(%arg15 : memref<!tpu.dma_semaphore, #tpu.memory_space<semaphore_mem>>)
    }
    %scan3A_17 = arith.constant 41 : i32
    %dma_wait3A = arith.constant 0 : i32
    %dma_wait3A_18 = arith.constant 0 : i32
    %dma_wait3A_19 = tpu.memref_slice %arg7[%dma_wait3A, %dma_wait3A_18] : memref<335872x128xf32, #tpu.memory_space<hbm>> -> memref<128x128xf32, #tpu.memory_space<hbm>>
    %dma_wait3A_20 = arith.constant 0 : i32
    %dma_wait3A_21 = arith.constant 0 : i32
    %dma_wait3A_22 = tpu.memref_slice %arg7[%dma_wait3A_20, %dma_wait3A_21] : memref<335872x128xf32, #tpu.memory_space<hbm>> -> memref<128x128xf32, #tpu.memory_space<hbm>>
    tpu.wait_dma2 semaphore(%arg15 : memref<!tpu.dma_semaphore, #tpu.memory_space<semaphore_mem>>) src(%arg11 : memref<128x128xf32, #tpu.memory_space<vmem>>) dst(%dma_wait3A_22 : memref<128x128xf32, #tpu.memory_space<hbm>>)
    %barrier3A_23 = arith.constant 0 : index
    tpu.barrier barrier_id(%barrier3A_23)
    "tpu.region"() ({
      %run_scoped3A = tpu.sem_alloc : memref<!tpu.dma_semaphore, #tpu.memory_space<semaphore_mem>>
      %dma_start3A_36 = arith.constant 0 : i32
      %dma_start3A_37 = tpu.memref_slice %arg8[%mul3A_6, %dma_start3A_36] : memref<10112x128xf32, #tpu.memory_space<vmem_shared>> -> memref<632x128xf32, #tpu.memory_space<vmem_shared>>
      %dma_start3A_38 = arith.constant 0 : i32
      %dma_start3A_39 = tpu.memref_slice %arg5[%mul3A_6, %dma_start3A_38] : memref<10112x128xf32, #tpu.memory_space<hbm>> -> memref<632x128xf32, #tpu.memory_space<hbm>>
      tpu.enqueue_dma source(%dma_start3A_39 : memref<632x128xf32, #tpu.memory_space<hbm>>) target(%dma_start3A_37 : memref<632x128xf32, #tpu.memory_space<vmem_shared>>) target_semaphore(%run_scoped3A : memref<!tpu.dma_semaphore, #tpu.memory_space<semaphore_mem>>)
      %dma_wait3A_40 = arith.constant 0 : i32
      %dma_wait3A_41 = tpu.memref_slice %arg8[%mul3A_6, %dma_wait3A_40] : memref<10112x128xf32, #tpu.memory_space<vmem_shared>> -> memref<632x128xf32, #tpu.memory_space<vmem_shared>>
      %dma_wait3A_42 = arith.constant 0 : i32
      %dma_wait3A_43 = tpu.memref_slice %arg5[%mul3A_6, %dma_wait3A_42] : memref<10112x128xf32, #tpu.memory_space<hbm>> -> memref<632x128xf32, #tpu.memory_space<hbm>>
      tpu.wait_dma2 semaphore(%run_scoped3A : memref<!tpu.dma_semaphore, #tpu.memory_space<semaphore_mem>>) src(%dma_wait3A_43 : memref<632x128xf32, #tpu.memory_space<hbm>>) dst(%dma_wait3A_41 : memref<632x128xf32, #tpu.memory_space<vmem_shared>>)
      tpu.yield
    }) : () -> ()
    "tpu.region"() ({
      %run_scoped3A = tpu.sem_alloc : memref<!tpu.dma_semaphore, #tpu.memory_space<semaphore_mem>>
      %dma_start3A_36 = arith.constant 0 : i32
      %dma_start3A_37 = arith.constant 0 : i32
      %dma_start3A_38 = tpu.memref_slice %arg4[%add3A, %dma_start3A_36, %dma_start3A_37] : memref<32x82x128xi32, #tpu.memory_space<hbm>> -> memref<1x82x128xi32, #tpu.memory_space<hbm>>
      %dma_start3A_39 = tpu.memref_squeeze %dma_start3A_38 : memref<1x82x128xi32, #tpu.memory_space<hbm>> -> memref<82x128xi32, #tpu.memory_space<hbm>>
      %dma_start3A_40 = arith.constant 0 : i32
      %dma_start3A_41 = arith.constant 0 : i32
      %dma_start3A_42 = tpu.memref_slice %arg4[%add3A, %dma_start3A_40, %dma_start3A_41] : memref<32x82x128xi32, #tpu.memory_space<hbm>> -> memref<1x82x128xi32, #tpu.memory_space<hbm>>
      %dma_start3A_43 = tpu.memref_squeeze %dma_start3A_42 : memref<1x82x128xi32, #tpu.memory_space<hbm>> -> memref<82x128xi32, #tpu.memory_space<hbm>>
      tpu.enqueue_dma source(%dma_start3A_43 : memref<82x128xi32, #tpu.memory_space<hbm>>) target(%arg9 : memref<82x128xi32, #tpu.memory_space<vmem>>) target_semaphore(%run_scoped3A : memref<!tpu.dma_semaphore, #tpu.memory_space<semaphore_mem>>)
      %dma_wait3A_44 = arith.constant 0 : i32
      %dma_wait3A_45 = arith.constant 0 : i32
      %dma_wait3A_46 = tpu.memref_slice %arg4[%add3A, %dma_wait3A_44, %dma_wait3A_45] : memref<32x82x128xi32, #tpu.memory_space<hbm>> -> memref<1x82x128xi32, #tpu.memory_space<hbm>>
      %dma_wait3A_47 = tpu.memref_squeeze %dma_wait3A_46 : memref<1x82x128xi32, #tpu.memory_space<hbm>> -> memref<82x128xi32, #tpu.memory_space<hbm>>
      %dma_wait3A_48 = arith.constant 0 : i32
      %dma_wait3A_49 = arith.constant 0 : i32
      %dma_wait3A_50 = tpu.memref_slice %arg4[%add3A, %dma_wait3A_48, %dma_wait3A_49] : memref<32x82x128xi32, #tpu.memory_space<hbm>> -> memref<1x82x128xi32, #tpu.memory_space<hbm>>
      %dma_wait3A_51 = tpu.memref_squeeze %dma_wait3A_50 : memref<1x82x128xi32, #tpu.memory_space<hbm>> -> memref<82x128xi32, #tpu.memory_space<hbm>>
      tpu.wait_dma2 semaphore(%run_scoped3A : memref<!tpu.dma_semaphore, #tpu.memory_space<semaphore_mem>>) src(%dma_wait3A_51 : memref<82x128xi32, #tpu.memory_space<hbm>>) dst(%arg9 : memref<82x128xi32, #tpu.memory_space<vmem>>)
      tpu.yield
    }) : () -> ()
    %barrier3A_24 = arith.constant 0 : index
    tpu.barrier barrier_id(%barrier3A_24)
    %dma_start3A_25 = arith.constant 0 : i32
    %dma_start3A_26 = tpu.memref_slice %arg7[%mul3A_4, %dma_start3A_25] : memref<335872x128xf32, #tpu.memory_space<hbm>> -> memref<128x128xf32, #tpu.memory_space<hbm>>
    %dma_start3A_27 = arith.constant 0 : i32
    %dma_start3A_28 = tpu.memref_slice %arg7[%mul3A_4, %dma_start3A_27] : memref<335872x128xf32, #tpu.memory_space<hbm>> -> memref<128x128xf32, #tpu.memory_space<hbm>>
    tpu.enqueue_dma source(%dma_start3A_28 : memref<128x128xf32, #tpu.memory_space<hbm>>) target(%arg10 : memref<128x128xf32, #tpu.memory_space<vmem>>) target_semaphore(%arg12 : memref<!tpu.dma_semaphore, #tpu.memory_space<semaphore_mem>>)
    %scan3A_29 = arith.constant 0 : i32
    %scan3A_30 = arith.constant 0 : i32
    %scan3A_31 = arith.constant 41 : i32
    %scan3A_32 = arith.addi %scan3A_30, %scan3A_31 : i32
    %scan3A_33 = arith.constant 1 : i32
    scf.for %scan3A_36 = %scan3A_30 to %scan3A_32 step %scan3A_33  : i32 {
      %mul3A_37 = arith.constant 2 : i32
      %mul3A_38 = arith.muli %mul3A_37, %scan3A_36 : i32
      %add3A_39 = arith.constant 1 : i32
      %add3A_40 = arith.addi %mul3A_38, %add3A_39 : i32
      %mul3A_41 = arith.constant 128 : i32
      %mul3A_42 = arith.muli %add3A_40, %mul3A_41 : i32
      %add3A_43 = arith.addi %mul3A_4, %mul3A_42 : i32
      %dma_start3A_44 = arith.constant 0 : i32
      %dma_start3A_45 = tpu.memref_slice %arg7[%add3A_43, %dma_start3A_44] : memref<335872x128xf32, #tpu.memory_space<hbm>> -> memref<128x128xf32, #tpu.memory_space<hbm>>
      %dma_start3A_46 = arith.constant 0 : i32
      %dma_start3A_47 = tpu.memref_slice %arg7[%add3A_43, %dma_start3A_46] : memref<335872x128xf32, #tpu.memory_space<hbm>> -> memref<128x128xf32, #tpu.memory_space<hbm>>
      tpu.enqueue_dma source(%dma_start3A_47 : memref<128x128xf32, #tpu.memory_space<hbm>>) target(%arg11 : memref<128x128xf32, #tpu.memory_space<vmem>>) target_semaphore(%arg13 : memref<!tpu.dma_semaphore, #tpu.memory_space<semaphore_mem>>)
      %dma_wait3A_48 = arith.constant 0 : i32
      %dma_wait3A_49 = arith.constant 0 : i32
      %dma_wait3A_50 = tpu.memref_slice %arg7[%dma_wait3A_48, %dma_wait3A_49] : memref<335872x128xf32, #tpu.memory_space<hbm>> -> memref<128x128xf32, #tpu.memory_space<hbm>>
      %dma_wait3A_51 = arith.constant 0 : i32
      %dma_wait3A_52 = arith.constant 0 : i32
      %dma_wait3A_53 = tpu.memref_slice %arg7[%dma_wait3A_51, %dma_wait3A_52] : memref<335872x128xf32, #tpu.memory_space<hbm>> -> memref<128x128xf32, #tpu.memory_space<hbm>>
      tpu.wait_dma2 semaphore(%arg12 : memref<!tpu.dma_semaphore, #tpu.memory_space<semaphore_mem>>) src(%dma_wait3A_53 : memref<128x128xf32, #tpu.memory_space<hbm>>) dst(%arg10 : memref<128x128xf32, #tpu.memory_space<vmem>>)
      "tpu.region"() ({
        %run_scoped3A = tpu.sem_alloc : memref<!tpu.dma_semaphore, #tpu.memory_space<semaphore_mem>>
        %dma_start3A_62 = arith.constant 0 : i32
        %dma_start3A_63 = tpu.memref_slice %arg9[%mul3A_38, %dma_start3A_62] : memref<82x128xi32, #tpu.memory_space<vmem>> -> memref<1x128xi32, #tpu.memory_space<vmem>>
        %dma_start3A_64 = tpu.memref_squeeze %dma_start3A_63 : memref<1x128xi32, #tpu.memory_space<vmem>> -> memref<128xi32, #tpu.memory_space<vmem>>
        %dma_start3A_65 = arith.constant 0 : i32
        %dma_start3A_66 = arith.constant 0 : i32
        %dma_start3A_67 = tpu.memref_slice %arg8[%dma_start3A_65, %dma_start3A_66] : memref<10112x128xf32, #tpu.memory_space<vmem_shared>> -> memref<10112x128xf32, #tpu.memory_space<vmem_shared>>
        tpu.enqueue_indirect_dma source(%arg10 : memref<128x128xf32, #tpu.memory_space<vmem>>) target(%dma_start3A_67 : memref<10112x128xf32, #tpu.memory_space<vmem_shared>>) offsets(%dma_start3A_64 : memref<128xi32, #tpu.memory_space<vmem>>) semaphore(%run_scoped3A : memref<!tpu.dma_semaphore, #tpu.memory_space<semaphore_mem>>) {add = true}
        %dma_wait3A_68 = arith.constant 0 : i32
        %dma_wait3A_69 = tpu.memref_slice %arg9[%mul3A_38, %dma_wait3A_68] : memref<82x128xi32, #tpu.memory_space<vmem>> -> memref<1x128xi32, #tpu.memory_space<vmem>>
        %dma_wait3A_70 = tpu.memref_squeeze %dma_wait3A_69 : memref<1x128xi32, #tpu.memory_space<vmem>> -> memref<128xi32, #tpu.memory_space<vmem>>
        %dma_wait3A_71 = arith.constant 0 : i32
        %dma_wait3A_72 = arith.constant 0 : i32
        %dma_wait3A_73 = tpu.memref_slice %arg8[%dma_wait3A_71, %dma_wait3A_72] : memref<10112x128xf32, #tpu.memory_space<vmem_shared>> -> memref<10112x128xf32, #tpu.memory_space<vmem_shared>>
        tpu.wait_indirect_dma semaphore(%run_scoped3A : memref<!tpu.dma_semaphore, #tpu.memory_space<semaphore_mem>>) src(%arg10 : memref<128x128xf32, #tpu.memory_space<vmem>>) dst(%dma_wait3A_73 : memref<10112x128xf32, #tpu.memory_space<vmem_shared>>)
        tpu.yield
      }) : () -> ()
      %lt3A = arith.constant 40 : i32
      %lt3A_54 = arith.cmpi slt, %scan3A_36, %lt3A : i32
      %convert_element_type3A = arith.extui %lt3A_54 : i1 to i32
      %cond3A = arith.constant 0 : i32
      %cond3A_55 = arith.cmpi ne, %convert_element_type3A, %cond3A : i32
      scf.if %cond3A_55 {
        %add3A_62 = arith.constant 2 : i32
        %add3A_63 = arith.addi %mul3A_38, %add3A_62 : i32
        %mul3A_64 = arith.constant 128 : i32
        %mul3A_65 = arith.muli %add3A_63, %mul3A_64 : i32
        %add3A_66 = arith.addi %mul3A_4, %mul3A_65 : i32
        %dma_start3A_67 = arith.constant 0 : i32
        %dma_start3A_68 = tpu.memref_slice %arg7[%add3A_66, %dma_start3A_67] : memref<335872x128xf32, #tpu.memory_space<hbm>> -> memref<128x128xf32, #tpu.memory_space<hbm>>
        %dma_start3A_69 = arith.constant 0 : i32
        %dma_start3A_70 = tpu.memref_slice %arg7[%add3A_66, %dma_start3A_69] : memref<335872x128xf32, #tpu.memory_space<hbm>> -> memref<128x128xf32, #tpu.memory_space<hbm>>
        tpu.enqueue_dma source(%dma_start3A_70 : memref<128x128xf32, #tpu.memory_space<hbm>>) target(%arg10 : memref<128x128xf32, #tpu.memory_space<vmem>>) target_semaphore(%arg12 : memref<!tpu.dma_semaphore, #tpu.memory_space<semaphore_mem>>)
      } else {
      }
      %dma_wait3A_56 = arith.constant 0 : i32
      %dma_wait3A_57 = arith.constant 0 : i32
      %dma_wait3A_58 = tpu.memref_slice %arg7[%dma_wait3A_56, %dma_wait3A_57] : memref<335872x128xf32, #tpu.memory_space<hbm>> -> memref<128x128xf32, #tpu.memory_space<hbm>>
      %dma_wait3A_59 = arith.constant 0 : i32
      %dma_wait3A_60 = arith.constant 0 : i32
      %dma_wait3A_61 = tpu.memref_slice %arg7[%dma_wait3A_59, %dma_wait3A_60] : memref<335872x128xf32, #tpu.memory_space<hbm>> -> memref<128x128xf32, #tpu.memory_space<hbm>>
      tpu.wait_dma2 semaphore(%arg13 : memref<!tpu.dma_semaphore, #tpu.memory_space<semaphore_mem>>) src(%dma_wait3A_61 : memref<128x128xf32, #tpu.memory_space<hbm>>) dst(%arg11 : memref<128x128xf32, #tpu.memory_space<vmem>>)
      "tpu.region"() ({
        %run_scoped3A = tpu.sem_alloc : memref<!tpu.dma_semaphore, #tpu.memory_space<semaphore_mem>>
        %dma_start3A_62 = arith.constant 0 : i32
        %dma_start3A_63 = tpu.memref_slice %arg9[%add3A_40, %dma_start3A_62] : memref<82x128xi32, #tpu.memory_space<vmem>> -> memref<1x128xi32, #tpu.memory_space<vmem>>
        %dma_start3A_64 = tpu.memref_squeeze %dma_start3A_63 : memref<1x128xi32, #tpu.memory_space<vmem>> -> memref<128xi32, #tpu.memory_space<vmem>>
        %dma_start3A_65 = arith.constant 0 : i32
        %dma_start3A_66 = arith.constant 0 : i32
        %dma_start3A_67 = tpu.memref_slice %arg8[%dma_start3A_65, %dma_start3A_66] : memref<10112x128xf32, #tpu.memory_space<vmem_shared>> -> memref<10112x128xf32, #tpu.memory_space<vmem_shared>>
        tpu.enqueue_indirect_dma source(%arg11 : memref<128x128xf32, #tpu.memory_space<vmem>>) target(%dma_start3A_67 : memref<10112x128xf32, #tpu.memory_space<vmem_shared>>) offsets(%dma_start3A_64 : memref<128xi32, #tpu.memory_space<vmem>>) semaphore(%run_scoped3A : memref<!tpu.dma_semaphore, #tpu.memory_space<semaphore_mem>>) {add = true}
        %dma_wait3A_68 = arith.constant 0 : i32
        %dma_wait3A_69 = tpu.memref_slice %arg9[%add3A_40, %dma_wait3A_68] : memref<82x128xi32, #tpu.memory_space<vmem>> -> memref<1x128xi32, #tpu.memory_space<vmem>>
        %dma_wait3A_70 = tpu.memref_squeeze %dma_wait3A_69 : memref<1x128xi32, #tpu.memory_space<vmem>> -> memref<128xi32, #tpu.memory_space<vmem>>
        %dma_wait3A_71 = arith.constant 0 : i32
        %dma_wait3A_72 = arith.constant 0 : i32
        %dma_wait3A_73 = tpu.memref_slice %arg8[%dma_wait3A_71, %dma_wait3A_72] : memref<10112x128xf32, #tpu.memory_space<vmem_shared>> -> memref<10112x128xf32, #tpu.memory_space<vmem_shared>>
        tpu.wait_indirect_dma semaphore(%run_scoped3A : memref<!tpu.dma_semaphore, #tpu.memory_space<semaphore_mem>>) src(%arg11 : memref<128x128xf32, #tpu.memory_space<vmem>>) dst(%dma_wait3A_73 : memref<10112x128xf32, #tpu.memory_space<vmem_shared>>)
        tpu.yield
      }) : () -> ()
    }
    %scan3A_34 = arith.constant 41 : i32
    %barrier3A_35 = arith.constant 0 : index
    tpu.barrier barrier_id(%barrier3A_35)
    "tpu.region"() ({
      %run_scoped3A = tpu.sem_alloc : memref<!tpu.dma_semaphore, #tpu.memory_space<semaphore_mem>>
      %dma_start3A_36 = arith.constant 0 : i32
      %dma_start3A_37 = arith.constant 0 : i32
      %dma_start3A_38 = tpu.memref_slice %arg6[%arg0, %dma_start3A_36, %dma_start3A_37] : memref<2x10112x128xf32, #tpu.memory_space<hbm>> -> memref<1x10112x128xf32, #tpu.memory_space<hbm>>
      %dma_start3A_39 = tpu.memref_squeeze %dma_start3A_38 : memref<1x10112x128xf32, #tpu.memory_space<hbm>> -> memref<10112x128xf32, #tpu.memory_space<hbm>>
      %dma_start3A_40 = arith.constant 0 : i32
      %dma_start3A_41 = tpu.memref_slice %dma_start3A_39[%mul3A_6, %dma_start3A_40] : memref<10112x128xf32, #tpu.memory_space<hbm>> -> memref<632x128xf32, #tpu.memory_space<hbm>>
      %dma_start3A_42 = arith.constant 0 : i32
      %dma_start3A_43 = tpu.memref_slice %arg8[%mul3A_6, %dma_start3A_42] : memref<10112x128xf32, #tpu.memory_space<vmem_shared>> -> memref<632x128xf32, #tpu.memory_space<vmem_shared>>
      tpu.enqueue_dma source(%dma_start3A_43 : memref<632x128xf32, #tpu.memory_space<vmem_shared>>) target(%dma_start3A_41 : memref<632x128xf32, #tpu.memory_space<hbm>>) target_semaphore(%run_scoped3A : memref<!tpu.dma_semaphore, #tpu.memory_space<semaphore_mem>>)
      %dma_wait3A_44 = arith.constant 0 : i32
      %dma_wait3A_45 = arith.constant 0 : i32
      %dma_wait3A_46 = tpu.memref_slice %arg6[%arg0, %dma_wait3A_44, %dma_wait3A_45] : memref<2x10112x128xf32, #tpu.memory_space<hbm>> -> memref<1x10112x128xf32, #tpu.memory_space<hbm>>
      %dma_wait3A_47 = tpu.memref_squeeze %dma_wait3A_46 : memref<1x10112x128xf32, #tpu.memory_space<hbm>> -> memref<10112x128xf32, #tpu.memory_space<hbm>>
      %dma_wait3A_48 = arith.constant 0 : i32
      %dma_wait3A_49 = tpu.memref_slice %dma_wait3A_47[%mul3A_6, %dma_wait3A_48] : memref<10112x128xf32, #tpu.memory_space<hbm>> -> memref<632x128xf32, #tpu.memory_space<hbm>>
      %dma_wait3A_50 = arith.constant 0 : i32
      %dma_wait3A_51 = tpu.memref_slice %arg8[%mul3A_6, %dma_wait3A_50] : memref<10112x128xf32, #tpu.memory_space<vmem_shared>> -> memref<632x128xf32, #tpu.memory_space<vmem_shared>>
      tpu.wait_dma2 semaphore(%run_scoped3A : memref<!tpu.dma_semaphore, #tpu.memory_space<semaphore_mem>>) src(%dma_wait3A_51 : memref<632x128xf32, #tpu.memory_space<vmem_shared>>) dst(%dma_wait3A_49 : memref<632x128xf32, #tpu.memory_space<hbm>>)
      tpu.yield
    }) : () -> ()
    return
  }
}

module attributes {stable_mosaic.version = 14 : i64} {
  func.func @_tc_pre_body(%arg0: i32, %arg1: memref<1264x128xf32, #tpu.memory_space<vmem>>, %arg2: memref<1264x16xf32, #tpu.memory_space<vmem>>, %arg3: memref<1264x16xf32, #tpu.memory_space<vmem>>, %arg4: memref<128x128xf32, #tpu.memory_space<vmem>>, %arg5: memref<1264x128xf32, #tpu.memory_space<vmem>>, %arg6: memref<1264x16xf32, #tpu.memory_space<vmem>>) attributes {dimension_semantics = [#tpu.dimension_semantics<arbitrary>], iteration_bounds = array<i64: 8>, scalar_prefetch = 0 : i64, scratch_operands = 0 : i64, tpu.core_type = #tpu.core_type<tc>, window_params = [{transform_indices = @transform_0, window_bounds = array<i64: 1264, 128>}, {transform_indices = @transform_1, window_bounds = array<i64: 1264, 16>}, {transform_indices = @transform_2, window_bounds = array<i64: 1264, 16>}, {pipeline_mode = #tpu.pipeline_mode<synchronous>, transform_indices = @transform_3, window_bounds = array<i64: 128, 128>}, {transform_indices = @transform_4, window_bounds = array<i64: 1264, 128>}, {transform_indices = @transform_5, window_bounds = array<i64: 1264, 16>}]} {
    %get3A = arith.constant 0 : index
    %get3A_0 = arith.constant 0 : index
    %get3A_1 = vector.load %arg2[%get3A, %get3A_0] : memref<1264x16xf32, #tpu.memory_space<vmem>>, vector<1264x16xf32>
    %get3A_2 = arith.constant 0 : index
    %get3A_3 = arith.constant 0 : index
    %get3A_4 = vector.load %arg3[%get3A_2, %get3A_3] : memref<1264x16xf32, #tpu.memory_space<vmem>>, vector<1264x16xf32>
    %add3A = arith.addf %get3A_1, %get3A_4 : vector<1264x16xf32>
    %max3A = arith.constant 9.99999996E-13 : f32
    %max3A_5 = vector.broadcast %max3A : f32 to vector<1264x16xf32>
    %max3A_6 = arith.maximumf %add3A, %max3A_5 : vector<1264x16xf32>
    %rsqrt3A = math.rsqrt %max3A_6 : vector<1264x16xf32>
    %slice3A = vector.extract_strided_slice %rsqrt3A {offsets = [0, 0], sizes = [1264, 1], strides = [1, 1]} : vector<1264x16xf32> to vector<1264x1xf32>
    %get3A_7 = arith.constant 0 : index
    %get3A_8 = arith.constant 0 : index
    %get3A_9 = vector.load %arg1[%get3A_7, %get3A_8] : memref<1264x128xf32, #tpu.memory_space<vmem>>, vector<1264x128xf32>
    %get3A_10 = arith.constant 0 : index
    %get3A_11 = arith.constant 0 : index
    %get3A_12 = vector.load %arg4[%get3A_10, %get3A_11] : memref<128x128xf32, #tpu.memory_space<vmem>>, vector<128x128xf32>
    %dot_general3A = arith.constant dense<0.000000e+00> : vector<1264x128xf32>
    %dot_general3A_13 = tpu.matmul %get3A_9, %get3A_12, %dot_general3A {dimension_numbers = #tpu.dot_dimension_numbers<[1], [0], [0], [1], [0, 0, 1, 1], [], []>, transpose_lhs_hint = false} : vector<1264x128xf32>, vector<128x128xf32>, vector<1264x128xf32> -> vector<1264x128xf32>
    %mul3A = vector.broadcast %slice3A : vector<1264x1xf32> to vector<1264x128xf32>
    %mul3A_14 = arith.mulf %dot_general3A_13, %mul3A : vector<1264x128xf32>
    %swap3A = arith.constant 0 : index
    %swap3A_15 = arith.constant 0 : index
    %swap3A_16 = vector.load %arg5[%swap3A, %swap3A_15] : memref<1264x128xf32, #tpu.memory_space<vmem>>, vector<1264x128xf32>
    tpu.vector_store %arg5[%swap3A, %swap3A_15], %mul3A_14 {strides = array<i32>} : memref<1264x128xf32, #tpu.memory_space<vmem>>, vector<1264x128xf32>,
    %swap3A_17 = arith.constant 0 : index
    %swap3A_18 = arith.constant 0 : index
    %swap3A_19 = vector.load %arg6[%swap3A_17, %swap3A_18] : memref<1264x16xf32, #tpu.memory_space<vmem>>, vector<1264x16xf32>
    tpu.vector_store %arg6[%swap3A_17, %swap3A_18], %rsqrt3A {strides = array<i32>} : memref<1264x16xf32, #tpu.memory_space<vmem>>, vector<1264x16xf32>,
    return
  }
  func.func @transform_0(%arg0: i32) -> (i32, i32) {
    %c0_i32 = arith.constant 0 : i32
    %c0_i32_0 = arith.constant 0 : i32
    return %arg0, %c0_i32 : i32, i32
  }
  func.func @transform_1(%arg0: i32) -> (i32, i32) {
    %c0_i32 = arith.constant 0 : i32
    %c0_i32_0 = arith.constant 0 : i32
    return %arg0, %c0_i32 : i32, i32
  }
  func.func @transform_2(%arg0: i32) -> (i32, i32) {
    %c0_i32 = arith.constant 0 : i32
    %c0_i32_0 = arith.constant 0 : i32
    return %arg0, %c0_i32 : i32, i32
  }
  func.func @transform_3(%arg0: i32) -> (i32, i32) {
    %c0_i32 = arith.constant 0 : i32
    %c0_i32_0 = arith.constant 0 : i32
    %c0_i32_1 = arith.constant 0 : i32
    return %c0_i32, %c0_i32_0 : i32, i32
  }
  func.func @transform_4(%arg0: i32) -> (i32, i32) {
    %c0_i32 = arith.constant 0 : i32
    %c0_i32_0 = arith.constant 0 : i32
    return %arg0, %c0_i32 : i32, i32
  }
  func.func @transform_5(%arg0: i32) -> (i32, i32) {
    %c0_i32 = arith.constant 0 : i32
    %c0_i32_0 = arith.constant 0 : i32
    return %arg0, %c0_i32 : i32, i32
  }
}

module attributes {stable_mosaic.version = 14 : i64} {
  func.func @_tc_mid_body(%arg0: i32, %arg1: memref<1264x128xf32, #tpu.memory_space<vmem>>, %arg2: memref<1264x128xf32, #tpu.memory_space<vmem>>, %arg3: memref<1264x16xf32, #tpu.memory_space<vmem>>, %arg4: memref<1x128xf32, #tpu.memory_space<vmem>>, %arg5: memref<128x128xf32, #tpu.memory_space<vmem>>, %arg6: memref<1264x128xf32, #tpu.memory_space<vmem>>) attributes {dimension_semantics = [#tpu.dimension_semantics<arbitrary>], iteration_bounds = array<i64: 8>, scalar_prefetch = 0 : i64, scratch_operands = 0 : i64, tpu.core_type = #tpu.core_type<tc>, window_params = [{transform_indices = @transform_0, window_bounds = array<i64: 1264, 128>}, {transform_indices = @transform_1, window_bounds = array<i64: 1264, 128>}, {transform_indices = @transform_2, window_bounds = array<i64: 1264, 16>}, {pipeline_mode = #tpu.pipeline_mode<synchronous>, transform_indices = @transform_3, window_bounds = array<i64: 1, 128>}, {pipeline_mode = #tpu.pipeline_mode<synchronous>, transform_indices = @transform_4, window_bounds = array<i64: 128, 128>}, {transform_indices = @transform_5, window_bounds = array<i64: 1264, 128>}]} {
    %get3A = arith.constant 0 : index
    %get3A_0 = arith.constant 0 : index
    %get3A_1 = vector.load %arg3[%get3A, %get3A_0] : memref<1264x16xf32, #tpu.memory_space<vmem>>, vector<1264x1xf32>
    %get3A_2 = arith.constant 0 : index
    %get3A_3 = arith.constant 0 : index
    %get3A_4 = vector.load %arg1[%get3A_2, %get3A_3] : memref<1264x128xf32, #tpu.memory_space<vmem>>, vector<1264x128xf32>
    %get3A_5 = arith.constant 0 : index
    %get3A_6 = arith.constant 0 : index
    %get3A_7 = vector.load %arg2[%get3A_5, %get3A_6] : memref<1264x128xf32, #tpu.memory_space<vmem>>, vector<1264x128xf32>
    %add3A = arith.addf %get3A_4, %get3A_7 : vector<1264x128xf32>
    %mul3A = vector.broadcast %get3A_1 : vector<1264x1xf32> to vector<1264x128xf32>
    %mul3A_8 = arith.mulf %add3A, %mul3A : vector<1264x128xf32>
    %get3A_9 = arith.constant 0 : index
    %get3A_10 = arith.constant 0 : index
    %get3A_11 = vector.load %arg4[%get3A_9, %get3A_10] : memref<1x128xf32, #tpu.memory_space<vmem>>, vector<1x128xf32>
    %add3A_12 = vector.broadcast %get3A_11 : vector<1x128xf32> to vector<1264x128xf32>
    %add3A_13 = arith.addf %mul3A_8, %add3A_12 : vector<1264x128xf32>
    %max3A = arith.constant 0.000000e+00 : f32
    %max3A_14 = vector.broadcast %max3A : f32 to vector<1264x128xf32>
    %max3A_15 = arith.maximumf %add3A_13, %max3A_14 : vector<1264x128xf32>
    %get3A_16 = arith.constant 0 : index
    %get3A_17 = arith.constant 0 : index
    %get3A_18 = vector.load %arg5[%get3A_16, %get3A_17] : memref<128x128xf32, #tpu.memory_space<vmem>>, vector<128x128xf32>
    %dot_general3A = arith.constant dense<0.000000e+00> : vector<1264x128xf32>
    %dot_general3A_19 = tpu.matmul %max3A_15, %get3A_18, %dot_general3A {dimension_numbers = #tpu.dot_dimension_numbers<[1], [0], [0], [1], [0, 0, 1, 1], [], []>, transpose_lhs_hint = false} : vector<1264x128xf32>, vector<128x128xf32>, vector<1264x128xf32> -> vector<1264x128xf32>
    %mul3A_20 = vector.broadcast %get3A_1 : vector<1264x1xf32> to vector<1264x128xf32>
    %mul3A_21 = arith.mulf %dot_general3A_19, %mul3A_20 : vector<1264x128xf32>
    %swap3A = arith.constant 0 : index
    %swap3A_22 = arith.constant 0 : index
    %swap3A_23 = vector.load %arg6[%swap3A, %swap3A_22] : memref<1264x128xf32, #tpu.memory_space<vmem>>, vector<1264x128xf32>
    tpu.vector_store %arg6[%swap3A, %swap3A_22], %mul3A_21 {strides = array<i32>} : memref<1264x128xf32, #tpu.memory_space<vmem>>, vector<1264x128xf32>,
    return
  }
  func.func @transform_0(%arg0: i32) -> (i32, i32) {
    %c0_i32 = arith.constant 0 : i32
    %c0_i32_0 = arith.constant 0 : i32
    return %arg0, %c0_i32 : i32, i32
  }
  func.func @transform_1(%arg0: i32) -> (i32, i32) {
    %c0_i32 = arith.constant 0 : i32
    %c0_i32_0 = arith.constant 0 : i32
    return %arg0, %c0_i32 : i32, i32
  }
  func.func @transform_2(%arg0: i32) -> (i32, i32) {
    %c0_i32 = arith.constant 0 : i32
    %c0_i32_0 = arith.constant 0 : i32
    return %arg0, %c0_i32 : i32, i32
  }
  func.func @transform_3(%arg0: i32) -> (i32, i32) {
    %c0_i32 = arith.constant 0 : i32
    %c0_i32_0 = arith.constant 0 : i32
    %c0_i32_1 = arith.constant 0 : i32
    return %c0_i32, %c0_i32_0 : i32, i32
  }
  func.func @transform_4(%arg0: i32) -> (i32, i32) {
    %c0_i32 = arith.constant 0 : i32
    %c0_i32_0 = arith.constant 0 : i32
    %c0_i32_1 = arith.constant 0 : i32
    return %c0_i32, %c0_i32_0 : i32, i32
  }
  func.func @transform_5(%arg0: i32) -> (i32, i32) {
    %c0_i32 = arith.constant 0 : i32
    %c0_i32_0 = arith.constant 0 : i32
    return %arg0, %c0_i32 : i32, i32
  }
}

module attributes {stable_mosaic.version = 14 : i64} {
  func.func @_tc_final_body(%arg0: i32, %arg1: memref<2000x128xf32, #tpu.memory_space<vmem>>, %arg2: memref<2000x128xf32, #tpu.memory_space<vmem>>, %arg3: memref<2000x16xf32, #tpu.memory_space<vmem>>, %arg4: memref<1x128xf32, #tpu.memory_space<vmem>>, %arg5: memref<128x1xf32, #tpu.memory_space<vmem>>, %arg6: memref<1x1xf32, #tpu.memory_space<vmem>>, %arg7: memref<2000x1xf32, #tpu.memory_space<vmem>>) attributes {dimension_semantics = [#tpu.dimension_semantics<arbitrary>], iteration_bounds = array<i64: 5>, scalar_prefetch = 0 : i64, scratch_operands = 0 : i64, tpu.core_type = #tpu.core_type<tc>, window_params = [{transform_indices = @transform_0, window_bounds = array<i64: 2000, 128>}, {transform_indices = @transform_1, window_bounds = array<i64: 2000, 128>}, {transform_indices = @transform_2, window_bounds = array<i64: 2000, 16>}, {pipeline_mode = #tpu.pipeline_mode<synchronous>, transform_indices = @transform_3, window_bounds = array<i64: 1, 128>}, {pipeline_mode = #tpu.pipeline_mode<synchronous>, transform_indices = @transform_4, window_bounds = array<i64: 128, 1>}, {pipeline_mode = #tpu.pipeline_mode<synchronous>, transform_indices = @transform_5, window_bounds = array<i64: 1, 1>}, {transform_indices = @transform_6, window_bounds = array<i64: 2000, 1>}]} {
    %get3A = arith.constant 0 : index
    %get3A_0 = arith.constant 0 : index
    %get3A_1 = vector.load %arg3[%get3A, %get3A_0] : memref<2000x16xf32, #tpu.memory_space<vmem>>, vector<2000x1xf32>
    %get3A_2 = arith.constant 0 : index
    %get3A_3 = arith.constant 0 : index
    %get3A_4 = vector.load %arg1[%get3A_2, %get3A_3] : memref<2000x128xf32, #tpu.memory_space<vmem>>, vector<2000x128xf32>
    %get3A_5 = arith.constant 0 : index
    %get3A_6 = arith.constant 0 : index
    %get3A_7 = vector.load %arg2[%get3A_5, %get3A_6] : memref<2000x128xf32, #tpu.memory_space<vmem>>, vector<2000x128xf32>
    %add3A = arith.addf %get3A_4, %get3A_7 : vector<2000x128xf32>
    %mul3A = vector.broadcast %get3A_1 : vector<2000x1xf32> to vector<2000x128xf32>
    %mul3A_8 = arith.mulf %add3A, %mul3A : vector<2000x128xf32>
    %get3A_9 = arith.constant 0 : index
    %get3A_10 = arith.constant 0 : index
    %get3A_11 = vector.load %arg4[%get3A_9, %get3A_10] : memref<1x128xf32, #tpu.memory_space<vmem>>, vector<1x128xf32>
    %add3A_12 = vector.broadcast %get3A_11 : vector<1x128xf32> to vector<2000x128xf32>
    %add3A_13 = arith.addf %mul3A_8, %add3A_12 : vector<2000x128xf32>
    %max3A = arith.constant 0.000000e+00 : f32
    %max3A_14 = vector.broadcast %max3A : f32 to vector<2000x128xf32>
    %max3A_15 = arith.maximumf %add3A_13, %max3A_14 : vector<2000x128xf32>
    %get3A_16 = arith.constant 0 : index
    %get3A_17 = arith.constant 0 : index
    %get3A_18 = vector.load %arg5[%get3A_16, %get3A_17] : memref<128x1xf32, #tpu.memory_space<vmem>>, vector<128x1xf32>
    %dot_general3A = arith.constant dense<0.000000e+00> : vector<2000x1xf32>
    %dot_general3A_19 = tpu.matmul %max3A_15, %get3A_18, %dot_general3A {dimension_numbers = #tpu.dot_dimension_numbers<[1], [0], [0], [1], [0, 0, 1, 1], [], []>, transpose_lhs_hint = false} : vector<2000x128xf32>, vector<128x1xf32>, vector<2000x1xf32> -> vector<2000x1xf32>
    %get3A_20 = arith.constant 0 : index
    %get3A_21 = arith.constant 0 : index
    %get3A_22 = vector.load %arg6[%get3A_20, %get3A_21] : memref<1x1xf32, #tpu.memory_space<vmem>>, vector<1x1xf32>
    %add3A_23 = vector.broadcast %get3A_22 : vector<1x1xf32> to vector<2000x1xf32>
    %add3A_24 = arith.addf %dot_general3A_19, %add3A_23 : vector<2000x1xf32>
    %swap3A = arith.constant 0 : index
    %swap3A_25 = arith.constant 0 : index
    %swap3A_26 = vector.load %arg7[%swap3A, %swap3A_25] : memref<2000x1xf32, #tpu.memory_space<vmem>>, vector<2000x1xf32>
    tpu.vector_store %arg7[%swap3A, %swap3A_25], %add3A_24 {strides = array<i32>} : memref<2000x1xf32, #tpu.memory_space<vmem>>, vector<2000x1xf32>,
    return
  }
  func.func @transform_0(%arg0: i32) -> (i32, i32) {
    %c0_i32 = arith.constant 0 : i32
    %c0_i32_0 = arith.constant 0 : i32
    return %arg0, %c0_i32 : i32, i32
  }
  func.func @transform_1(%arg0: i32) -> (i32, i32) {
    %c0_i32 = arith.constant 0 : i32
    %c0_i32_0 = arith.constant 0 : i32
    return %arg0, %c0_i32 : i32, i32
  }
  func.func @transform_2(%arg0: i32) -> (i32, i32) {
    %c0_i32 = arith.constant 0 : i32
    %c0_i32_0 = arith.constant 0 : i32
    return %arg0, %c0_i32 : i32, i32
  }
  func.func @transform_3(%arg0: i32) -> (i32, i32) {
    %c0_i32 = arith.constant 0 : i32
    %c0_i32_0 = arith.constant 0 : i32
    %c0_i32_1 = arith.constant 0 : i32
    return %c0_i32, %c0_i32_0 : i32, i32
  }
  func.func @transform_4(%arg0: i32) -> (i32, i32) {
    %c0_i32 = arith.constant 0 : i32
    %c0_i32_0 = arith.constant 0 : i32
    %c0_i32_1 = arith.constant 0 : i32
    return %c0_i32, %c0_i32_0 : i32, i32
  }
  func.func @transform_5(%arg0: i32) -> (i32, i32) {
    %c0_i32 = arith.constant 0 : i32
    %c0_i32_0 = arith.constant 0 : i32
    %c0_i32_1 = arith.constant 0 : i32
    return %c0_i32, %c0_i32_0 : i32, i32
  }
  func.func @transform_6(%arg0: i32) -> (i32, i32) {
    %c0_i32 = arith.constant 0 : i32
    %c0_i32_0 = arith.constant 0 : i32
    return %arg0, %c0_i32 : i32, i32
  }
}

</mosaic_0001>

<sc_bundles>
// kernel: kernel.10.cloned.1.call-start
scs
__scs_entry_jumppad:
0x0: {  	(pc) =	sbr.rel $0x88, $3  }
0x1: {  	(tag) =	ssettag $0x0;
	lr =	simm.s32 $0x1  }
0x2: {  	[smem:$0x3F97] =	sst lr;
	_ =	strace $0xD0000000  }
0x3: {  	_ = 	snop  }
0x4: {  	_ = 	snop  }
0x5: {  	_ = 	snop  }
0x6: {  	_ = 	snop  }
0x7: {  	_ = 	snop  }
__scs_overlays_trampoline_lowered:
0x8: {  	[smem:$0x3FA6] =	sst s0  }
0x9: {  	[smem:$0x3FA7] =	sst s1  }
0xa: {  	[smem:$0x3FA8] =	sst s2  }
0xb: {  	[smem:$0x3FA9] =	sst s3  }
0xc: {  	[smem:$0x3FAA] =	sst s4  }
0xd: {  	[smem:$0x3FAB] =	sst s5  }
0xe: {  	[smem:$0x3FAC] =	sst s6  }
0xf: {  	[smem:$0x3FAD] =	sst s7  }
0x10: {  	[smem:$0x3FAE] =	sst s8  }
0x11: {  	[smem:$0x3FAF] =	sst s9;
	s0 =	simm.s32 @!p0 $0x0  }
0x12: {  	s1 =	sld [smem:$0x3F95];
	s0 =	simm.s32 @p0 $0x1  }
0x13: {  	[smem:$0x3FB0] =	sst s0;
	s0 =	simm.s32 @!p1 $0x0  }
0x14: {  	s2 =	sld [smem:$0x3F94];
	s0 =	simm.s32 @p1 $0x1  }
0x15: {  	[smem:$0x3FB1] =	sst s0;
	s0 =	simm.s32 @!p2 $0x0  }
0x16: {  	s3 =	sld [smem:$0x3FDB];
	s0 =	simm.s32 @p2 $0x1  }
0x17: {  	s4 =	simm.s32 $0x1BF5;
	[smem:$0x3FB3] =	sst s0  }
0x18: {  	s0 =	sld [smem:$0x3F96];
	_ =	swait.ge [sflag:s4], $0x0  }
0x19: {  	s7 =	sld [smem:$0x3F97]  }
0x1a: {  	s8 =	sadd.s32 $0xFFFFE003, lr  }
0x1b: {  	s9 =	sadd.s32 $0xFFFFFEF7, lr;
	s5 =	simm.s32 $0xFFFFFFFF;
	p2 =	slt.u32 s8, $0xFFFFF086  }
0x1c: {  	p1 =	slt.u32 s9, $0xF7A;
	s5 =	simm.s32 @!p2 $0x0  }
0x1d: {  	s5 =	simm.s32 @p1 $0x1;
	p0 =	seq.s32 s7, s2  }
0x1e: {  	s7 =	smul.u32 @!p0 $0xF7A, s2;
	p2 =	seq.s32 @!p0 s5, $0x0  }
0x1f: {  	s9 =	smul.u32 $0xF7A, s1;
	s8 =	simm.s32 @!p0 $0x1BF5;
	p2 =	por !p2, p0  }
0x20: {  	[sflag:s8] =	ssyncset.s32 @!p0 $0xFFFFF086;
	s6 =	sadd.s32 @!p0 s3, s7;
	s7 =	simm.s32 @!p0 $0x108  }
0x21: {  	s3 =	sadd.s32 s3, s9;
	s6 =	sadd.s32 @!p0 $0x88, s6;
	s7 =	simm.s32 @p2 $0x1082  }
0x22: {  	[simem:s7], [sflag:s8] =	dma.local @!p0 [hbm:s6], $0xF7A  }
0x23: {  	s9 =	sor.u32 $0xD0000000, s2;
	s6 =	simm.s32 $0x108;
	_ =	swait.ge @!p0 [sflag:s8], $0x0  }
0x24: {  	s3 =	sadd.s32 $0x88, s3;
	s6 =	simm.s32 @!p1 $0x1082;
	[sflag:s4] =	ssyncset.s32 $0xFFFFF086  }
0x25: {  	[simem:s6], [sflag:s4] =	dma.local [hbm:s3], $0xF7A  }
0x26: {  	[smem:$0x3F97] =	sst s1;
	(tag) =	ssettag s2;
	_ =	strace s9  }
0x27: {  	s1 =	sld [smem:$0x3FA7]  }
0x28: {  	s2 =	sld [smem:$0x3FA8]  }
0x29: {  	s4 =	sld [smem:$0x3FAA]  }
0x2a: {  	p0 =	seq.s32 s5, $0x0;
	s5 =	sld [smem:$0x3FAB]  }
0x2b: {  	s6 =	sld [smem:$0x3FAC]  }
0x2c: {  	s7 =	sld [smem:$0x3FAD]  }
0x2d: {  	s3 =	simm.s32 $0x108;
	s8 =	sld [smem:$0x3FAE]  }
0x2e: {  	s3 =	simm.s32 @!p0 $0x1082;
	s9 =	sld [smem:$0x3FAF]  }
0x2f: {  	lr =	sadd.s32 s0, s3;
	s0 =	sld [smem:$0x3FA6]  }
0x30: {  	s3 =	sld [smem:$0x3FA9]  }
0x31: {  	[smem:$0x3FB2] =	sst s10  }
0x32: {  	s10 =	sld [smem:$0x3FB0];
	_ =	sdelay $0x3  }
0x33: {  	p0 =	seq.s32 s10, $0x1;
	s10 =	sld [smem:$0x3FB2];
	_ =	sdelay $0x3  }
0x34: {  	[smem:$0x3FB2] =	sst s10  }
0x35: {  	s10 =	sld [smem:$0x3FB1];
	_ =	sdelay $0x3  }
0x36: {  	p1 =	seq.s32 s10, $0x1;
	s10 =	sld [smem:$0x3FB2];
	_ =	sdelay $0x3  }
0x37: {  	[smem:$0x3FB2] =	sst s10  }
0x38: {  	s10 =	sld [smem:$0x3FB3]  }
0x39: {  	_ = 	snop;
	(pc) =	sbr.ind lr, $3  }
0x3a: {  	_ = 	snop  }
0x3b: {  	_ = 	snop  }
0x3c: {  	p2 =	seq.s32 s10, $0x1;
	s10 =	sld [smem:$0x3FB2]  }
0x3d: {  	_ =	shalt  }
0x3e: {  	_ =	shalt  }
0x3f: {  	_ =	shalt  }
0x40: {  	_ =	shalt  }
0x41: {  	_ =	shalt  }
0x42: {  	_ =	shalt  }
0x43: {  	_ =	shalt  }
0x44: {  	_ =	shalt  }
0x45: {  	_ =	shalt  }
0x46: {  	_ =	shalt  }
0x47: {  	_ =	shalt  }
0x48: {  	_ =	shalt  }
0x49: {  	_ =	shalt  }
0x4a: {  	_ =	shalt  }
0x4b: {  	_ =	shalt  }
0x4c: {  	_ =	shalt  }
0x4d: {  	_ =	shalt  }
0x4e: {  	_ =	shalt  }
0x4f: {  	_ =	shalt  }
0x50: {  	_ =	shalt  }
0x51: {  	_ =	shalt  }
0x52: {  	_ =	shalt  }
0x53: {  	_ =	shalt  }
0x54: {  	_ =	shalt  }
0x55: {  	_ =	shalt  }
0x56: {  	_ =	shalt  }
0x57: {  	_ =	shalt  }
0x58: {  	_ =	shalt  }
0x59: {  	_ =	shalt  }
0x5a: {  	_ =	shalt  }
0x5b: {  	_ =	shalt  }
0x5c: {  	_ =	shalt  }
0x5d: {  	_ =	shalt  }
0x5e: {  	_ =	shalt  }
0x5f: {  	_ =	shalt  }
0x60: {  	_ =	shalt  }
0x61: {  	_ =	shalt  }
0x62: {  	_ =	shalt  }
0x63: {  	_ =	shalt  }
0x64: {  	_ =	shalt  }
0x65: {  	_ =	shalt  }
0x66: {  	_ =	shalt  }
0x67: {  	_ =	shalt  }
0x68: {  	_ =	shalt  }
0x69: {  	_ =	shalt  }
0x6a: {  	_ =	shalt  }
0x6b: {  	_ =	shalt  }
0x6c: {  	_ =	shalt  }
0x6d: {  	_ =	shalt  }
0x6e: {  	_ =	shalt  }
0x6f: {  	_ =	shalt  }
0x70: {  	_ =	shalt  }
0x71: {  	_ =	shalt  }
0x72: {  	_ =	shalt  }
0x73: {  	_ =	shalt  }
0x74: {  	_ =	shalt  }
0x75: {  	_ =	shalt  }
0x76: {  	_ =	shalt  }
0x77: {  	_ =	shalt  }
0x78: {  	_ =	shalt  }
0x79: {  	_ =	shalt  }
0x7a: {  	_ =	shalt  }
0x7b: {  	_ =	shalt  }
0x7c: {  	_ =	shalt  }
0x7d: {  	_ =	shalt  }
0x7e: {  	_ =	shalt  }
0x7f: {  	_ =	shalt  }
0x80: {  	_ =	shalt  }
0x81: {  	_ =	shalt  }
0x82: {  	_ =	shalt  }
0x83: {  	_ =	shalt  }
0x84: {  	_ =	shalt  }
0x85: {  	_ =	shalt  }
0x86: {  	_ =	shalt  }
0x87: {  	_ =	shalt  }
.Lfunc_end0:
.L_simem_size_0:
called_computation_lowered:
.L_overlay_start_0:
0x88: {  	s2 =	sld [smem:$0x3FD9]  }
0x89: {  	s3 =	sld [smem:$0x3FFE];
	_ =	sdelay $0x1  }
0x8a: {  	s1 =	srdreg.scid  }
0x8b: {  	s0 =	sand.u32 $0x1, s1  }
0x8c: {  	s16 =	sshll.u32 s0, $0xA;
	s2 =	sadd.s32 s3, s2  }
0x8d: {  	s2 =	sadd.s32 s2, s16  }
0x8e: {  	[smem:$0x3FBE] =	sst s2  }
0x8f: {  	_ = 	snop  }
0x90: {  	(tm) =	ssettm $0x1  }
0x91: {  	s17 =	sld [smem:$0x3FFB];
	_ =	sdelay $0x3  }
0x92: {  	_ =	strace s17  }
0x93: {  	s2 =	sld [smem:$0x3FFC];
	_ =	sdelay $0x3  }
0x94: {  	_ =	strace s2  }
0x95: {  	s2 =	sld [smem:$0x3FFD];
	_ =	sdelay $0x3  }
0x96: {  	_ =	strace s2  }
0x97: {  	_ =	strace $0x8FFFFFFF  }
0x98: {  	s18 =	sld [smem:$0x3FDB];
	_ =	sdelay $0x1  }
0x99: {  	s19 =	simm.s32 $_scs_section_size  }
0x9a: {  	s4 =	simm.s32 $_size__tile_overlayer_lowered;
	s5 =	simm.s32 $_tile_overlayer_lowered  }
0x9b: {  	s22 =	simm.s32 $0x1BFF;
	s21 =	sshll.u32 s5, $0x1;
	s2 =	sadd.s32 s19, s18  }
0x9c: {  	s6 =	simm.s32 $0x0;
	s20 =	sshll.u32 s4, $0x1;
	s4 =	sadd.s32 s21, s2  }
0x9d: {  	[timem:s6], [sflag:s22] =	dma.local [hbm:s4], s20  }
0x9e: {  	_ =	swait.ge [sflag:s22], s20  }
0x9f: {  	s3 =	ssub.s32 $0x0, s20;
	[sflag:s22] =	ssyncset.done $0x0  }
0xa0: {  	[sflag:s22] =	ssyncadd.s32 s3;
	_ =	sdelay $0x1  }
0xa1: {  	s23 =	simm.s32 $0x1B8B  }
0xa2: {  	_ =	swait.ge [sflag:s23], $0x1  }
0xa3: {  	[sflag:s23] =	ssyncset.done $0x0  }
0xa4: {  	s25 =	simm.s32 $0x1B8E;
	s24 =	sld [smem:$0x3FFE];
	[sflag:s23] =	ssyncadd.s32 $0xFFFFFFFF  }
0xa5: {  	s26 =	simm.s32 $execute0_lowered;
	[smem:$0x3FD2] =	sst s25  }
0xa6: {  	s4 =	sshll.u32 s26, $0x1;
	_ =	strace $0x80000046;
	[dreg:$0x1] =	wrdreg $0xFFFFFFFF  }
0xa7: {  	s28 =	simm.s32 $_size_execute0_lowered;
	s2 =	sadd.s32 s2, s4;
	[dreg:$0x0] =	wrdreg $0x0  }
0xa8: {  	s4 =	sshll.u32 s28, $0x1;
	[dreg:$0x2] =	wrdreg s2  }
0xa9: {  	[dreg:$0x3] =	wrdreg s4  }
0xaa: {  	[dreg:$0x4] =	wrdreg $0xC0  }
0xab: {  	_ =	task [dreg:s6], $0x5FFFF  }
0xac: {  	[dreg:$0x1] =	wrdreg $0xFFFFFFFF  }
0xad: {  	[dreg:$0x0] =	wrdreg $0x60  }
0xae: {  	[dreg:$0x2] =	wrdreg s24  }
0xaf: {  	[dreg:$0x3] =	wrdreg $0x0  }
0xb0: {  	[dreg:$0x4] =	wrdreg $0x9  }
0xb1: {  	_ =	task.clear_ibuf [dreg:s6], $0x5FFFF;
	_ =	strace $0x90000046  }
0xb2: {  	s29 =	simm.s32 $0x9;
	_ =	strace $0x80000048  }
0xb3: {  	_ =	swait.ge [sflag:s29], $0x1  }
0xb4: {  	[sflag:s29] =	ssyncadd.s32 $0xFFFFFFFF  }
0xb5: {  	_ =	strace $0x90000048  }
0xb6: {  	_ =	sfence  }
0xb7: {  	s30 =	sld [smem:$0x0];
	_ =	sdelay $0x2  }
0xb8: {  	s31 =	sshll.u32 s1, $0xD;
	s1 =	sshrl.u32 s1, $0x2  }
0xb9: {  	s3 =	sand.u32 $0x4000, s31;
	s1 =	sadd.s32 s1, s30  }
0xba: {  	s0 =	sor.u32 s3, s0;
	s1 =	sshll.u32 s1, $0x11  }
0xbb: {  	s0 =	sor.u32 s1, s0  }
0xbc: {  	s0 =	sadd.s32 $0x8F2B, s0  }
0xbd: {  	[sflag:s0] =	ssyncadd.remote.s32 $0x1  }
0xbe: {  	_ =	sfence.sel $0xFFFF  }
0xbf: {  	[dreg:$0x0] =	wrdreg $0xFFFFFFFF;
	(pc) =	sbr.abs _section_cstart, $3  }
0xc0: {  	[dreg:$0x1] =	wrdreg $0xFFFFFFFF  }
0xc1: {  	_ =	task.clear_ibuf [dreg:s6], $0x2FFFF;
	_ =	strace $0x9FFFFFFF  }
0xc2: {  	(tm) =	ssettm $0x7FFFFFFF  }
0xc3: {  	_ =	shalt  }
tec
execute0_lowered:
.L_overlay_start_1:
0x0: {  	(tag) =	ssettag $0x1  }
0x1: {  	s6 =	rddreg [dreg:$0x0]  }
0x2: {  	s0 =	srdreg.scid;
	s2 =	rddreg [dreg:$0x1];
	s3 =	simm.s32 $0x0  }
0x3: {  	s13 =	simm.s32 $0x80;
	s5 =	sand.u32 $0x1, s0;
	s0 =	stileid.u32  }
0x4: {  	s14 =	simm.s32 $0x1;
	s15 =	simm.s32 $0x2;
	s17 =	smul.u32 $0x2780, s0  }
0x5: {  	s16 =	simm.s32 $0x5000;
	[smem:$0x7FF] =	sst s3;
	s7 =	smul.u32 $0x27800, s5  }
0x6: {  	s1 =	sshll.u32 s5, $0x4;
	s9 =	smul.u32 $0x4F000, s0;
	s5 =	ssub.s32 $0x2, s5  }
0x7: {  	s31 =	sshll.u32 s0, $0x6;
	s1 =	sor.u32 s0, s1;
	s28 =	sshrl.u32 s5, $0x1  }
0x8: {  	s4 =	smul.u32 $0x580, s1;
	s1 =	rddreg [dreg:$0x2];
	_ =	strace $0x80000047  }
0x9: {  	s10 =	sadd.s32 s17, s6;
	s11 =	sadd.s32 s7, s6;
	s29 =	sshrl.u32 s9, $0x2  }
0xa: {  	s30 =	ssub.s32 s5, s28;
	s12 =	sadd.s32 s29, s2;
	s5 =	sadd.s32 $0xDE00, s10  }
0xb: {  	s18 =	sadd.s32 $0x35E00, s11;
	s10 =	simm.s32 $0x3;
	s11 =	simm.s32 $0x2780  }
0xc: {  	s8 =	sadd.s32 s4, s6;
	s4 =	sadd.s32 $0x35600, s6;
	s6 =	sor.u32 $0x1C03, s31  }
0xd: {  	s9 =	sshrl.u32 s12, $0x3;
	s12 =	simm.s32 $0x5380;
	s17 =	sadd.s32 s17, s18  }
0xe: {  	s18 =	simm.s32 $0x0;
	s7 =	sadd.s32 $0x2E00, s8;
	s8 =	smax.u32 s30, $0x1  }
.LBB2_1:
0xf: {  	[spmem:s9], [sflag:s6] =	dma.local [hbm:s5], $0x2780  }
0x10: {  	_ =	swait.ge [sflag:s10], $0x2780  }
0x11: {  	[sflag:s10] =	ssyncset.done $0x0  }
0x12: {  	[sflag:s10] =	ssyncadd.s32 $0xFFFFD880  }
0x13: {  	[tilespmem:s11], [sflag:$0x3] =	stream.linear.gather [hbm4b:s7+s3], $0x2900, $0x38;
	[tilespmem:$0x9380] =	vst v63  }
0x14: {  	_ =	swait.ge [sflag:s10], $0x2900  }
0x15: {  	[sflag:s10] =	ssyncset.done $0x0  }
0x16: {  	[sflag:s10] =	ssyncadd.s32 $0xFFFFD700  }
0x17: {  	[tilespmem:s12], [sflag:$0x3] =	stream.linear.gather [hbm4b:s4+s3], $0x4000, $0x38;
	[tilespmem:$0x9380] =	vst v63  }
0x18: {  	_ =	swait.ge [sflag:s10], $0x4000  }
0x19: {  	[sflag:s10] =	ssyncset.done $0x0  }
0x1a: {  	[sflag:s10] =	ssyncadd.s32 $0xFFFFC000  }
0x1b: {  	[bflag:$0x0] =	sbarrier.arrive $0xFFFF  }
0x1c: {  	[spmem:s2] =	stream.indirect.scatter.add.f32 [tilespmem:s12], [sflag:$0x1], $0x10, s11, s13, $0xb8;
	[tilespmem:$0x9380] =	vst v63  }
0x1d: {  	s19 =	simm.s32 $0x2800  }
0x1e: {  	[spmem:s2] =	stream.indirect.scatter.add.f32 [tilespmem:s12], [sflag:$0x2], $0x10, s19, s13, $0xb8;
	[tilespmem:$0x9380] =	vst v63  }
0x1f: {  	_ =	swait.ge [sflag:s14], $0x800  }
0x20: {  	[sflag:s14] =	ssyncset.done $0x0  }
0x21: {  	s31 =	simm.s32 $0x2880;
	[sflag:s14] =	ssyncadd.s32 $0xFFFFF800  }
0x22: {  	[spmem:s2] =	stream.indirect.scatter.add.f32 [tilespmem:s12], [sflag:$0x1], $0x10, s31, s13, $0xb8;
	[tilespmem:$0x9380] =	vst v63  }
0x23: {  	_ =	swait.ge [sflag:s15], $0x800  }
0x24: {  	s20 =	simm.s32 $0xFFFF6800;
	s19 =	simm.s32 $0xFFFFD900;
	[sflag:s15] =	ssyncset.done $0x0  }
.LBB2_2:
0x25: {  	s21 =	sadd.s32 $0x5000, s19  }
0x26: {  	[sflag:s15] =	ssyncadd.s32 $0xFFFFF800;
	s22 =	smov.u32 s20;
	s23 =	sadd.s32 $0x400, s20  }
0x27: {  	[spmem:s2] =	stream.indirect.scatter.add.f32 [tilespmem:s12], [sflag:$0x2], $0x10, s21, s13, $0xb8;
	[tilespmem:$0x9380] =	vst v63  }
0x28: {  	p0 =	sne.s32 s20, $0xFFFFFC00;
	_ =	swait.ge [sflag:s14], $0x800  }
.Ltmp0:
0x29: {  	[sflag:s14] =	ssyncset.done $0x0;
	(pc) =	sbr.rel @p0 .LBB2_2-.Ltmp0, $4  }
0x2a: {  	s19 =	sadd.s32 $0x5080, s19;
	[sflag:s14] =	ssyncadd.s32 $0xFFFFF800  }
0x2b: {  	[spmem:s2] =	stream.indirect.scatter.add.f32 [tilespmem:s12], [sflag:$0x1], $0x10, s19, s13, $0xb8;
	[tilespmem:$0x9380] =	vst v63  }
0x2c: {  	_ =	swait.ge [sflag:s15], $0x800  }
0x2d: {  	s20 =	smov.u32 s23;
	s19 =	sshra.s32 s22, $0x2;
	[sflag:s15] =	ssyncset.done $0x0  }
0x2e: {  	s20 =	sadd.s32 $0x5000, s19;
	[sflag:s15] =	ssyncadd.s32 $0xFFFFF800  }
0x2f: {  	[spmem:s2] =	stream.indirect.scatter.add.f32 [tilespmem:s12], [sflag:$0x2], $0x10, s20, s13, $0xb8;
	[tilespmem:$0x9380] =	vst v63  }
0x30: {  	_ =	swait.ge [sflag:s14], $0x800  }
0x31: {  	[sflag:s14] =	ssyncset.done $0x0  }
0x32: {  	s31 =	sadd.s32 $0x5080, s19;
	[sflag:s14] =	ssyncadd.s32 $0xFFFFF800  }
0x33: {  	[spmem:s2] =	stream.indirect.scatter.add.f32 [tilespmem:s12], [sflag:$0x1], $0x10, s31, s13, $0xb8;
	[tilespmem:$0x9380] =	vst v63  }
0x34: {  	_ =	swait.ge [sflag:s15], $0x800  }
0x35: {  	[sflag:s15] =	ssyncset.done $0x0  }
0x36: {  	[sflag:s15] =	ssyncadd.s32 $0xFFFFF800  }
0x37: {  	[spmem:s2] =	stream.indirect.scatter.add.f32 [tilespmem:s12], [sflag:$0x2], $0x10, s16, s13, $0xb8;
	[tilespmem:$0x9380] =	vst v63  }
0x38: {  	_ =	swait.ge [sflag:s14], $0x800  }
0x39: {  	[sflag:s14] =	ssyncset.done $0x0  }
0x3a: {  	[sflag:s14] =	ssyncadd.s32 $0xFFFFF800  }
0x3b: {  	_ =	swait.ge [sflag:s15], $0x800  }
0x3c: {  	s18 =	sadd.s32 $0x1, s18;
	[sflag:s15] =	ssyncset.done $0x0  }
0x3d: {  	p0 =	sne.s32 s18, s8;
	[sflag:s15] =	ssyncadd.s32 $0xFFFFF800  }
.Ltmp1:
0x3e: {  	[bflag:$0x0] =	sbarrier.arrive $0xFFFF;
	(pc) =	sbr.rel @p0 .LBB2_1-.Ltmp1, $4  }
0x3f: {  	[hbm:s17], [sflag:s6] =	dma.local [spmem:s9], $0x2780  }
0x40: {  	_ =	swait.ge [sflag:s10], $0x2780  }
0x41: {  	[sflag:s10] =	ssyncset.done $0x0  }
0x42: {  	[sflag:s10] =	ssyncadd.s32 $0xFFFFD880  }
0x43: {  	_ =	sfence.sel $0x180000  }
0x44: {  	[bflag:$0x0] =	sbarrier.arrive $0xFFFF  }
0x45: {  	p0 =	sne.s32 s0, $0x0;
	_ =	strace $0x90000047  }
0x46: {  	s0 =	sadd.s32 @!p0 $0x100000, s1;
	[bflag:$0x2] =	sbarrier.arrive $0xFFFF  }
0x47: {  	[sflag:s0] =	ssyncadd.tile.s32 @!p0 $0x1;
	_ =	shalt  }
.Lfunc_end2:
_tile_overlayer_lowered:
.L_overlay_start_2:
0x48: {  	(tag) =	ssettag $0x2  }
0x49: {  	s0 =	rddreg [dreg:$0x0];
	s2 =	stileid.u32  }
0x4a: {  	s1 =	rddreg [dreg:$0x1];
	p0 =	sne.s32 s2, $0x0  }
0x4b: {  	s3 =	rddreg [dreg:$0x2];
	[bflag:$0x3] =	sbarrier.arrive $0xFFFF;
	s2 =	simm.s32 @!p0 $0x1C03  }
0x4c: {  	[timem:s3], [sflag:s2] =	dma.local @!p0 [hbm:s0], s1  }
0x4d: {  	s0 =	simm.s32 @!p0 $0x3  }
0x4e: {  	_ =	swait.ge @!p0 [sflag:s0], s1  }
0x4f: {  	s1 =	ssub.s32 @!p0 $0x0, s1;
	[sflag:s0] =	ssyncset.done @!p0 $0x0  }
0x50: {  	[sflag:s0] =	ssyncadd.s32 @!p0 s1  }
0x51: {  	[bflag:$0x3] =	sbarrier.arrive $0xFFFF  }
0x52: {  	_ =	shalt  }

// kernel: kernel.13.cloned.1.call-start
scs
__scs_entry_jumppad:
0x0: {  	(pc) =	sbr.rel $0x88, $3  }
0x1: {  	(tag) =	ssettag $0x0;
	lr =	simm.s32 $0x1  }
0x2: {  	[smem:$0x3F97] =	sst lr;
	_ =	strace $0xD0000000  }
0x3: {  	_ = 	snop  }
0x4: {  	_ = 	snop  }
0x5: {  	_ = 	snop  }
0x6: {  	_ = 	snop  }
0x7: {  	_ = 	snop  }
__scs_overlays_trampoline_lowered:
0x8: {  	[smem:$0x3FA6] =	sst s0  }
0x9: {  	[smem:$0x3FA7] =	sst s1  }
0xa: {  	[smem:$0x3FA8] =	sst s2  }
0xb: {  	[smem:$0x3FA9] =	sst s3  }
0xc: {  	[smem:$0x3FAA] =	sst s4  }
0xd: {  	[smem:$0x3FAB] =	sst s5  }
0xe: {  	[smem:$0x3FAC] =	sst s6  }
0xf: {  	[smem:$0x3FAD] =	sst s7  }
0x10: {  	[smem:$0x3FAE] =	sst s8  }
0x11: {  	[smem:$0x3FAF] =	sst s9;
	s0 =	simm.s32 @!p0 $0x0  }
0x12: {  	s1 =	sld [smem:$0x3F95];
	s0 =	simm.s32 @p0 $0x1  }
0x13: {  	[smem:$0x3FB0] =	sst s0;
	s0 =	simm.s32 @!p1 $0x0  }
0x14: {  	s2 =	sld [smem:$0x3F94];
	s0 =	simm.s32 @p1 $0x1  }
0x15: {  	[smem:$0x3FB1] =	sst s0;
	s0 =	simm.s32 @!p2 $0x0  }
0x16: {  	s3 =	sld [smem:$0x3FDB];
	s0 =	simm.s32 @p2 $0x1  }
0x17: {  	s4 =	simm.s32 $0x1BF5;
	[smem:$0x3FB3] =	sst s0  }
0x18: {  	s0 =	sld [smem:$0x3F96];
	_ =	swait.ge [sflag:s4], $0x0  }
0x19: {  	s7 =	sld [smem:$0x3F97]  }
0x1a: {  	s8 =	sadd.s32 $0xFFFFE003, lr  }
0x1b: {  	s9 =	sadd.s32 $0xFFFFFEF7, lr;
	s5 =	simm.s32 $0xFFFFFFFF;
	p2 =	slt.u32 s8, $0xFFFFF086  }
0x1c: {  	p1 =	slt.u32 s9, $0xF7A;
	s5 =	simm.s32 @!p2 $0x0  }
0x1d: {  	s5 =	simm.s32 @p1 $0x1;
	p0 =	seq.s32 s7, s2  }
0x1e: {  	s7 =	smul.u32 @!p0 $0xF7A, s2;
	p2 =	seq.s32 @!p0 s5, $0x0  }
0x1f: {  	s9 =	smul.u32 $0xF7A, s1;
	s8 =	simm.s32 @!p0 $0x1BF5;
	p2 =	por !p2, p0  }
0x20: {  	[sflag:s8] =	ssyncset.s32 @!p0 $0xFFFFF086;
	s6 =	sadd.s32 @!p0 s3, s7;
	s7 =	simm.s32 @!p0 $0x108  }
0x21: {  	s3 =	sadd.s32 s3, s9;
	s6 =	sadd.s32 @!p0 $0x88, s6;
	s7 =	simm.s32 @p2 $0x1082  }
0x22: {  	[simem:s7], [sflag:s8] =	dma.local @!p0 [hbm:s6], $0xF7A  }
0x23: {  	s9 =	sor.u32 $0xD0000000, s2;
	s6 =	simm.s32 $0x108;
	_ =	swait.ge @!p0 [sflag:s8], $0x0  }
0x24: {  	s3 =	sadd.s32 $0x88, s3;
	s6 =	simm.s32 @!p1 $0x1082;
	[sflag:s4] =	ssyncset.s32 $0xFFFFF086  }
0x25: {  	[simem:s6], [sflag:s4] =	dma.local [hbm:s3], $0xF7A  }
0x26: {  	[smem:$0x3F97] =	sst s1;
	(tag) =	ssettag s2;
	_ =	strace s9  }
0x27: {  	s1 =	sld [smem:$0x3FA7]  }
0x28: {  	s2 =	sld [smem:$0x3FA8]  }
0x29: {  	s4 =	sld [smem:$0x3FAA]  }
0x2a: {  	p0 =	seq.s32 s5, $0x0;
	s5 =	sld [smem:$0x3FAB]  }
0x2b: {  	s6 =	sld [smem:$0x3FAC]  }
0x2c: {  	s7 =	sld [smem:$0x3FAD]  }
0x2d: {  	s3 =	simm.s32 $0x108;
	s8 =	sld [smem:$0x3FAE]  }
0x2e: {  	s3 =	simm.s32 @!p0 $0x1082;
	s9 =	sld [smem:$0x3FAF]  }
0x2f: {  	lr =	sadd.s32 s0, s3;
	s0 =	sld [smem:$0x3FA6]  }
0x30: {  	s3 =	sld [smem:$0x3FA9]  }
0x31: {  	[smem:$0x3FB2] =	sst s10  }
0x32: {  	s10 =	sld [smem:$0x3FB0];
	_ =	sdelay $0x3  }
0x33: {  	p0 =	seq.s32 s10, $0x1;
	s10 =	sld [smem:$0x3FB2];
	_ =	sdelay $0x3  }
0x34: {  	[smem:$0x3FB2] =	sst s10  }
0x35: {  	s10 =	sld [smem:$0x3FB1];
	_ =	sdelay $0x3  }
0x36: {  	p1 =	seq.s32 s10, $0x1;
	s10 =	sld [smem:$0x3FB2];
	_ =	sdelay $0x3  }
0x37: {  	[smem:$0x3FB2] =	sst s10  }
0x38: {  	s10 =	sld [smem:$0x3FB3]  }
0x39: {  	_ = 	snop;
	(pc) =	sbr.ind lr, $3  }
0x3a: {  	_ = 	snop  }
0x3b: {  	_ = 	snop  }
0x3c: {  	p2 =	seq.s32 s10, $0x1;
	s10 =	sld [smem:$0x3FB2]  }
0x3d: {  	_ =	shalt  }
0x3e: {  	_ =	shalt  }
0x3f: {  	_ =	shalt  }
0x40: {  	_ =	shalt  }
0x41: {  	_ =	shalt  }
0x42: {  	_ =	shalt  }
0x43: {  	_ =	shalt  }
0x44: {  	_ =	shalt  }
0x45: {  	_ =	shalt  }
0x46: {  	_ =	shalt  }
0x47: {  	_ =	shalt  }
0x48: {  	_ =	shalt  }
0x49: {  	_ =	shalt  }
0x4a: {  	_ =	shalt  }
0x4b: {  	_ =	shalt  }
0x4c: {  	_ =	shalt  }
0x4d: {  	_ =	shalt  }
0x4e: {  	_ =	shalt  }
0x4f: {  	_ =	shalt  }
0x50: {  	_ =	shalt  }
0x51: {  	_ =	shalt  }
0x52: {  	_ =	shalt  }
0x53: {  	_ =	shalt  }
0x54: {  	_ =	shalt  }
0x55: {  	_ =	shalt  }
0x56: {  	_ =	shalt  }
0x57: {  	_ =	shalt  }
0x58: {  	_ =	shalt  }
0x59: {  	_ =	shalt  }
0x5a: {  	_ =	shalt  }
0x5b: {  	_ =	shalt  }
0x5c: {  	_ =	shalt  }
0x5d: {  	_ =	shalt  }
0x5e: {  	_ =	shalt  }
0x5f: {  	_ =	shalt  }
0x60: {  	_ =	shalt  }
0x61: {  	_ =	shalt  }
0x62: {  	_ =	shalt  }
0x63: {  	_ =	shalt  }
0x64: {  	_ =	shalt  }
0x65: {  	_ =	shalt  }
0x66: {  	_ =	shalt  }
0x67: {  	_ =	shalt  }
0x68: {  	_ =	shalt  }
0x69: {  	_ =	shalt  }
0x6a: {  	_ =	shalt  }
0x6b: {  	_ =	shalt  }
0x6c: {  	_ =	shalt  }
0x6d: {  	_ =	shalt  }
0x6e: {  	_ =	shalt  }
0x6f: {  	_ =	shalt  }
0x70: {  	_ =	shalt  }
0x71: {  	_ =	shalt  }
0x72: {  	_ =	shalt  }
0x73: {  	_ =	shalt  }
0x74: {  	_ =	shalt  }
0x75: {  	_ =	shalt  }
0x76: {  	_ =	shalt  }
0x77: {  	_ =	shalt  }
0x78: {  	_ =	shalt  }
0x79: {  	_ =	shalt  }
0x7a: {  	_ =	shalt  }
0x7b: {  	_ =	shalt  }
0x7c: {  	_ =	shalt  }
0x7d: {  	_ =	shalt  }
0x7e: {  	_ =	shalt  }
0x7f: {  	_ =	shalt  }
0x80: {  	_ =	shalt  }
0x81: {  	_ =	shalt  }
0x82: {  	_ =	shalt  }
0x83: {  	_ =	shalt  }
0x84: {  	_ =	shalt  }
0x85: {  	_ =	shalt  }
0x86: {  	_ =	shalt  }
0x87: {  	_ =	shalt  }
.Lfunc_end0:
.L_simem_size_0:
called_computation.1_lowered:
.L_overlay_start_0:
0x88: {  	s2 =	sld [smem:$0x3FD9]  }
0x89: {  	s3 =	sld [smem:$0x3FFE];
	_ =	sdelay $0x1  }
0x8a: {  	s1 =	srdreg.scid  }
0x8b: {  	s0 =	sand.u32 $0x1, s1  }
0x8c: {  	s17 =	sshll.u32 s0, $0xA;
	s2 =	sadd.s32 s3, s2  }
0x8d: {  	s3 =	sadd.s32 s2, s17  }
0x8e: {  	[smem:$0x3FBE] =	sst s3  }
0x8f: {  	_ = 	snop  }
0x90: {  	(tm) =	ssettm $0x1  }
0x91: {  	s18 =	sld [smem:$0x3FFB];
	_ =	sdelay $0x3  }
0x92: {  	_ =	strace s18  }
0x93: {  	s3 =	sld [smem:$0x3FFC];
	_ =	sdelay $0x3  }
0x94: {  	_ =	strace s3  }
0x95: {  	s3 =	sld [smem:$0x3FFD];
	_ =	sdelay $0x3  }
0x96: {  	_ =	strace s3  }
0x97: {  	_ =	strace $0x8FFFFFFF  }
0x98: {  	s19 =	sld [smem:$0x3FDB];
	_ =	sdelay $0x1  }
0x99: {  	s4 =	simm.s32 $_scs_section_size  }
0x9a: {  	s5 =	simm.s32 $_size__tile_overlayer_lowered;
	s6 =	simm.s32 $_tile_overlayer_lowered  }
0x9b: {  	s22 =	simm.s32 $0x1BFF;
	s21 =	sshll.u32 s6, $0x1;
	s3 =	sadd.s32 s4, s19  }
0x9c: {  	s7 =	simm.s32 $0x0;
	s20 =	sshll.u32 s5, $0x1;
	s5 =	sadd.s32 s21, s3  }
0x9d: {  	[timem:s7], [sflag:s22] =	dma.local [hbm:s5], s20  }
0x9e: {  	_ =	swait.ge [sflag:s22], s20  }
0x9f: {  	s4 =	ssub.s32 $0x0, s20;
	[sflag:s22] =	ssyncset.done $0x0  }
0xa0: {  	[sflag:s22] =	ssyncadd.s32 s4;
	_ =	sdelay $0x1  }
0xa1: {  	s23 =	simm.s32 $0x1B8B  }
0xa2: {  	_ =	swait.ge [sflag:s23], $0x1  }
0xa3: {  	[sflag:s23] =	ssyncset.done $0x0  }
0xa4: {  	s25 =	simm.s32 $0x1B8E;
	s24 =	sld [smem:$0x3FFE];
	[sflag:s23] =	ssyncadd.s32 $0xFFFFFFFF  }
0xa5: {  	s26 =	simm.s32 $execute0_lowered;
	[smem:$0x3FD2] =	sst s25  }
0xa6: {  	s5 =	sshll.u32 s26, $0x1;
	_ =	strace $0x80000049;
	[dreg:$0x1] =	wrdreg $0xFFFFFFFF  }
0xa7: {  	s28 =	simm.s32 $_size_execute0_lowered;
	s3 =	sadd.s32 s3, s5;
	[dreg:$0x0] =	wrdreg $0x0  }
0xa8: {  	s5 =	sshll.u32 s28, $0x1;
	[dreg:$0x2] =	wrdreg s3  }
0xa9: {  	[dreg:$0x3] =	wrdreg s5  }
0xaa: {  	[dreg:$0x4] =	wrdreg $0xC0  }
0xab: {  	_ =	task [dreg:s7], $0x5FFFF  }
0xac: {  	[dreg:$0x1] =	wrdreg $0xFFFFFFFF  }
0xad: {  	[dreg:$0x0] =	wrdreg $0x60  }
0xae: {  	s2 =	sadd.s32 $0x800, s2;
	[dreg:$0x2] =	wrdreg s24  }
0xaf: {  	[dreg:$0x3] =	wrdreg s2  }
0xb0: {  	[dreg:$0x4] =	wrdreg $0x0  }
0xb1: {  	[dreg:$0x5] =	wrdreg $0x9  }
0xb2: {  	_ =	task.clear_ibuf [dreg:s7], $0x6FFFF;
	_ =	strace $0x90000049  }
0xb3: {  	s29 =	simm.s32 $0x9;
	_ =	strace $0x8000004B  }
0xb4: {  	_ =	swait.ge [sflag:s29], $0x1  }
0xb5: {  	[sflag:s29] =	ssyncadd.s32 $0xFFFFFFFF  }
0xb6: {  	_ =	strace $0x9000004B  }
0xb7: {  	_ =	sfence  }
0xb8: {  	s30 =	sld [smem:$0x0];
	_ =	sdelay $0x2  }
0xb9: {  	s31 =	sshll.u32 s1, $0xD;
	s1 =	sshrl.u32 s1, $0x2  }
0xba: {  	s3 =	sand.u32 $0x4000, s31;
	s1 =	sadd.s32 s1, s30  }
0xbb: {  	s0 =	sor.u32 s3, s0;
	s1 =	sshll.u32 s1, $0x11  }
0xbc: {  	s0 =	sor.u32 s1, s0  }
0xbd: {  	s0 =	sadd.s32 $0x8F2B, s0  }
0xbe: {  	[sflag:s0] =	ssyncadd.remote.s32 $0x1  }
0xbf: {  	_ =	sfence.sel $0xFFFF  }
0xc0: {  	[dreg:$0x0] =	wrdreg $0xFFFFFFFF;
	(pc) =	sbr.abs _section_cstart, $3  }
0xc1: {  	[dreg:$0x1] =	wrdreg $0xFFFFFFFF  }
0xc2: {  	_ =	task.clear_ibuf [dreg:s7], $0x2FFFF;
	_ =	strace $0x9FFFFFFF  }
0xc3: {  	(tm) =	ssettm $0x7FFFFFFF  }
tec
execute0_lowered:
.L_overlay_start_1:
0x0: {  	(tag) =	ssettag $0x1  }
0x1: {  	s0 =	srdreg.scid;
	s1 =	rddreg [dreg:$0x0]  }
0x2: {  	s14 =	stileid.u32;
	s2 =	rddreg [dreg:$0x1]  }
0x3: {  	s4 =	simm.s32 $0x0;
	s16 =	simm.s32 $0x13C00;
	s8 =	smul.u32 $0x2780, s14  }
0x4: {  	s17 =	simm.s32 $0x80;
	s29 =	simm.s32 $0x1A800;
	s9 =	smul.u32 $0x4F000, s14  }
0x5: {  	s30 =	simm.s32 $0x2;
	s31 =	simm.s32 $0x3;
	s22 =	smul.u32 $0x2900, s14  }
0x6: {  	s28 =	simm.s32 $0x16480;
	s0 =	sand.u32 $0x1, s0;
	s24 =	smul.u32 $0x148000, s14  }
0x7: {  	[smem:$0x7FF] =	sst s4;
	s21 =	sshll.u32 s14, $0x6;
	s7 =	smul.u32 $0x27800, s0  }
0x8: {  	s3 =	sshll.u32 s0, $0x4;
	s19 =	ssub.s32 $0x2, s0;
	s13 =	smul.u32 $0x1480000, s0  }
0x9: {  	s0 =	smul.u32 $0x29000, s0;
	s5 =	sor.u32 s14, s3;
	s3 =	rddreg [dreg:$0x2]  }
0xa: {  	_ =	strace $0x8000004A;
	s10 =	sadd.s32 s8, s1;
	s6 =	smul.u32 $0x580, s5  }
0xb: {  	s11 =	sshrl.u32 s19, $0x1;
	s9 =	sshrl.u32 s9, $0x2;
	s12 =	smul.u32 $0x148000, s5  }
0xc: {  	s11 =	ssub.s32 s19, s11;
	s9 =	sadd.s32 s9, s3;
	s20 =	sadd.s32 $0xDE00, s10  }
0xd: {  	s5 =	smul.u32 $0x29000, s5;
	s10 =	sadd.s32 $0x35600, s10;
	[dreg:$0x5] =	wrdreg s20  }
0xe: {  	s0 =	sadd.s32 s22, s0;
	s19 =	simm.s32 $0x16800;
	[dreg:$0x7] =	wrdreg s10  }
0xf: {  	s23 =	smax.u32 s11, $0x1;
	s10 =	sadd.s32 s24, s13;
	s0 =	sshll.u32 s0, $0x4  }
0x10: {  	s14 =	sshrl.u32 s9, $0x3;
	s6 =	sadd.s32 s6, s1;
	s1 =	sadd.s32 s7, s1  }
0x11: {  	s7 =	sor.u32 $0x1C05, s21;
	[dreg:$0x9] =	wrdreg s23;
	s23 =	sadd.s32 $0x28800, s5  }
0x12: {  	s12 =	sshrl.u32 s12, $0x3;
	[dreg:$0x4] =	wrdreg s5;
	s25 =	sor.u32 $0x800, s5  }
0x13: {  	s13 =	sadd.s32 $0x8000, s10;
	s26 =	sadd.s32 $0x1800, s0;
	s24 =	sadd.s32 $0x1000, s0  }
0x14: {  	s0 =	sor.u32 $0x800, s0;
	s15 =	sadd.s32 $0x84E00, s6;
	s6 =	sadd.s32 $0x2E00, s6  }
0x15: {  	s1 =	sadd.s32 $0x8FE00, s1;
	s22 =	sadd.s32 $0x28000, s12;
	s20 =	sadd.s32 s25, s2  }
0x16: {  	s21 =	sadd.s32 s2, s26;
	s23 =	sadd.s32 s23, s2;
	s24 =	sadd.s32 s2, s24  }
0x17: {  	s25 =	sadd.s32 s2, s0;
	s26 =	simm.s32 $0x1;
	[dreg:$0x6] =	wrdreg s15  }
0x18: {  	s0 =	simm.s32 $0x4;
	[dreg:$0x8] =	wrdreg s6;
	s15 =	simm.s32 $0x5  }
0x19: {  	s18 =	sadd.s32 s8, s1;
	s22 =	sadd.s32 s22, s2;
	s1 =	simm.s32 $0x0  }
.LBB2_1:
0x1a: {  	s5 =	rddreg [dreg:$0x5]  }
0x1b: {  	[spmem:s14], [sflag:s7] =	dma.local [hbm:s5], $0x2780  }
0x1c: {  	_ =	swait.ge [sflag:s15], $0x2780  }
0x1d: {  	[sflag:s15] =	ssyncset.done $0x0  }
0x1e: {  	s11 =	rddreg [dreg:$0x6];
	[sflag:s15] =	ssyncadd.s32 $0xFFFFD880  }
0x1f: {  	[tilespmem:s16], [sflag:$0x5] =	stream.linear.gather [hbm4b:s11+s4], $0x2900, $0x38;
	[tilespmem:$0x1E800] =	vst v63  }
0x20: {  	_ =	swait.ge [sflag:s15], $0x2900  }
0x21: {  	[sflag:s15] =	ssyncset.done $0x0  }
0x22: {  	[sflag:s15] =	ssyncadd.s32 $0xFFFFD700  }
0x23: {  	[bflag:$0x0] =	sbarrier.arrive $0xFFFF  }
0x24: {  	[tilespmem:s19], [sflag:$0x1] =	stream.indirect.gather [spmem:s3], $0x80, s16, s17, $0xb8;
	[tilespmem:$0x1E800] =	vst v63  }
0x25: {  	_ =	swait.ge [sflag:s26], $0x4000  }
0x26: {  	[sflag:s26] =	ssyncset.done $0x0  }
0x27: {  	s6 =	simm.s32 $0x13C80;
	[sflag:s26] =	ssyncadd.s32 $0xFFFFC000  }
0x28: {  	[tilespmem:s29], [sflag:$0x2] =	stream.indirect.gather [spmem:s3], $0x80, s6, s17, $0xb8;
	[tilespmem:$0x1E800] =	vst v63  }
0x29: {  	s6 =	sadd.s32 s12, s2  }
0x2a: {  	[hbm4b:s6+s4] =	stream.linear.scatter [tilespmem:s19], [sflag:$0x3], $0x4000, $0x38;
	[tilespmem:$0x1E800] =	vst v63  }
0x2b: {  	_ =	swait.ge [sflag:s30], $0x4000  }
0x2c: {  	[sflag:s30] =	ssyncset.done $0x0  }
0x2d: {  	[sflag:s30] =	ssyncadd.s32 $0xFFFFC000  }
0x2e: {  	_ =	swait.ge [sflag:s31], $0x4000  }
0x2f: {  	[sflag:s31] =	ssyncset.done $0x0  }
0x30: {  	s8 =	simm.s32 $0x13D00;
	[sflag:s31] =	ssyncadd.s32 $0xFFFFC000  }
0x31: {  	[tilespmem:s19], [sflag:$0x1] =	stream.indirect.gather [spmem:s3], $0x80, s8, s17, $0xb8;
	[tilespmem:$0x1E800] =	vst v63  }
0x32: {  	_ = 	snop  }
0x33: {  	[hbm4b:s20+s4] =	stream.linear.scatter [tilespmem:s29], [sflag:$0x4], $0x4000, $0x38;
	[tilespmem:$0x1E800] =	vst v63  }
0x34: {  	_ =	swait.ge [sflag:s26], $0x4000  }
0x35: {  	[sflag:s26] =	ssyncset.done $0x0  }
0x36: {  	[sflag:s26] =	ssyncadd.s32 $0xFFFFC000  }
0x37: {  	_ =	swait.ge [sflag:s0], $0x4000  }
0x38: {  	[sflag:s0] =	ssyncset.done $0x0  }
0x39: {  	s9 =	simm.s32 $0x13D80;
	s8 =	sshrl.u32 s13, $0x3;
	[sflag:s0] =	ssyncadd.s32 $0xFFFFC000  }
0x3a: {  	[tilespmem:s29], [sflag:$0x2] =	stream.indirect.gather [spmem:s3], $0x80, s9, s17, $0xb8;
	[tilespmem:$0x1E800] =	vst v63  }
0x3b: {  	s10 =	sadd.s32 s8, s2  }
0x3c: {  	[hbm4b:s10+s4] =	stream.linear.scatter [tilespmem:s19], [sflag:$0x3], $0x4000, $0x38;
	[tilespmem:$0x1E800] =	vst v63  }
0x3d: {  	_ =	swait.ge [sflag:s30], $0x4000  }
0x3e: {  	[sflag:s30] =	ssyncset.done $0x0  }
0x3f: {  	[sflag:s30] =	ssyncadd.s32 $0xFFFFC000  }
0x40: {  	s11 =	simm.s32 $0x13E00;
	_ =	swait.ge [sflag:s31], $0x4000  }
0x41: {  	s6 =	simm.s32 $0x1000;
	s8 =	simm.s32 $0x13F00;
	[sflag:s31] =	ssyncset.done $0x0  }
0x42: {  	s9 =	sadd.s32 $0x8000, s13;
	s10 =	sadd.s32 $0x0, s21;
	[sflag:s31] =	ssyncadd.s32 $0xFFFFC000  }
0x43: {  	[tilespmem:s19], [sflag:$0x1] =	stream.indirect.gather [spmem:s3], $0x80, s11, s17, $0xb8;
	[tilespmem:$0x1E800] =	vst v63  }
.LBB2_2:
0x44: {  	[hbm4b:s10+s4] =	stream.linear.scatter [tilespmem:s29], [sflag:$0x4], $0x4000, $0x38;
	[tilespmem:$0x1E800] =	vst v63  }
0x45: {  	s10 =	smov.u32 s6  }
0x46: {  	p0 =	sne.s32 s6, $0x26000;
	s6 =	sadd.s32 $0x1000, s6;
	_ =	swait.ge [sflag:s26], $0x4000  }
0x47: {  	[sflag:s26] =	ssyncset.done $0x0  }
0x48: {  	[sflag:s26] =	ssyncadd.s32 $0xFFFFC000  }
0x49: {  	_ =	swait.ge [sflag:s0], $0x4000  }
0x4a: {  	[sflag:s0] =	ssyncset.done $0x0  }
0x4b: {  	s11 =	sadd.s32 $0xFFFFFF80, s8;
	s5 =	sshrl.u32 s9, $0x3;
	[sflag:s0] =	ssyncadd.s32 $0xFFFFC000  }
0x4c: {  	[tilespmem:s29], [sflag:$0x2] =	stream.indirect.gather [spmem:s3], $0x80, s11, s17, $0xb8;
	[tilespmem:$0x1E800] =	vst v63  }
0x4d: {  	s5 =	sadd.s32 s5, s2  }
0x4e: {  	[hbm4b:s5+s4] =	stream.linear.scatter [tilespmem:s19], [sflag:$0x3], $0x4000, $0x38;
	[tilespmem:$0x1E800] =	vst v63  }
0x4f: {  	_ =	swait.ge [sflag:s30], $0x4000  }
0x50: {  	[sflag:s30] =	ssyncset.done $0x0  }
0x51: {  	[sflag:s30] =	ssyncadd.s32 $0xFFFFC000  }
.Ltmp0:
0x52: {  	_ =	swait.ge [sflag:s31], $0x4000;
	(pc) =	sbr.rel @p0 .LBB2_2-.Ltmp0, $4  }
0x53: {  	[sflag:s31] =	ssyncset.done $0x0  }
0x54: {  	[sflag:s31] =	ssyncadd.s32 $0xFFFFC000  }
0x55: {  	[tilespmem:s19], [sflag:$0x1] =	stream.indirect.gather [spmem:s3], $0x80, s8, s17, $0xb8;
	[tilespmem:$0x1E800] =	vst v63  }
0x56: {  	s9 =	sadd.s32 $0x8000, s9;
	s10 =	sadd.s32 s10, s21;
	s8 =	sadd.s32 $0x100, s8  }
0x57: {  	[hbm4b:s10+s4] =	stream.linear.scatter [tilespmem:s29], [sflag:$0x4], $0x4000, $0x38;
	[tilespmem:$0x1E800] =	vst v63  }
0x58: {  	_ =	swait.ge [sflag:s26], $0x4000  }
0x59: {  	[sflag:s26] =	ssyncset.done $0x0  }
0x5a: {  	[sflag:s26] =	ssyncadd.s32 $0xFFFFC000  }
0x5b: {  	_ =	swait.ge [sflag:s0], $0x4000  }
0x5c: {  	[sflag:s0] =	ssyncset.done $0x0  }
0x5d: {  	[sflag:s0] =	ssyncadd.s32 $0xFFFFC000  }
0x5e: {  	[tilespmem:s29], [sflag:$0x2] =	stream.indirect.gather [spmem:s3], $0x80, s28, s17, $0xb8;
	[tilespmem:$0x1E800] =	vst v63  }
0x5f: {  	s5 =	simm.s32 $0x0  }
0x60: {  	[hbm4b:s22+s5] =	stream.linear.scatter [tilespmem:s19], [sflag:$0x3], $0x4000, $0x38;
	[tilespmem:$0x1E800] =	vst v63  }
0x61: {  	_ =	swait.ge [sflag:s30], $0x4000  }
0x62: {  	[sflag:s30] =	ssyncset.done $0x0  }
0x63: {  	[sflag:s30] =	ssyncadd.s32 $0xFFFFC000  }
0x64: {  	_ =	swait.ge [sflag:s31], $0x4000  }
0x65: {  	[sflag:s31] =	ssyncset.done $0x0  }
0x66: {  	[sflag:s31] =	ssyncadd.s32 $0xFFFFC000  }
0x67: {  	[hbm4b:s23+s5] =	stream.linear.scatter [tilespmem:s29], [sflag:$0x4], $0x4000, $0x38;
	[tilespmem:$0x1E800] =	vst v63  }
0x68: {  	_ =	swait.ge [sflag:s0], $0x4000  }
0x69: {  	[sflag:s0] =	ssyncset.done $0x0  }
0x6a: {  	[sflag:s0] =	ssyncadd.s32 $0xFFFFC000  }
0x6b: {  	[bflag:$0x0] =	sbarrier.arrive $0xFFFF  }
0x6c: {  	s6 =	rddreg [dreg:$0x7]  }
0x6d: {  	[spmem:s14], [sflag:s7] =	dma.local [hbm:s6], $0x2780  }
0x6e: {  	_ =	swait.ge [sflag:s15], $0x2780  }
0x6f: {  	[sflag:s15] =	ssyncset.done $0x0  }
0x70: {  	s10 =	simm.s32 $0x13C00;
	s8 =	rddreg [dreg:$0x8];
	[sflag:s15] =	ssyncadd.s32 $0xFFFFD880  }
0x71: {  	[tilespmem:s10], [sflag:$0x5] =	stream.linear.gather [hbm4b:s8+s5], $0x2900, $0x38;
	[tilespmem:$0x1E800] =	vst v63  }
0x72: {  	_ =	swait.ge [sflag:s15], $0x2900  }
0x73: {  	[sflag:s15] =	ssyncset.done $0x0  }
0x74: {  	[sflag:s15] =	ssyncadd.s32 $0xFFFFD700  }
0x75: {  	[bflag:$0x0] =	sbarrier.arrive $0xFFFF  }
0x76: {  	s11 =	rddreg [dreg:$0x4]  }
0x77: {  	s8 =	sadd.s32 s11, s2  }
0x78: {  	[tilespmem:s19], [sflag:$0x1] =	stream.linear.gather [hbm4b:s8+s5], $0x4000, $0x38;
	[tilespmem:$0x1E800] =	vst v63  }
0x79: {  	s9 =	sadd.s32 $0x0, s25  }
0x7a: {  	[tilespmem:s29], [sflag:$0x2] =	stream.linear.gather [hbm4b:s9+s4], $0x4000, $0x38;
	[tilespmem:$0x1E800] =	vst v63  }
0x7b: {  	_ =	swait.ge [sflag:s26], $0x4000  }
0x7c: {  	[sflag:s26] =	ssyncset.done $0x0  }
0x7d: {  	[sflag:s26] =	ssyncadd.s32 $0xFFFFC000  }
0x7e: {  	[spmem:s3] =	stream.indirect.scatter.add.f32 [tilespmem:s19], [sflag:$0x5], $0x80, s10, s17, $0xb8;
	[tilespmem:$0x1E800] =	vst v63  }
0x7f: {  	_ =	swait.ge [sflag:s15], $0x4000  }
0x80: {  	[sflag:s15] =	ssyncset.done $0x0  }
0x81: {  	s10 =	sadd.s32 $0x0, s24;
	[sflag:s15] =	ssyncadd.s32 $0xFFFFC000  }
0x82: {  	[tilespmem:s19], [sflag:$0x1] =	stream.linear.gather [hbm4b:s10+s4], $0x4000, $0x38;
	[tilespmem:$0x1E800] =	vst v63  }
0x83: {  	_ =	swait.ge [sflag:s30], $0x4000  }
0x84: {  	[sflag:s30] =	ssyncset.done $0x0  }
0x85: {  	s11 =	simm.s32 $0x13C80;
	[sflag:s30] =	ssyncadd.s32 $0xFFFFC000  }
0x86: {  	[spmem:s3] =	stream.indirect.scatter.add.f32 [tilespmem:s29], [sflag:$0x5], $0x80, s11, s17, $0xb8;
	[tilespmem:$0x1E800] =	vst v63  }
0x87: {  	s6 =	simm.s32 $0x13D00;
	_ =	swait.ge [sflag:s15], $0x4000  }
0x88: {  	s8 =	simm.s32 $0x1000;
	s9 =	simm.s32 $0x2000;
	[sflag:s15] =	ssyncset.done $0x0  }
.LBB2_4:
0x89: {  	s5 =	sadd.s32 s8, s25  }
0x8a: {  	[sflag:s15] =	ssyncadd.s32 $0xFFFFC000;
	s10 =	smov.u32 s9;
	s11 =	sadd.s32 $0x1000, s9  }
0x8b: {  	[tilespmem:s29], [sflag:$0x2] =	stream.linear.gather [hbm4b:s5+s4], $0x4000, $0x38;
	[tilespmem:$0x1E800] =	vst v63  }
0x8c: {  	p0 =	sne.s32 s9, $0x27000;
	_ =	swait.ge [sflag:s26], $0x4000  }
0x8d: {  	[sflag:s26] =	ssyncset.done $0x0  }
0x8e: {  	[sflag:s26] =	ssyncadd.s32 $0xFFFFC000  }
0x8f: {  	[spmem:s3] =	stream.indirect.scatter.add.f32 [tilespmem:s19], [sflag:$0x5], $0x80, s6, s17, $0xb8;
	[tilespmem:$0x1E800] =	vst v63  }
0x90: {  	_ =	swait.ge [sflag:s15], $0x4000  }
0x91: {  	[sflag:s15] =	ssyncset.done $0x0  }
0x92: {  	s5 =	sadd.s32 s8, s24;
	s8 =	smov.u32 s10;
	[sflag:s15] =	ssyncadd.s32 $0xFFFFC000  }
0x93: {  	[tilespmem:s19], [sflag:$0x1] =	stream.linear.gather [hbm4b:s5+s4], $0x4000, $0x38;
	[tilespmem:$0x1E800] =	vst v63  }
0x94: {  	_ =	swait.ge [sflag:s30], $0x4000  }
.Ltmp1:
0x95: {  	[sflag:s30] =	ssyncset.done $0x0;
	(pc) =	sbr.rel @p0 .LBB2_4-.Ltmp1, $4  }
0x96: {  	s5 =	sadd.s32 $0x80, s6;
	[sflag:s30] =	ssyncadd.s32 $0xFFFFC000  }
0x97: {  	[spmem:s3] =	stream.indirect.scatter.add.f32 [tilespmem:s29], [sflag:$0x5], $0x80, s5, s17, $0xb8;
	[tilespmem:$0x1E800] =	vst v63  }
0x98: {  	_ =	swait.ge [sflag:s15], $0x4000  }
0x99: {  	s9 =	smov.u32 s11;
	s6 =	sadd.s32 $0x100, s6;
	[sflag:s15] =	ssyncset.done $0x0  }
0x9a: {  	s5 =	sadd.s32 s8, s25;
	[sflag:s15] =	ssyncadd.s32 $0xFFFFC000  }
0x9b: {  	[tilespmem:s29], [sflag:$0x2] =	stream.linear.gather [hbm4b:s5+s4], $0x4000, $0x38;
	[tilespmem:$0x1E800] =	vst v63  }
0x9c: {  	_ =	swait.ge [sflag:s26], $0x4000  }
0x9d: {  	[sflag:s26] =	ssyncset.done $0x0  }
0x9e: {  	[sflag:s26] =	ssyncadd.s32 $0xFFFFC000  }
0x9f: {  	[spmem:s3] =	stream.indirect.scatter.add.f32 [tilespmem:s19], [sflag:$0x5], $0x80, s6, s17, $0xb8;
	[tilespmem:$0x1E800] =	vst v63  }
0xa0: {  	_ =	swait.ge [sflag:s15], $0x4000  }
0xa1: {  	[sflag:s15] =	ssyncset.done $0x0  }
0xa2: {  	s8 =	sadd.s32 s8, s24;
	[sflag:s15] =	ssyncadd.s32 $0xFFFFC000  }
0xa3: {  	[tilespmem:s19], [sflag:$0x1] =	stream.linear.gather [hbm4b:s8+s4], $0x4000, $0x38;
	[tilespmem:$0x1E800] =	vst v63  }
0xa4: {  	_ =	swait.ge [sflag:s30], $0x4000  }
0xa5: {  	[sflag:s30] =	ssyncset.done $0x0  }
0xa6: {  	s9 =	sadd.s32 $0x80, s6;
	[sflag:s30] =	ssyncadd.s32 $0xFFFFC000  }
0xa7: {  	[spmem:s3] =	stream.indirect.scatter.add.f32 [tilespmem:s29], [sflag:$0x5], $0x80, s9, s17, $0xb8;
	[tilespmem:$0x1E800] =	vst v63  }
0xa8: {  	_ =	swait.ge [sflag:s15], $0x4000  }
0xa9: {  	[sflag:s15] =	ssyncset.done $0x0  }
0xaa: {  	[sflag:s15] =	ssyncadd.s32 $0xFFFFC000  }
0xab: {  	[tilespmem:s29], [sflag:$0x2] =	stream.linear.gather [hbm4b:s23+s4], $0x4000, $0x38;
	[tilespmem:$0x1E800] =	vst v63  }
0xac: {  	_ =	swait.ge [sflag:s26], $0x4000  }
0xad: {  	[sflag:s26] =	ssyncset.done $0x0  }
0xae: {  	s10 =	simm.s32 $0x16400;
	[sflag:s26] =	ssyncadd.s32 $0xFFFFC000  }
0xaf: {  	[spmem:s3] =	stream.indirect.scatter.add.f32 [tilespmem:s19], [sflag:$0x5], $0x80, s10, s17, $0xb8;
	[tilespmem:$0x1E800] =	vst v63  }
0xb0: {  	_ =	swait.ge [sflag:s15], $0x4000  }
0xb1: {  	[sflag:s15] =	ssyncset.done $0x0  }
0xb2: {  	[sflag:s15] =	ssyncadd.s32 $0xFFFFC000  }
0xb3: {  	_ =	swait.ge [sflag:s30], $0x4000  }
0xb4: {  	[sflag:s30] =	ssyncset.done $0x0  }
0xb5: {  	[sflag:s30] =	ssyncadd.s32 $0xFFFFC000  }
0xb6: {  	[spmem:s3] =	stream.indirect.scatter.add.f32 [tilespmem:s29], [sflag:$0x5], $0x80, s28, s17, $0xb8;
	[tilespmem:$0x1E800] =	vst v63  }
0xb7: {  	_ =	swait.ge [sflag:s15], $0x4000  }
0xb8: {  	[sflag:s15] =	ssyncset.done $0x0  }
0xb9: {  	[sflag:s15] =	ssyncadd.s32 $0xFFFFC000  }
0xba: {  	[bflag:$0x0] =	sbarrier.arrive $0xFFFF  }
0xbb: {  	[hbm:s18], [sflag:s7] =	dma.local [spmem:s14], $0x2780  }
0xbc: {  	_ =	swait.ge [sflag:s15], $0x2780  }
0xbd: {  	s1 =	sadd.s32 $0x1, s1;
	s11 =	rddreg [dreg:$0x9]  }
0xbe: {  	p0 =	sne.s32 s1, s11  }
.Ltmp2:
0xbf: {  	_ = 	snop;
	(pc) =	sbr.rel @p0 .LBB2_1-.Ltmp2, $3  }
0xc0: {  	_ =	sdelay $0x1  }
0xc1: {  	[sflag:s15] =	ssyncset.done $0x0  }
0xc2: {  	[sflag:s15] =	ssyncadd.s32 $0xFFFFD880  }
0xc3: {  	_ =	sfence.sel $0x180000  }
0xc4: {  	[bflag:$0x0] =	sbarrier.arrive $0xFFFF  }
0xc5: {  	_ =	strace $0x9000004A  }
0xc6: {  	s0 =	stileid.u32;
	[bflag:$0x2] =	sbarrier.arrive $0xFFFF  }
0xc7: {  	p0 =	sne.s32 s0, $0x0;
	s0 =	rddreg [dreg:$0x3]  }
0xc8: {  	s0 =	sadd.s32 @!p0 $0x100000, s0  }
0xc9: {  	[sflag:s0] =	ssyncadd.tile.s32 @!p0 $0x1;
	_ =	shalt  }
.Lfunc_end2:
_tile_overlayer_lowered:
.L_overlay_start_2:
0xca: {  	(tag) =	ssettag $0x2  }
0xcb: {  	s0 =	rddreg [dreg:$0x0];
	s2 =	stileid.u32  }
0xcc: {  	s1 =	rddreg [dreg:$0x1];
	p0 =	sne.s32 s2, $0x0  }
0xcd: {  	s3 =	rddreg [dreg:$0x2];
	[bflag:$0x3] =	sbarrier.arrive $0xFFFF;
	s2 =	simm.s32 @!p0 $0x1C05  }
0xce: {  	[timem:s3], [sflag:s2] =	dma.local @!p0 [hbm:s0], s1  }
0xcf: {  	s0 =	simm.s32 @!p0 $0x5  }
0xd0: {  	_ =	swait.ge @!p0 [sflag:s0], s1  }
0xd1: {  	s1 =	ssub.s32 @!p0 $0x0, s1;
	[sflag:s0] =	ssyncset.done @!p0 $0x0  }
0xd2: {  	[sflag:s0] =	ssyncadd.s32 @!p0 s1  }
0xd3: {  	[bflag:$0x3] =	sbarrier.arrive $0xFFFF  }
0xd4: {  	_ =	shalt  }

// kernel: kernel.16.cloned.1.call-start
scs
__scs_entry_jumppad:
0x0: {  	(pc) =	sbr.rel $0x88, $3  }
0x1: {  	(tag) =	ssettag $0x0;
	lr =	simm.s32 $0x1  }
0x2: {  	[smem:$0x3F97] =	sst lr;
	_ =	strace $0xD0000000  }
0x3: {  	_ = 	snop  }
0x4: {  	_ = 	snop  }
0x5: {  	_ = 	snop  }
0x6: {  	_ = 	snop  }
0x7: {  	_ = 	snop  }
__scs_overlays_trampoline_lowered:
0x8: {  	[smem:$0x3FA6] =	sst s0  }
0x9: {  	[smem:$0x3FA7] =	sst s1  }
0xa: {  	[smem:$0x3FA8] =	sst s2  }
0xb: {  	[smem:$0x3FA9] =	sst s3  }
0xc: {  	[smem:$0x3FAA] =	sst s4  }
0xd: {  	[smem:$0x3FAB] =	sst s5  }
0xe: {  	[smem:$0x3FAC] =	sst s6  }
0xf: {  	[smem:$0x3FAD] =	sst s7  }
0x10: {  	[smem:$0x3FAE] =	sst s8  }
0x11: {  	[smem:$0x3FAF] =	sst s9;
	s0 =	simm.s32 @!p0 $0x0  }
0x12: {  	s1 =	sld [smem:$0x3F95];
	s0 =	simm.s32 @p0 $0x1  }
0x13: {  	[smem:$0x3FB0] =	sst s0;
	s0 =	simm.s32 @!p1 $0x0  }
0x14: {  	s2 =	sld [smem:$0x3F94];
	s0 =	simm.s32 @p1 $0x1  }
0x15: {  	[smem:$0x3FB1] =	sst s0;
	s0 =	simm.s32 @!p2 $0x0  }
0x16: {  	s3 =	sld [smem:$0x3FDB];
	s0 =	simm.s32 @p2 $0x1  }
0x17: {  	s4 =	simm.s32 $0x1BF5;
	[smem:$0x3FB3] =	sst s0  }
0x18: {  	s0 =	sld [smem:$0x3F96];
	_ =	swait.ge [sflag:s4], $0x0  }
0x19: {  	s7 =	sld [smem:$0x3F97]  }
0x1a: {  	s8 =	sadd.s32 $0xFFFFE003, lr  }
0x1b: {  	s9 =	sadd.s32 $0xFFFFFEF7, lr;
	s5 =	simm.s32 $0xFFFFFFFF;
	p2 =	slt.u32 s8, $0xFFFFF086  }
0x1c: {  	p1 =	slt.u32 s9, $0xF7A;
	s5 =	simm.s32 @!p2 $0x0  }
0x1d: {  	s5 =	simm.s32 @p1 $0x1;
	p0 =	seq.s32 s7, s2  }
0x1e: {  	s7 =	smul.u32 @!p0 $0xF7A, s2;
	p2 =	seq.s32 @!p0 s5, $0x0  }
0x1f: {  	s9 =	smul.u32 $0xF7A, s1;
	s8 =	simm.s32 @!p0 $0x1BF5;
	p2 =	por !p2, p0  }
0x20: {  	[sflag:s8] =	ssyncset.s32 @!p0 $0xFFFFF086;
	s6 =	sadd.s32 @!p0 s3, s7;
	s7 =	simm.s32 @!p0 $0x108  }
0x21: {  	s3 =	sadd.s32 s3, s9;
	s6 =	sadd.s32 @!p0 $0x88, s6;
	s7 =	simm.s32 @p2 $0x1082  }
0x22: {  	[simem:s7], [sflag:s8] =	dma.local @!p0 [hbm:s6], $0xF7A  }
0x23: {  	s9 =	sor.u32 $0xD0000000, s2;
	s6 =	simm.s32 $0x108;
	_ =	swait.ge @!p0 [sflag:s8], $0x0  }
0x24: {  	s3 =	sadd.s32 $0x88, s3;
	s6 =	simm.s32 @!p1 $0x1082;
	[sflag:s4] =	ssyncset.s32 $0xFFFFF086  }
0x25: {  	[simem:s6], [sflag:s4] =	dma.local [hbm:s3], $0xF7A  }
0x26: {  	[smem:$0x3F97] =	sst s1;
	(tag) =	ssettag s2;
	_ =	strace s9  }
0x27: {  	s1 =	sld [smem:$0x3FA7]  }
0x28: {  	s2 =	sld [smem:$0x3FA8]  }
0x29: {  	s4 =	sld [smem:$0x3FAA]  }
0x2a: {  	p0 =	seq.s32 s5, $0x0;
	s5 =	sld [smem:$0x3FAB]  }
0x2b: {  	s6 =	sld [smem:$0x3FAC]  }
0x2c: {  	s7 =	sld [smem:$0x3FAD]  }
0x2d: {  	s3 =	simm.s32 $0x108;
	s8 =	sld [smem:$0x3FAE]  }
0x2e: {  	s3 =	simm.s32 @!p0 $0x1082;
	s9 =	sld [smem:$0x3FAF]  }
0x2f: {  	lr =	sadd.s32 s0, s3;
	s0 =	sld [smem:$0x3FA6]  }
0x30: {  	s3 =	sld [smem:$0x3FA9]  }
0x31: {  	[smem:$0x3FB2] =	sst s10  }
0x32: {  	s10 =	sld [smem:$0x3FB0];
	_ =	sdelay $0x3  }
0x33: {  	p0 =	seq.s32 s10, $0x1;
	s10 =	sld [smem:$0x3FB2];
	_ =	sdelay $0x3  }
0x34: {  	[smem:$0x3FB2] =	sst s10  }
0x35: {  	s10 =	sld [smem:$0x3FB1];
	_ =	sdelay $0x3  }
0x36: {  	p1 =	seq.s32 s10, $0x1;
	s10 =	sld [smem:$0x3FB2];
	_ =	sdelay $0x3  }
0x37: {  	[smem:$0x3FB2] =	sst s10  }
0x38: {  	s10 =	sld [smem:$0x3FB3]  }
0x39: {  	_ = 	snop;
	(pc) =	sbr.ind lr, $3  }
0x3a: {  	_ = 	snop  }
0x3b: {  	_ = 	snop  }
0x3c: {  	p2 =	seq.s32 s10, $0x1;
	s10 =	sld [smem:$0x3FB2]  }
0x3d: {  	_ =	shalt  }
0x3e: {  	_ =	shalt  }
0x3f: {  	_ =	shalt  }
0x40: {  	_ =	shalt  }
0x41: {  	_ =	shalt  }
0x42: {  	_ =	shalt  }
0x43: {  	_ =	shalt  }
0x44: {  	_ =	shalt  }
0x45: {  	_ =	shalt  }
0x46: {  	_ =	shalt  }
0x47: {  	_ =	shalt  }
0x48: {  	_ =	shalt  }
0x49: {  	_ =	shalt  }
0x4a: {  	_ =	shalt  }
0x4b: {  	_ =	shalt  }
0x4c: {  	_ =	shalt  }
0x4d: {  	_ =	shalt  }
0x4e: {  	_ =	shalt  }
0x4f: {  	_ =	shalt  }
0x50: {  	_ =	shalt  }
0x51: {  	_ =	shalt  }
0x52: {  	_ =	shalt  }
0x53: {  	_ =	shalt  }
0x54: {  	_ =	shalt  }
0x55: {  	_ =	shalt  }
0x56: {  	_ =	shalt  }
0x57: {  	_ =	shalt  }
0x58: {  	_ =	shalt  }
0x59: {  	_ =	shalt  }
0x5a: {  	_ =	shalt  }
0x5b: {  	_ =	shalt  }
0x5c: {  	_ =	shalt  }
0x5d: {  	_ =	shalt  }
0x5e: {  	_ =	shalt  }
0x5f: {  	_ =	shalt  }
0x60: {  	_ =	shalt  }
0x61: {  	_ =	shalt  }
0x62: {  	_ =	shalt  }
0x63: {  	_ =	shalt  }
0x64: {  	_ =	shalt  }
0x65: {  	_ =	shalt  }
0x66: {  	_ =	shalt  }
0x67: {  	_ =	shalt  }
0x68: {  	_ =	shalt  }
0x69: {  	_ =	shalt  }
0x6a: {  	_ =	shalt  }
0x6b: {  	_ =	shalt  }
0x6c: {  	_ =	shalt  }
0x6d: {  	_ =	shalt  }
0x6e: {  	_ =	shalt  }
0x6f: {  	_ =	shalt  }
0x70: {  	_ =	shalt  }
0x71: {  	_ =	shalt  }
0x72: {  	_ =	shalt  }
0x73: {  	_ =	shalt  }
0x74: {  	_ =	shalt  }
0x75: {  	_ =	shalt  }
0x76: {  	_ =	shalt  }
0x77: {  	_ =	shalt  }
0x78: {  	_ =	shalt  }
0x79: {  	_ =	shalt  }
0x7a: {  	_ =	shalt  }
0x7b: {  	_ =	shalt  }
0x7c: {  	_ =	shalt  }
0x7d: {  	_ =	shalt  }
0x7e: {  	_ =	shalt  }
0x7f: {  	_ =	shalt  }
0x80: {  	_ =	shalt  }
0x81: {  	_ =	shalt  }
0x82: {  	_ =	shalt  }
0x83: {  	_ =	shalt  }
0x84: {  	_ =	shalt  }
0x85: {  	_ =	shalt  }
0x86: {  	_ =	shalt  }
0x87: {  	_ =	shalt  }
.Lfunc_end0:
.L_simem_size_0:
called_computation.2_lowered:
.L_overlay_start_0:
0x88: {  	s2 =	sld [smem:$0x3FD9]  }
0x89: {  	s3 =	sld [smem:$0x3FFE];
	_ =	sdelay $0x1  }
0x8a: {  	s1 =	srdreg.scid  }
0x8b: {  	s0 =	sand.u32 $0x1, s1  }
0x8c: {  	s17 =	sshll.u32 s0, $0xA;
	s2 =	sadd.s32 s3, s2  }
0x8d: {  	s3 =	sadd.s32 s2, s17  }
0x8e: {  	[smem:$0x3FBE] =	sst s3  }
0x8f: {  	_ = 	snop  }
0x90: {  	(tm) =	ssettm $0x1  }
0x91: {  	s18 =	sld [smem:$0x3FFB];
	_ =	sdelay $0x3  }
0x92: {  	_ =	strace s18  }
0x93: {  	s3 =	sld [smem:$0x3FFC];
	_ =	sdelay $0x3  }
0x94: {  	_ =	strace s3  }
0x95: {  	s3 =	sld [smem:$0x3FFD];
	_ =	sdelay $0x3  }
0x96: {  	_ =	strace s3  }
0x97: {  	_ =	strace $0x8FFFFFFF  }
0x98: {  	s19 =	sld [smem:$0x3FDB];
	_ =	sdelay $0x1  }
0x99: {  	s4 =	simm.s32 $_scs_section_size  }
0x9a: {  	s5 =	simm.s32 $_size__tile_overlayer_lowered;
	s6 =	simm.s32 $_tile_overlayer_lowered  }
0x9b: {  	s22 =	simm.s32 $0x1BFF;
	s21 =	sshll.u32 s6, $0x1;
	s3 =	sadd.s32 s4, s19  }
0x9c: {  	s7 =	simm.s32 $0x0;
	s20 =	sshll.u32 s5, $0x1;
	s5 =	sadd.s32 s21, s3  }
0x9d: {  	[timem:s7], [sflag:s22] =	dma.local [hbm:s5], s20  }
0x9e: {  	_ =	swait.ge [sflag:s22], s20  }
0x9f: {  	s4 =	ssub.s32 $0x0, s20;
	[sflag:s22] =	ssyncset.done $0x0  }
0xa0: {  	[sflag:s22] =	ssyncadd.s32 s4;
	_ =	sdelay $0x1  }
0xa1: {  	s23 =	simm.s32 $0x1B8B  }
0xa2: {  	_ =	swait.ge [sflag:s23], $0x1  }
0xa3: {  	[sflag:s23] =	ssyncset.done $0x0  }
0xa4: {  	s25 =	simm.s32 $0x1B8E;
	s24 =	sld [smem:$0x3FFE];
	[sflag:s23] =	ssyncadd.s32 $0xFFFFFFFF  }
0xa5: {  	s26 =	simm.s32 $execute0_lowered;
	[smem:$0x3FD2] =	sst s25  }
0xa6: {  	s5 =	sshll.u32 s26, $0x1;
	_ =	strace $0x8000004C;
	[dreg:$0x1] =	wrdreg $0xFFFFFFFF  }
0xa7: {  	s28 =	simm.s32 $_size_execute0_lowered;
	s3 =	sadd.s32 s3, s5;
	[dreg:$0x0] =	wrdreg $0x0  }
0xa8: {  	s5 =	sshll.u32 s28, $0x1;
	[dreg:$0x2] =	wrdreg s3  }
0xa9: {  	[dreg:$0x3] =	wrdreg s5  }
0xaa: {  	[dreg:$0x4] =	wrdreg $0xC0  }
0xab: {  	_ =	task [dreg:s7], $0x5FFFF  }
0xac: {  	[dreg:$0x1] =	wrdreg $0xFFFFFFFF  }
0xad: {  	[dreg:$0x0] =	wrdreg $0x60  }
0xae: {  	s2 =	sadd.s32 $0x800, s2;
	[dreg:$0x2] =	wrdreg s24  }
0xaf: {  	[dreg:$0x3] =	wrdreg s2  }
0xb0: {  	[dreg:$0x4] =	wrdreg $0x0  }
0xb1: {  	[dreg:$0x5] =	wrdreg $0x9  }
0xb2: {  	_ =	task.clear_ibuf [dreg:s7], $0x6FFFF;
	_ =	strace $0x9000004C  }
0xb3: {  	s29 =	simm.s32 $0x9;
	_ =	strace $0x8000004E  }
0xb4: {  	_ =	swait.ge [sflag:s29], $0x1  }
0xb5: {  	[sflag:s29] =	ssyncadd.s32 $0xFFFFFFFF  }
0xb6: {  	_ =	strace $0x9000004E  }
0xb7: {  	_ =	sfence  }
0xb8: {  	s30 =	sld [smem:$0x0];
	_ =	sdelay $0x2  }
0xb9: {  	s31 =	sshll.u32 s1, $0xD;
	s1 =	sshrl.u32 s1, $0x2  }
0xba: {  	s3 =	sand.u32 $0x4000, s31;
	s1 =	sadd.s32 s1, s30  }
0xbb: {  	s0 =	sor.u32 s3, s0;
	s1 =	sshll.u32 s1, $0x11  }
0xbc: {  	s0 =	sor.u32 s1, s0  }
0xbd: {  	s0 =	sadd.s32 $0x8F2B, s0  }
0xbe: {  	[sflag:s0] =	ssyncadd.remote.s32 $0x1  }
0xbf: {  	_ =	sfence.sel $0xFFFF  }
0xc0: {  	[dreg:$0x0] =	wrdreg $0xFFFFFFFF;
	(pc) =	sbr.abs _section_cstart, $3  }
0xc1: {  	[dreg:$0x1] =	wrdreg $0xFFFFFFFF  }
0xc2: {  	_ =	task.clear_ibuf [dreg:s7], $0x2FFFF;
	_ =	strace $0x9FFFFFFF  }
0xc3: {  	(tm) =	ssettm $0x7FFFFFFF  }
tec
execute0_lowered:
.L_overlay_start_1:
0x0: {  	(tag) =	ssettag $0x1  }
0x1: {  	s0 =	srdreg.scid;
	s1 =	rddreg [dreg:$0x0]  }
0x2: {  	s14 =	stileid.u32;
	s2 =	rddreg [dreg:$0x1]  }
0x3: {  	s4 =	simm.s32 $0x0;
	s16 =	simm.s32 $0x13C00;
	s8 =	smul.u32 $0x2780, s14  }
0x4: {  	s17 =	simm.s32 $0x80;
	s29 =	simm.s32 $0x1A800;
	s9 =	smul.u32 $0x4F000, s14  }
0x5: {  	s30 =	simm.s32 $0x2;
	s31 =	simm.s32 $0x3;
	s22 =	smul.u32 $0x2900, s14  }
0x6: {  	s28 =	simm.s32 $0x16480;
	s0 =	sand.u32 $0x1, s0;
	s24 =	smul.u32 $0x148000, s14  }
0x7: {  	[smem:$0x7FF] =	sst s4;
	s21 =	sshll.u32 s14, $0x6;
	s7 =	smul.u32 $0x27800, s0  }
0x8: {  	s3 =	sshll.u32 s0, $0x4;
	s19 =	ssub.s32 $0x2, s0;
	s13 =	smul.u32 $0x1480000, s0  }
0x9: {  	s0 =	smul.u32 $0x29000, s0;
	s5 =	sor.u32 s14, s3;
	s3 =	rddreg [dreg:$0x2]  }
0xa: {  	_ =	strace $0x8000004D;
	s10 =	sadd.s32 s8, s1;
	s6 =	smul.u32 $0x580, s5  }
0xb: {  	s11 =	sshrl.u32 s19, $0x1;
	s9 =	sshrl.u32 s9, $0x2;
	s12 =	smul.u32 $0x148000, s5  }
0xc: {  	s11 =	ssub.s32 s19, s11;
	s9 =	sadd.s32 s9, s3;
	s20 =	sadd.s32 $0xDE00, s10  }
0xd: {  	s5 =	smul.u32 $0x29000, s5;
	s10 =	sadd.s32 $0x35600, s10;
	[dreg:$0x5] =	wrdreg s20  }
0xe: {  	s0 =	sadd.s32 s22, s0;
	s19 =	simm.s32 $0x16800;
	[dreg:$0x7] =	wrdreg s10  }
0xf: {  	s23 =	smax.u32 s11, $0x1;
	s10 =	sadd.s32 s24, s13;
	s0 =	sshll.u32 s0, $0x4  }
0x10: {  	s14 =	sshrl.u32 s9, $0x3;
	s6 =	sadd.s32 s6, s1;
	s1 =	sadd.s32 s7, s1  }
0x11: {  	s7 =	sor.u32 $0x1C05, s21;
	[dreg:$0x9] =	wrdreg s23;
	s23 =	sadd.s32 $0x28800, s5  }
0x12: {  	s12 =	sshrl.u32 s12, $0x3;
	[dreg:$0x4] =	wrdreg s5;
	s25 =	sor.u32 $0x800, s5  }
0x13: {  	s13 =	sadd.s32 $0x8000, s10;
	s26 =	sadd.s32 $0x1800, s0;
	s24 =	sadd.s32 $0x1000, s0  }
0x14: {  	s0 =	sor.u32 $0x800, s0;
	s15 =	sadd.s32 $0x84E00, s6;
	s6 =	sadd.s32 $0x2E00, s6  }
0x15: {  	s1 =	sadd.s32 $0x8FE00, s1;
	s22 =	sadd.s32 $0x28000, s12;
	s20 =	sadd.s32 s25, s2  }
0x16: {  	s21 =	sadd.s32 s2, s26;
	s23 =	sadd.s32 s23, s2;
	s24 =	sadd.s32 s2, s24  }
0x17: {  	s25 =	sadd.s32 s2, s0;
	s26 =	simm.s32 $0x1;
	[dreg:$0x6] =	wrdreg s15  }
0x18: {  	s0 =	simm.s32 $0x4;
	[dreg:$0x8] =	wrdreg s6;
	s15 =	simm.s32 $0x5  }
0x19: {  	s18 =	sadd.s32 s8, s1;
	s22 =	sadd.s32 s22, s2;
	s1 =	simm.s32 $0x0  }
.LBB2_1:
0x1a: {  	s5 =	rddreg [dreg:$0x5]  }
0x1b: {  	[spmem:s14], [sflag:s7] =	dma.local [hbm:s5], $0x2780  }
0x1c: {  	_ =	swait.ge [sflag:s15], $0x2780  }
0x1d: {  	[sflag:s15] =	ssyncset.done $0x0  }
0x1e: {  	s11 =	rddreg [dreg:$0x6];
	[sflag:s15] =	ssyncadd.s32 $0xFFFFD880  }
0x1f: {  	[tilespmem:s16], [sflag:$0x5] =	stream.linear.gather [hbm4b:s11+s4], $0x2900, $0x38;
	[tilespmem:$0x1E800] =	vst v63  }
0x20: {  	_ =	swait.ge [sflag:s15], $0x2900  }
0x21: {  	[sflag:s15] =	ssyncset.done $0x0  }
0x22: {  	[sflag:s15] =	ssyncadd.s32 $0xFFFFD700  }
0x23: {  	[bflag:$0x0] =	sbarrier.arrive $0xFFFF  }
0x24: {  	[tilespmem:s19], [sflag:$0x1] =	stream.indirect.gather [spmem:s3], $0x80, s16, s17, $0xb8;
	[tilespmem:$0x1E800] =	vst v63  }
0x25: {  	_ =	swait.ge [sflag:s26], $0x4000  }
0x26: {  	[sflag:s26] =	ssyncset.done $0x0  }
0x27: {  	s6 =	simm.s32 $0x13C80;
	[sflag:s26] =	ssyncadd.s32 $0xFFFFC000  }
0x28: {  	[tilespmem:s29], [sflag:$0x2] =	stream.indirect.gather [spmem:s3], $0x80, s6, s17, $0xb8;
	[tilespmem:$0x1E800] =	vst v63  }
0x29: {  	s6 =	sadd.s32 s12, s2  }
0x2a: {  	[hbm4b:s6+s4] =	stream.linear.scatter [tilespmem:s19], [sflag:$0x3], $0x4000, $0x38;
	[tilespmem:$0x1E800] =	vst v63  }
0x2b: {  	_ =	swait.ge [sflag:s30], $0x4000  }
0x2c: {  	[sflag:s30] =	ssyncset.done $0x0  }
0x2d: {  	[sflag:s30] =	ssyncadd.s32 $0xFFFFC000  }
0x2e: {  	_ =	swait.ge [sflag:s31], $0x4000  }
0x2f: {  	[sflag:s31] =	ssyncset.done $0x0  }
0x30: {  	s8 =	simm.s32 $0x13D00;
	[sflag:s31] =	ssyncadd.s32 $0xFFFFC000  }
0x31: {  	[tilespmem:s19], [sflag:$0x1] =	stream.indirect.gather [spmem:s3], $0x80, s8, s17, $0xb8;
	[tilespmem:$0x1E800] =	vst v63  }
0x32: {  	_ = 	snop  }
0x33: {  	[hbm4b:s20+s4] =	stream.linear.scatter [tilespmem:s29], [sflag:$0x4], $0x4000, $0x38;
	[tilespmem:$0x1E800] =	vst v63  }
0x34: {  	_ =	swait.ge [sflag:s26], $0x4000  }
0x35: {  	[sflag:s26] =	ssyncset.done $0x0  }
0x36: {  	[sflag:s26] =	ssyncadd.s32 $0xFFFFC000  }
0x37: {  	_ =	swait.ge [sflag:s0], $0x4000  }
0x38: {  	[sflag:s0] =	ssyncset.done $0x0  }
0x39: {  	s9 =	simm.s32 $0x13D80;
	s8 =	sshrl.u32 s13, $0x3;
	[sflag:s0] =	ssyncadd.s32 $0xFFFFC000  }
0x3a: {  	[tilespmem:s29], [sflag:$0x2] =	stream.indirect.gather [spmem:s3], $0x80, s9, s17, $0xb8;
	[tilespmem:$0x1E800] =	vst v63  }
0x3b: {  	s10 =	sadd.s32 s8, s2  }
0x3c: {  	[hbm4b:s10+s4] =	stream.linear.scatter [tilespmem:s19], [sflag:$0x3], $0x4000, $0x38;
	[tilespmem:$0x1E800] =	vst v63  }
0x3d: {  	_ =	swait.ge [sflag:s30], $0x4000  }
0x3e: {  	[sflag:s30] =	ssyncset.done $0x0  }
0x3f: {  	[sflag:s30] =	ssyncadd.s32 $0xFFFFC000  }
0x40: {  	s11 =	simm.s32 $0x13E00;
	_ =	swait.ge [sflag:s31], $0x4000  }
0x41: {  	s6 =	simm.s32 $0x1000;
	s8 =	simm.s32 $0x13F00;
	[sflag:s31] =	ssyncset.done $0x0  }
0x42: {  	s9 =	sadd.s32 $0x8000, s13;
	s10 =	sadd.s32 $0x0, s21;
	[sflag:s31] =	ssyncadd.s32 $0xFFFFC000  }
0x43: {  	[tilespmem:s19], [sflag:$0x1] =	stream.indirect.gather [spmem:s3], $0x80, s11, s17, $0xb8;
	[tilespmem:$0x1E800] =	vst v63  }
.LBB2_2:
0x44: {  	[hbm4b:s10+s4] =	stream.linear.scatter [tilespmem:s29], [sflag:$0x4], $0x4000, $0x38;
	[tilespmem:$0x1E800] =	vst v63  }
0x45: {  	s10 =	smov.u32 s6  }
0x46: {  	p0 =	sne.s32 s6, $0x26000;
	s6 =	sadd.s32 $0x1000, s6;
	_ =	swait.ge [sflag:s26], $0x4000  }
0x47: {  	[sflag:s26] =	ssyncset.done $0x0  }
0x48: {  	[sflag:s26] =	ssyncadd.s32 $0xFFFFC000  }
0x49: {  	_ =	swait.ge [sflag:s0], $0x4000  }
0x4a: {  	[sflag:s0] =	ssyncset.done $0x0  }
0x4b: {  	s11 =	sadd.s32 $0xFFFFFF80, s8;
	s5 =	sshrl.u32 s9, $0x3;
	[sflag:s0] =	ssyncadd.s32 $0xFFFFC000  }
0x4c: {  	[tilespmem:s29], [sflag:$0x2] =	stream.indirect.gather [spmem:s3], $0x80, s11, s17, $0xb8;
	[tilespmem:$0x1E800] =	vst v63  }
0x4d: {  	s5 =	sadd.s32 s5, s2  }
0x4e: {  	[hbm4b:s5+s4] =	stream.linear.scatter [tilespmem:s19], [sflag:$0x3], $0x4000, $0x38;
	[tilespmem:$0x1E800] =	vst v63  }
0x4f: {  	_ =	swait.ge [sflag:s30], $0x4000  }
0x50: {  	[sflag:s30] =	ssyncset.done $0x0  }
0x51: {  	[sflag:s30] =	ssyncadd.s32 $0xFFFFC000  }
.Ltmp0:
0x52: {  	_ =	swait.ge [sflag:s31], $0x4000;
	(pc) =	sbr.rel @p0 .LBB2_2-.Ltmp0, $4  }
0x53: {  	[sflag:s31] =	ssyncset.done $0x0  }
0x54: {  	[sflag:s31] =	ssyncadd.s32 $0xFFFFC000  }
0x55: {  	[tilespmem:s19], [sflag:$0x1] =	stream.indirect.gather [spmem:s3], $0x80, s8, s17, $0xb8;
	[tilespmem:$0x1E800] =	vst v63  }
0x56: {  	s9 =	sadd.s32 $0x8000, s9;
	s10 =	sadd.s32 s10, s21;
	s8 =	sadd.s32 $0x100, s8  }
0x57: {  	[hbm4b:s10+s4] =	stream.linear.scatter [tilespmem:s29], [sflag:$0x4], $0x4000, $0x38;
	[tilespmem:$0x1E800] =	vst v63  }
0x58: {  	_ =	swait.ge [sflag:s26], $0x4000  }
0x59: {  	[sflag:s26] =	ssyncset.done $0x0  }
0x5a: {  	[sflag:s26] =	ssyncadd.s32 $0xFFFFC000  }
0x5b: {  	_ =	swait.ge [sflag:s0], $0x4000  }
0x5c: {  	[sflag:s0] =	ssyncset.done $0x0  }
0x5d: {  	[sflag:s0] =	ssyncadd.s32 $0xFFFFC000  }
0x5e: {  	[tilespmem:s29], [sflag:$0x2] =	stream.indirect.gather [spmem:s3], $0x80, s28, s17, $0xb8;
	[tilespmem:$0x1E800] =	vst v63  }
0x5f: {  	s5 =	simm.s32 $0x0  }
0x60: {  	[hbm4b:s22+s5] =	stream.linear.scatter [tilespmem:s19], [sflag:$0x3], $0x4000, $0x38;
	[tilespmem:$0x1E800] =	vst v63  }
0x61: {  	_ =	swait.ge [sflag:s30], $0x4000  }
0x62: {  	[sflag:s30] =	ssyncset.done $0x0  }
0x63: {  	[sflag:s30] =	ssyncadd.s32 $0xFFFFC000  }
0x64: {  	_ =	swait.ge [sflag:s31], $0x4000  }
0x65: {  	[sflag:s31] =	ssyncset.done $0x0  }
0x66: {  	[sflag:s31] =	ssyncadd.s32 $0xFFFFC000  }
0x67: {  	[hbm4b:s23+s5] =	stream.linear.scatter [tilespmem:s29], [sflag:$0x4], $0x4000, $0x38;
	[tilespmem:$0x1E800] =	vst v63  }
0x68: {  	_ =	swait.ge [sflag:s0], $0x4000  }
0x69: {  	[sflag:s0] =	ssyncset.done $0x0  }
0x6a: {  	[sflag:s0] =	ssyncadd.s32 $0xFFFFC000  }
0x6b: {  	[bflag:$0x0] =	sbarrier.arrive $0xFFFF  }
0x6c: {  	s6 =	rddreg [dreg:$0x7]  }
0x6d: {  	[spmem:s14], [sflag:s7] =	dma.local [hbm:s6], $0x2780  }
0x6e: {  	_ =	swait.ge [sflag:s15], $0x2780  }
0x6f: {  	[sflag:s15] =	ssyncset.done $0x0  }
0x70: {  	s10 =	simm.s32 $0x13C00;
	s8 =	rddreg [dreg:$0x8];
	[sflag:s15] =	ssyncadd.s32 $0xFFFFD880  }
0x71: {  	[tilespmem:s10], [sflag:$0x5] =	stream.linear.gather [hbm4b:s8+s5], $0x2900, $0x38;
	[tilespmem:$0x1E800] =	vst v63  }
0x72: {  	_ =	swait.ge [sflag:s15], $0x2900  }
0x73: {  	[sflag:s15] =	ssyncset.done $0x0  }
0x74: {  	[sflag:s15] =	ssyncadd.s32 $0xFFFFD700  }
0x75: {  	[bflag:$0x0] =	sbarrier.arrive $0xFFFF  }
0x76: {  	s11 =	rddreg [dreg:$0x4]  }
0x77: {  	s8 =	sadd.s32 s11, s2  }
0x78: {  	[tilespmem:s19], [sflag:$0x1] =	stream.linear.gather [hbm4b:s8+s5], $0x4000, $0x38;
	[tilespmem:$0x1E800] =	vst v63  }
0x79: {  	s9 =	sadd.s32 $0x0, s25  }
0x7a: {  	[tilespmem:s29], [sflag:$0x2] =	stream.linear.gather [hbm4b:s9+s4], $0x4000, $0x38;
	[tilespmem:$0x1E800] =	vst v63  }
0x7b: {  	_ =	swait.ge [sflag:s26], $0x4000  }
0x7c: {  	[sflag:s26] =	ssyncset.done $0x0  }
0x7d: {  	[sflag:s26] =	ssyncadd.s32 $0xFFFFC000  }
0x7e: {  	[spmem:s3] =	stream.indirect.scatter.add.f32 [tilespmem:s19], [sflag:$0x5], $0x80, s10, s17, $0xb8;
	[tilespmem:$0x1E800] =	vst v63  }
0x7f: {  	_ =	swait.ge [sflag:s15], $0x4000  }
0x80: {  	[sflag:s15] =	ssyncset.done $0x0  }
0x81: {  	s10 =	sadd.s32 $0x0, s24;
	[sflag:s15] =	ssyncadd.s32 $0xFFFFC000  }
0x82: {  	[tilespmem:s19], [sflag:$0x1] =	stream.linear.gather [hbm4b:s10+s4], $0x4000, $0x38;
	[tilespmem:$0x1E800] =	vst v63  }
0x83: {  	_ =	swait.ge [sflag:s30], $0x4000  }
0x84: {  	[sflag:s30] =	ssyncset.done $0x0  }
0x85: {  	s11 =	simm.s32 $0x13C80;
	[sflag:s30] =	ssyncadd.s32 $0xFFFFC000  }
0x86: {  	[spmem:s3] =	stream.indirect.scatter.add.f32 [tilespmem:s29], [sflag:$0x5], $0x80, s11, s17, $0xb8;
	[tilespmem:$0x1E800] =	vst v63  }
0x87: {  	s6 =	simm.s32 $0x13D00;
	_ =	swait.ge [sflag:s15], $0x4000  }
0x88: {  	s8 =	simm.s32 $0x1000;
	s9 =	simm.s32 $0x2000;
	[sflag:s15] =	ssyncset.done $0x0  }
.LBB2_4:
0x89: {  	s5 =	sadd.s32 s8, s25  }
0x8a: {  	[sflag:s15] =	ssyncadd.s32 $0xFFFFC000;
	s10 =	smov.u32 s9;
	s11 =	sadd.s32 $0x1000, s9  }
0x8b: {  	[tilespmem:s29], [sflag:$0x2] =	stream.linear.gather [hbm4b:s5+s4], $0x4000, $0x38;
	[tilespmem:$0x1E800] =	vst v63  }
0x8c: {  	p0 =	sne.s32 s9, $0x27000;
	_ =	swait.ge [sflag:s26], $0x4000  }
0x8d: {  	[sflag:s26] =	ssyncset.done $0x0  }
0x8e: {  	[sflag:s26] =	ssyncadd.s32 $0xFFFFC000  }
0x8f: {  	[spmem:s3] =	stream.indirect.scatter.add.f32 [tilespmem:s19], [sflag:$0x5], $0x80, s6, s17, $0xb8;
	[tilespmem:$0x1E800] =	vst v63  }
0x90: {  	_ =	swait.ge [sflag:s15], $0x4000  }
0x91: {  	[sflag:s15] =	ssyncset.done $0x0  }
0x92: {  	s5 =	sadd.s32 s8, s24;
	s8 =	smov.u32 s10;
	[sflag:s15] =	ssyncadd.s32 $0xFFFFC000  }
0x93: {  	[tilespmem:s19], [sflag:$0x1] =	stream.linear.gather [hbm4b:s5+s4], $0x4000, $0x38;
	[tilespmem:$0x1E800] =	vst v63  }
0x94: {  	_ =	swait.ge [sflag:s30], $0x4000  }
.Ltmp1:
0x95: {  	[sflag:s30] =	ssyncset.done $0x0;
	(pc) =	sbr.rel @p0 .LBB2_4-.Ltmp1, $4  }
0x96: {  	s5 =	sadd.s32 $0x80, s6;
	[sflag:s30] =	ssyncadd.s32 $0xFFFFC000  }
0x97: {  	[spmem:s3] =	stream.indirect.scatter.add.f32 [tilespmem:s29], [sflag:$0x5], $0x80, s5, s17, $0xb8;
	[tilespmem:$0x1E800] =	vst v63  }
0x98: {  	_ =	swait.ge [sflag:s15], $0x4000  }
0x99: {  	s9 =	smov.u32 s11;
	s6 =	sadd.s32 $0x100, s6;
	[sflag:s15] =	ssyncset.done $0x0  }
0x9a: {  	s5 =	sadd.s32 s8, s25;
	[sflag:s15] =	ssyncadd.s32 $0xFFFFC000  }
0x9b: {  	[tilespmem:s29], [sflag:$0x2] =	stream.linear.gather [hbm4b:s5+s4], $0x4000, $0x38;
	[tilespmem:$0x1E800] =	vst v63  }
0x9c: {  	_ =	swait.ge [sflag:s26], $0x4000  }
0x9d: {  	[sflag:s26] =	ssyncset.done $0x0  }
0x9e: {  	[sflag:s26] =	ssyncadd.s32 $0xFFFFC000  }
0x9f: {  	[spmem:s3] =	stream.indirect.scatter.add.f32 [tilespmem:s19], [sflag:$0x5], $0x80, s6, s17, $0xb8;
	[tilespmem:$0x1E800] =	vst v63  }
0xa0: {  	_ =	swait.ge [sflag:s15], $0x4000  }
0xa1: {  	[sflag:s15] =	ssyncset.done $0x0  }
0xa2: {  	s8 =	sadd.s32 s8, s24;
	[sflag:s15] =	ssyncadd.s32 $0xFFFFC000  }
0xa3: {  	[tilespmem:s19], [sflag:$0x1] =	stream.linear.gather [hbm4b:s8+s4], $0x4000, $0x38;
	[tilespmem:$0x1E800] =	vst v63  }
0xa4: {  	_ =	swait.ge [sflag:s30], $0x4000  }
0xa5: {  	[sflag:s30] =	ssyncset.done $0x0  }
0xa6: {  	s9 =	sadd.s32 $0x80, s6;
	[sflag:s30] =	ssyncadd.s32 $0xFFFFC000  }
0xa7: {  	[spmem:s3] =	stream.indirect.scatter.add.f32 [tilespmem:s29], [sflag:$0x5], $0x80, s9, s17, $0xb8;
	[tilespmem:$0x1E800] =	vst v63  }
0xa8: {  	_ =	swait.ge [sflag:s15], $0x4000  }
0xa9: {  	[sflag:s15] =	ssyncset.done $0x0  }
0xaa: {  	[sflag:s15] =	ssyncadd.s32 $0xFFFFC000  }
0xab: {  	[tilespmem:s29], [sflag:$0x2] =	stream.linear.gather [hbm4b:s23+s4], $0x4000, $0x38;
	[tilespmem:$0x1E800] =	vst v63  }
0xac: {  	_ =	swait.ge [sflag:s26], $0x4000  }
0xad: {  	[sflag:s26] =	ssyncset.done $0x0  }
0xae: {  	s10 =	simm.s32 $0x16400;
	[sflag:s26] =	ssyncadd.s32 $0xFFFFC000  }
0xaf: {  	[spmem:s3] =	stream.indirect.scatter.add.f32 [tilespmem:s19], [sflag:$0x5], $0x80, s10, s17, $0xb8;
	[tilespmem:$0x1E800] =	vst v63  }
0xb0: {  	_ =	swait.ge [sflag:s15], $0x4000  }
0xb1: {  	[sflag:s15] =	ssyncset.done $0x0  }
0xb2: {  	[sflag:s15] =	ssyncadd.s32 $0xFFFFC000  }
0xb3: {  	_ =	swait.ge [sflag:s30], $0x4000  }
0xb4: {  	[sflag:s30] =	ssyncset.done $0x0  }
0xb5: {  	[sflag:s30] =	ssyncadd.s32 $0xFFFFC000  }
0xb6: {  	[spmem:s3] =	stream.indirect.scatter.add.f32 [tilespmem:s29], [sflag:$0x5], $0x80, s28, s17, $0xb8;
	[tilespmem:$0x1E800] =	vst v63  }
0xb7: {  	_ =	swait.ge [sflag:s15], $0x4000  }
0xb8: {  	[sflag:s15] =	ssyncset.done $0x0  }
0xb9: {  	[sflag:s15] =	ssyncadd.s32 $0xFFFFC000  }
0xba: {  	[bflag:$0x0] =	sbarrier.arrive $0xFFFF  }
0xbb: {  	[hbm:s18], [sflag:s7] =	dma.local [spmem:s14], $0x2780  }
0xbc: {  	_ =	swait.ge [sflag:s15], $0x2780  }
0xbd: {  	s1 =	sadd.s32 $0x1, s1;
	s11 =	rddreg [dreg:$0x9]  }
0xbe: {  	p0 =	sne.s32 s1, s11  }
.Ltmp2:
0xbf: {  	_ = 	snop;
	(pc) =	sbr.rel @p0 .LBB2_1-.Ltmp2, $3  }
0xc0: {  	_ =	sdelay $0x1  }
0xc1: {  	[sflag:s15] =	ssyncset.done $0x0  }
0xc2: {  	[sflag:s15] =	ssyncadd.s32 $0xFFFFD880  }
0xc3: {  	_ =	sfence.sel $0x180000  }
0xc4: {  	[bflag:$0x0] =	sbarrier.arrive $0xFFFF  }
0xc5: {  	_ =	strace $0x9000004D  }
0xc6: {  	s0 =	stileid.u32;
	[bflag:$0x2] =	sbarrier.arrive $0xFFFF  }
0xc7: {  	p0 =	sne.s32 s0, $0x0;
	s0 =	rddreg [dreg:$0x3]  }
0xc8: {  	s0 =	sadd.s32 @!p0 $0x100000, s0  }
0xc9: {  	[sflag:s0] =	ssyncadd.tile.s32 @!p0 $0x1;
	_ =	shalt  }
.Lfunc_end2:
_tile_overlayer_lowered:
.L_overlay_start_2:
0xca: {  	(tag) =	ssettag $0x2  }
0xcb: {  	s0 =	rddreg [dreg:$0x0];
	s2 =	stileid.u32  }
0xcc: {  	s1 =	rddreg [dreg:$0x1];
	p0 =	sne.s32 s2, $0x0  }
0xcd: {  	s3 =	rddreg [dreg:$0x2];
	[bflag:$0x3] =	sbarrier.arrive $0xFFFF;
	s2 =	simm.s32 @!p0 $0x1C05  }
0xce: {  	[timem:s3], [sflag:s2] =	dma.local @!p0 [hbm:s0], s1  }
0xcf: {  	s0 =	simm.s32 @!p0 $0x5  }
0xd0: {  	_ =	swait.ge @!p0 [sflag:s0], s1  }
0xd1: {  	s1 =	ssub.s32 @!p0 $0x0, s1;
	[sflag:s0] =	ssyncset.done @!p0 $0x0  }
0xd2: {  	[sflag:s0] =	ssyncadd.s32 @!p0 s1  }
0xd3: {  	[bflag:$0x3] =	sbarrier.arrive $0xFFFF  }
0xd4: {  	_ =	shalt  }

// kernel: kernel.19.cloned.1.call-start
scs
__scs_entry_jumppad:
0x0: {  	(pc) =	sbr.rel $0x88, $3  }
0x1: {  	(tag) =	ssettag $0x0;
	lr =	simm.s32 $0x1  }
0x2: {  	[smem:$0x3F97] =	sst lr;
	_ =	strace $0xD0000000  }
0x3: {  	_ = 	snop  }
0x4: {  	_ = 	snop  }
0x5: {  	_ = 	snop  }
0x6: {  	_ = 	snop  }
0x7: {  	_ = 	snop  }
__scs_overlays_trampoline_lowered:
0x8: {  	[smem:$0x3FA6] =	sst s0  }
0x9: {  	[smem:$0x3FA7] =	sst s1  }
0xa: {  	[smem:$0x3FA8] =	sst s2  }
0xb: {  	[smem:$0x3FA9] =	sst s3  }
0xc: {  	[smem:$0x3FAA] =	sst s4  }
0xd: {  	[smem:$0x3FAB] =	sst s5  }
0xe: {  	[smem:$0x3FAC] =	sst s6  }
0xf: {  	[smem:$0x3FAD] =	sst s7  }
0x10: {  	[smem:$0x3FAE] =	sst s8  }
0x11: {  	[smem:$0x3FAF] =	sst s9;
	s0 =	simm.s32 @!p0 $0x0  }
0x12: {  	s1 =	sld [smem:$0x3F95];
	s0 =	simm.s32 @p0 $0x1  }
0x13: {  	[smem:$0x3FB0] =	sst s0;
	s0 =	simm.s32 @!p1 $0x0  }
0x14: {  	s2 =	sld [smem:$0x3F94];
	s0 =	simm.s32 @p1 $0x1  }
0x15: {  	[smem:$0x3FB1] =	sst s0;
	s0 =	simm.s32 @!p2 $0x0  }
0x16: {  	s3 =	sld [smem:$0x3FDB];
	s0 =	simm.s32 @p2 $0x1  }
0x17: {  	s4 =	simm.s32 $0x1BF5;
	[smem:$0x3FB3] =	sst s0  }
0x18: {  	s0 =	sld [smem:$0x3F96];
	_ =	swait.ge [sflag:s4], $0x0  }
0x19: {  	s7 =	sld [smem:$0x3F97]  }
0x1a: {  	s8 =	sadd.s32 $0xFFFFE003, lr  }
0x1b: {  	s9 =	sadd.s32 $0xFFFFFEF7, lr;
	s5 =	simm.s32 $0xFFFFFFFF;
	p2 =	slt.u32 s8, $0xFFFFF086  }
0x1c: {  	p1 =	slt.u32 s9, $0xF7A;
	s5 =	simm.s32 @!p2 $0x0  }
0x1d: {  	s5 =	simm.s32 @p1 $0x1;
	p0 =	seq.s32 s7, s2  }
0x1e: {  	s7 =	smul.u32 @!p0 $0xF7A, s2;
	p2 =	seq.s32 @!p0 s5, $0x0  }
0x1f: {  	s9 =	smul.u32 $0xF7A, s1;
	s8 =	simm.s32 @!p0 $0x1BF5;
	p2 =	por !p2, p0  }
0x20: {  	[sflag:s8] =	ssyncset.s32 @!p0 $0xFFFFF086;
	s6 =	sadd.s32 @!p0 s3, s7;
	s7 =	simm.s32 @!p0 $0x108  }
0x21: {  	s3 =	sadd.s32 s3, s9;
	s6 =	sadd.s32 @!p0 $0x88, s6;
	s7 =	simm.s32 @p2 $0x1082  }
0x22: {  	[simem:s7], [sflag:s8] =	dma.local @!p0 [hbm:s6], $0xF7A  }
0x23: {  	s9 =	sor.u32 $0xD0000000, s2;
	s6 =	simm.s32 $0x108;
	_ =	swait.ge @!p0 [sflag:s8], $0x0  }
0x24: {  	s3 =	sadd.s32 $0x88, s3;
	s6 =	simm.s32 @!p1 $0x1082;
	[sflag:s4] =	ssyncset.s32 $0xFFFFF086  }
0x25: {  	[simem:s6], [sflag:s4] =	dma.local [hbm:s3], $0xF7A  }
0x26: {  	[smem:$0x3F97] =	sst s1;
	(tag) =	ssettag s2;
	_ =	strace s9  }
0x27: {  	s1 =	sld [smem:$0x3FA7]  }
0x28: {  	s2 =	sld [smem:$0x3FA8]  }
0x29: {  	s4 =	sld [smem:$0x3FAA]  }
0x2a: {  	p0 =	seq.s32 s5, $0x0;
	s5 =	sld [smem:$0x3FAB]  }
0x2b: {  	s6 =	sld [smem:$0x3FAC]  }
0x2c: {  	s7 =	sld [smem:$0x3FAD]  }
0x2d: {  	s3 =	simm.s32 $0x108;
	s8 =	sld [smem:$0x3FAE]  }
0x2e: {  	s3 =	simm.s32 @!p0 $0x1082;
	s9 =	sld [smem:$0x3FAF]  }
0x2f: {  	lr =	sadd.s32 s0, s3;
	s0 =	sld [smem:$0x3FA6]  }
0x30: {  	s3 =	sld [smem:$0x3FA9]  }
0x31: {  	[smem:$0x3FB2] =	sst s10  }
0x32: {  	s10 =	sld [smem:$0x3FB0];
	_ =	sdelay $0x3  }
0x33: {  	p0 =	seq.s32 s10, $0x1;
	s10 =	sld [smem:$0x3FB2];
	_ =	sdelay $0x3  }
0x34: {  	[smem:$0x3FB2] =	sst s10  }
0x35: {  	s10 =	sld [smem:$0x3FB1];
	_ =	sdelay $0x3  }
0x36: {  	p1 =	seq.s32 s10, $0x1;
	s10 =	sld [smem:$0x3FB2];
	_ =	sdelay $0x3  }
0x37: {  	[smem:$0x3FB2] =	sst s10  }
0x38: {  	s10 =	sld [smem:$0x3FB3]  }
0x39: {  	_ = 	snop;
	(pc) =	sbr.ind lr, $3  }
0x3a: {  	_ = 	snop  }
0x3b: {  	_ = 	snop  }
0x3c: {  	p2 =	seq.s32 s10, $0x1;
	s10 =	sld [smem:$0x3FB2]  }
0x3d: {  	_ =	shalt  }
0x3e: {  	_ =	shalt  }
0x3f: {  	_ =	shalt  }
0x40: {  	_ =	shalt  }
0x41: {  	_ =	shalt  }
0x42: {  	_ =	shalt  }
0x43: {  	_ =	shalt  }
0x44: {  	_ =	shalt  }
0x45: {  	_ =	shalt  }
0x46: {  	_ =	shalt  }
0x47: {  	_ =	shalt  }
0x48: {  	_ =	shalt  }
0x49: {  	_ =	shalt  }
0x4a: {  	_ =	shalt  }
0x4b: {  	_ =	shalt  }
0x4c: {  	_ =	shalt  }
0x4d: {  	_ =	shalt  }
0x4e: {  	_ =	shalt  }
0x4f: {  	_ =	shalt  }
0x50: {  	_ =	shalt  }
0x51: {  	_ =	shalt  }
0x52: {  	_ =	shalt  }
0x53: {  	_ =	shalt  }
0x54: {  	_ =	shalt  }
0x55: {  	_ =	shalt  }
0x56: {  	_ =	shalt  }
0x57: {  	_ =	shalt  }
0x58: {  	_ =	shalt  }
0x59: {  	_ =	shalt  }
0x5a: {  	_ =	shalt  }
0x5b: {  	_ =	shalt  }
0x5c: {  	_ =	shalt  }
0x5d: {  	_ =	shalt  }
0x5e: {  	_ =	shalt  }
0x5f: {  	_ =	shalt  }
0x60: {  	_ =	shalt  }
0x61: {  	_ =	shalt  }
0x62: {  	_ =	shalt  }
0x63: {  	_ =	shalt  }
0x64: {  	_ =	shalt  }
0x65: {  	_ =	shalt  }
0x66: {  	_ =	shalt  }
0x67: {  	_ =	shalt  }
0x68: {  	_ =	shalt  }
0x69: {  	_ =	shalt  }
0x6a: {  	_ =	shalt  }
0x6b: {  	_ =	shalt  }
0x6c: {  	_ =	shalt  }
0x6d: {  	_ =	shalt  }
0x6e: {  	_ =	shalt  }
0x6f: {  	_ =	shalt  }
0x70: {  	_ =	shalt  }
0x71: {  	_ =	shalt  }
0x72: {  	_ =	shalt  }
0x73: {  	_ =	shalt  }
0x74: {  	_ =	shalt  }
0x75: {  	_ =	shalt  }
0x76: {  	_ =	shalt  }
0x77: {  	_ =	shalt  }
0x78: {  	_ =	shalt  }
0x79: {  	_ =	shalt  }
0x7a: {  	_ =	shalt  }
0x7b: {  	_ =	shalt  }
0x7c: {  	_ =	shalt  }
0x7d: {  	_ =	shalt  }
0x7e: {  	_ =	shalt  }
0x7f: {  	_ =	shalt  }
0x80: {  	_ =	shalt  }
0x81: {  	_ =	shalt  }
0x82: {  	_ =	shalt  }
0x83: {  	_ =	shalt  }
0x84: {  	_ =	shalt  }
0x85: {  	_ =	shalt  }
0x86: {  	_ =	shalt  }
0x87: {  	_ =	shalt  }
.Lfunc_end0:
.L_simem_size_0:
called_computation.3_lowered:
.L_overlay_start_0:
0x88: {  	s2 =	sld [smem:$0x3FD9]  }
0x89: {  	s3 =	sld [smem:$0x3FFE];
	_ =	sdelay $0x1  }
0x8a: {  	s1 =	srdreg.scid  }
0x8b: {  	s0 =	sand.u32 $0x1, s1  }
0x8c: {  	s17 =	sshll.u32 s0, $0xA;
	s2 =	sadd.s32 s3, s2  }
0x8d: {  	s3 =	sadd.s32 s2, s17  }
0x8e: {  	[smem:$0x3FBE] =	sst s3  }
0x8f: {  	_ = 	snop  }
0x90: {  	(tm) =	ssettm $0x1  }
0x91: {  	s18 =	sld [smem:$0x3FFB];
	_ =	sdelay $0x3  }
0x92: {  	_ =	strace s18  }
0x93: {  	s3 =	sld [smem:$0x3FFC];
	_ =	sdelay $0x3  }
0x94: {  	_ =	strace s3  }
0x95: {  	s3 =	sld [smem:$0x3FFD];
	_ =	sdelay $0x3  }
0x96: {  	_ =	strace s3  }
0x97: {  	_ =	strace $0x8FFFFFFF  }
0x98: {  	s19 =	sld [smem:$0x3FDB];
	_ =	sdelay $0x1  }
0x99: {  	s4 =	simm.s32 $_scs_section_size  }
0x9a: {  	s5 =	simm.s32 $_size__tile_overlayer_lowered;
	s6 =	simm.s32 $_tile_overlayer_lowered  }
0x9b: {  	s22 =	simm.s32 $0x1BFF;
	s21 =	sshll.u32 s6, $0x1;
	s3 =	sadd.s32 s4, s19  }
0x9c: {  	s7 =	simm.s32 $0x0;
	s20 =	sshll.u32 s5, $0x1;
	s5 =	sadd.s32 s21, s3  }
0x9d: {  	[timem:s7], [sflag:s22] =	dma.local [hbm:s5], s20  }
0x9e: {  	_ =	swait.ge [sflag:s22], s20  }
0x9f: {  	s4 =	ssub.s32 $0x0, s20;
	[sflag:s22] =	ssyncset.done $0x0  }
0xa0: {  	[sflag:s22] =	ssyncadd.s32 s4;
	_ =	sdelay $0x1  }
0xa1: {  	s23 =	simm.s32 $0x1B8B  }
0xa2: {  	_ =	swait.ge [sflag:s23], $0x1  }
0xa3: {  	[sflag:s23] =	ssyncset.done $0x0  }
0xa4: {  	s25 =	simm.s32 $0x1B8E;
	s24 =	sld [smem:$0x3FFE];
	[sflag:s23] =	ssyncadd.s32 $0xFFFFFFFF  }
0xa5: {  	s26 =	simm.s32 $execute0_lowered;
	[smem:$0x3FD2] =	sst s25  }
0xa6: {  	s5 =	sshll.u32 s26, $0x1;
	_ =	strace $0x8000004F;
	[dreg:$0x1] =	wrdreg $0xFFFFFFFF  }
0xa7: {  	s28 =	simm.s32 $_size_execute0_lowered;
	s3 =	sadd.s32 s3, s5;
	[dreg:$0x0] =	wrdreg $0x0  }
0xa8: {  	s5 =	sshll.u32 s28, $0x1;
	[dreg:$0x2] =	wrdreg s3  }
0xa9: {  	[dreg:$0x3] =	wrdreg s5  }
0xaa: {  	[dreg:$0x4] =	wrdreg $0xC0  }
0xab: {  	_ =	task [dreg:s7], $0x5FFFF  }
0xac: {  	[dreg:$0x1] =	wrdreg $0xFFFFFFFF  }
0xad: {  	[dreg:$0x0] =	wrdreg $0x60  }
0xae: {  	s2 =	sadd.s32 $0x800, s2;
	[dreg:$0x2] =	wrdreg s24  }
0xaf: {  	[dreg:$0x3] =	wrdreg s2  }
0xb0: {  	[dreg:$0x4] =	wrdreg $0x0  }
0xb1: {  	[dreg:$0x5] =	wrdreg $0x9  }
0xb2: {  	_ =	task.clear_ibuf [dreg:s7], $0x6FFFF;
	_ =	strace $0x9000004F  }
0xb3: {  	s29 =	simm.s32 $0x9;
	_ =	strace $0x80000051  }
0xb4: {  	_ =	swait.ge [sflag:s29], $0x1  }
0xb5: {  	[sflag:s29] =	ssyncadd.s32 $0xFFFFFFFF  }
0xb6: {  	_ =	strace $0x90000051  }
0xb7: {  	_ =	sfence  }
0xb8: {  	s30 =	sld [smem:$0x0];
	_ =	sdelay $0x2  }
0xb9: {  	s31 =	sshll.u32 s1, $0xD;
	s1 =	sshrl.u32 s1, $0x2  }
0xba: {  	s3 =	sand.u32 $0x4000, s31;
	s1 =	sadd.s32 s1, s30  }
0xbb: {  	s0 =	sor.u32 s3, s0;
	s1 =	sshll.u32 s1, $0x11  }
0xbc: {  	s0 =	sor.u32 s1, s0  }
0xbd: {  	s0 =	sadd.s32 $0x8F2B, s0  }
0xbe: {  	[sflag:s0] =	ssyncadd.remote.s32 $0x1  }
0xbf: {  	_ =	sfence.sel $0xFFFF  }
0xc0: {  	[dreg:$0x0] =	wrdreg $0xFFFFFFFF;
	(pc) =	sbr.abs _section_cstart, $3  }
0xc1: {  	[dreg:$0x1] =	wrdreg $0xFFFFFFFF  }
0xc2: {  	_ =	task.clear_ibuf [dreg:s7], $0x2FFFF;
	_ =	strace $0x9FFFFFFF  }
0xc3: {  	(tm) =	ssettm $0x7FFFFFFF  }
tec
execute0_lowered:
.L_overlay_start_1:
0x0: {  	(tag) =	ssettag $0x1  }
0x1: {  	s0 =	srdreg.scid;
	s1 =	rddreg [dreg:$0x0]  }
0x2: {  	s14 =	stileid.u32;
	s2 =	rddreg [dreg:$0x1]  }
0x3: {  	s4 =	simm.s32 $0x0;
	s16 =	simm.s32 $0x13C00;
	s8 =	smul.u32 $0x2780, s14  }
0x4: {  	s17 =	simm.s32 $0x80;
	s29 =	simm.s32 $0x1A800;
	s9 =	smul.u32 $0x4F000, s14  }
0x5: {  	s30 =	simm.s32 $0x2;
	s31 =	simm.s32 $0x3;
	s22 =	smul.u32 $0x2900, s14  }
0x6: {  	s28 =	simm.s32 $0x16480;
	s0 =	sand.u32 $0x1, s0;
	s24 =	smul.u32 $0x148000, s14  }
0x7: {  	[smem:$0x7FF] =	sst s4;
	s21 =	sshll.u32 s14, $0x6;
	s7 =	smul.u32 $0x27800, s0  }
0x8: {  	s3 =	sshll.u32 s0, $0x4;
	s19 =	ssub.s32 $0x2, s0;
	s13 =	smul.u32 $0x1480000, s0  }
0x9: {  	s0 =	smul.u32 $0x29000, s0;
	s5 =	sor.u32 s14, s3;
	s3 =	rddreg [dreg:$0x2]  }
0xa: {  	_ =	strace $0x80000050;
	s10 =	sadd.s32 s8, s1;
	s6 =	smul.u32 $0x580, s5  }
0xb: {  	s11 =	sshrl.u32 s19, $0x1;
	s9 =	sshrl.u32 s9, $0x2;
	s12 =	smul.u32 $0x148000, s5  }
0xc: {  	s11 =	ssub.s32 s19, s11;
	s9 =	sadd.s32 s9, s3;
	s20 =	sadd.s32 $0xDE00, s10  }
0xd: {  	s5 =	smul.u32 $0x29000, s5;
	s10 =	sadd.s32 $0x35600, s10;
	[dreg:$0x5] =	wrdreg s20  }
0xe: {  	s0 =	sadd.s32 s22, s0;
	s19 =	simm.s32 $0x16800;
	[dreg:$0x7] =	wrdreg s10  }
0xf: {  	s23 =	smax.u32 s11, $0x1;
	s10 =	sadd.s32 s24, s13;
	s0 =	sshll.u32 s0, $0x4  }
0x10: {  	s14 =	sshrl.u32 s9, $0x3;
	s6 =	sadd.s32 s6, s1;
	s1 =	sadd.s32 s7, s1  }
0x11: {  	s7 =	sor.u32 $0x1C05, s21;
	[dreg:$0x9] =	wrdreg s23;
	s23 =	sadd.s32 $0x28800, s5  }
0x12: {  	s12 =	sshrl.u32 s12, $0x3;
	[dreg:$0x4] =	wrdreg s5;
	s25 =	sor.u32 $0x800, s5  }
0x13: {  	s13 =	sadd.s32 $0x8000, s10;
	s26 =	sadd.s32 $0x1800, s0;
	s24 =	sadd.s32 $0x1000, s0  }
0x14: {  	s0 =	sor.u32 $0x800, s0;
	s15 =	sadd.s32 $0x84E00, s6;
	s6 =	sadd.s32 $0x2E00, s6  }
0x15: {  	s1 =	sadd.s32 $0x8FE00, s1;
	s22 =	sadd.s32 $0x28000, s12;
	s20 =	sadd.s32 s25, s2  }
0x16: {  	s21 =	sadd.s32 s2, s26;
	s23 =	sadd.s32 s23, s2;
	s24 =	sadd.s32 s2, s24  }
0x17: {  	s25 =	sadd.s32 s2, s0;
	s26 =	simm.s32 $0x1;
	[dreg:$0x6] =	wrdreg s15  }
0x18: {  	s0 =	simm.s32 $0x4;
	[dreg:$0x8] =	wrdreg s6;
	s15 =	simm.s32 $0x5  }
0x19: {  	s18 =	sadd.s32 s8, s1;
	s22 =	sadd.s32 s22, s2;
	s1 =	simm.s32 $0x0  }
.LBB2_1:
0x1a: {  	s5 =	rddreg [dreg:$0x5]  }
0x1b: {  	[spmem:s14], [sflag:s7] =	dma.local [hbm:s5], $0x2780  }
0x1c: {  	_ =	swait.ge [sflag:s15], $0x2780  }
0x1d: {  	[sflag:s15] =	ssyncset.done $0x0  }
0x1e: {  	s11 =	rddreg [dreg:$0x6];
	[sflag:s15] =	ssyncadd.s32 $0xFFFFD880  }
0x1f: {  	[tilespmem:s16], [sflag:$0x5] =	stream.linear.gather [hbm4b:s11+s4], $0x2900, $0x38;
	[tilespmem:$0x1E800] =	vst v63  }
0x20: {  	_ =	swait.ge [sflag:s15], $0x2900  }
0x21: {  	[sflag:s15] =	ssyncset.done $0x0  }
0x22: {  	[sflag:s15] =	ssyncadd.s32 $0xFFFFD700  }
0x23: {  	[bflag:$0x0] =	sbarrier.arrive $0xFFFF  }
0x24: {  	[tilespmem:s19], [sflag:$0x1] =	stream.indirect.gather [spmem:s3], $0x80, s16, s17, $0xb8;
	[tilespmem:$0x1E800] =	vst v63  }
0x25: {  	_ =	swait.ge [sflag:s26], $0x4000  }
0x26: {  	[sflag:s26] =	ssyncset.done $0x0  }
0x27: {  	s6 =	simm.s32 $0x13C80;
	[sflag:s26] =	ssyncadd.s32 $0xFFFFC000  }
0x28: {  	[tilespmem:s29], [sflag:$0x2] =	stream.indirect.gather [spmem:s3], $0x80, s6, s17, $0xb8;
	[tilespmem:$0x1E800] =	vst v63  }
0x29: {  	s6 =	sadd.s32 s12, s2  }
0x2a: {  	[hbm4b:s6+s4] =	stream.linear.scatter [tilespmem:s19], [sflag:$0x3], $0x4000, $0x38;
	[tilespmem:$0x1E800] =	vst v63  }
0x2b: {  	_ =	swait.ge [sflag:s30], $0x4000  }
0x2c: {  	[sflag:s30] =	ssyncset.done $0x0  }
0x2d: {  	[sflag:s30] =	ssyncadd.s32 $0xFFFFC000  }
0x2e: {  	_ =	swait.ge [sflag:s31], $0x4000  }
0x2f: {  	[sflag:s31] =	ssyncset.done $0x0  }
0x30: {  	s8 =	simm.s32 $0x13D00;
	[sflag:s31] =	ssyncadd.s32 $0xFFFFC000  }
0x31: {  	[tilespmem:s19], [sflag:$0x1] =	stream.indirect.gather [spmem:s3], $0x80, s8, s17, $0xb8;
	[tilespmem:$0x1E800] =	vst v63  }
0x32: {  	_ = 	snop  }
0x33: {  	[hbm4b:s20+s4] =	stream.linear.scatter [tilespmem:s29], [sflag:$0x4], $0x4000, $0x38;
	[tilespmem:$0x1E800] =	vst v63  }
0x34: {  	_ =	swait.ge [sflag:s26], $0x4000  }
0x35: {  	[sflag:s26] =	ssyncset.done $0x0  }
0x36: {  	[sflag:s26] =	ssyncadd.s32 $0xFFFFC000  }
0x37: {  	_ =	swait.ge [sflag:s0], $0x4000  }
0x38: {  	[sflag:s0] =	ssyncset.done $0x0  }
0x39: {  	s9 =	simm.s32 $0x13D80;
	s8 =	sshrl.u32 s13, $0x3;
	[sflag:s0] =	ssyncadd.s32 $0xFFFFC000  }
0x3a: {  	[tilespmem:s29], [sflag:$0x2] =	stream.indirect.gather [spmem:s3], $0x80, s9, s17, $0xb8;
	[tilespmem:$0x1E800] =	vst v63  }
0x3b: {  	s10 =	sadd.s32 s8, s2  }
0x3c: {  	[hbm4b:s10+s4] =	stream.linear.scatter [tilespmem:s19], [sflag:$0x3], $0x4000, $0x38;
	[tilespmem:$0x1E800] =	vst v63  }
0x3d: {  	_ =	swait.ge [sflag:s30], $0x4000  }
0x3e: {  	[sflag:s30] =	ssyncset.done $0x0  }
0x3f: {  	[sflag:s30] =	ssyncadd.s32 $0xFFFFC000  }
0x40: {  	s11 =	simm.s32 $0x13E00;
	_ =	swait.ge [sflag:s31], $0x4000  }
0x41: {  	s6 =	simm.s32 $0x1000;
	s8 =	simm.s32 $0x13F00;
	[sflag:s31] =	ssyncset.done $0x0  }
0x42: {  	s9 =	sadd.s32 $0x8000, s13;
	s10 =	sadd.s32 $0x0, s21;
	[sflag:s31] =	ssyncadd.s32 $0xFFFFC000  }
0x43: {  	[tilespmem:s19], [sflag:$0x1] =	stream.indirect.gather [spmem:s3], $0x80, s11, s17, $0xb8;
	[tilespmem:$0x1E800] =	vst v63  }
.LBB2_2:
0x44: {  	[hbm4b:s10+s4] =	stream.linear.scatter [tilespmem:s29], [sflag:$0x4], $0x4000, $0x38;
	[tilespmem:$0x1E800] =	vst v63  }
0x45: {  	s10 =	smov.u32 s6  }
0x46: {  	p0 =	sne.s32 s6, $0x26000;
	s6 =	sadd.s32 $0x1000, s6;
	_ =	swait.ge [sflag:s26], $0x4000  }
0x47: {  	[sflag:s26] =	ssyncset.done $0x0  }
0x48: {  	[sflag:s26] =	ssyncadd.s32 $0xFFFFC000  }
0x49: {  	_ =	swait.ge [sflag:s0], $0x4000  }
0x4a: {  	[sflag:s0] =	ssyncset.done $0x0  }
0x4b: {  	s11 =	sadd.s32 $0xFFFFFF80, s8;
	s5 =	sshrl.u32 s9, $0x3;
	[sflag:s0] =	ssyncadd.s32 $0xFFFFC000  }
0x4c: {  	[tilespmem:s29], [sflag:$0x2] =	stream.indirect.gather [spmem:s3], $0x80, s11, s17, $0xb8;
	[tilespmem:$0x1E800] =	vst v63  }
0x4d: {  	s5 =	sadd.s32 s5, s2  }
0x4e: {  	[hbm4b:s5+s4] =	stream.linear.scatter [tilespmem:s19], [sflag:$0x3], $0x4000, $0x38;
	[tilespmem:$0x1E800] =	vst v63  }
0x4f: {  	_ =	swait.ge [sflag:s30], $0x4000  }
0x50: {  	[sflag:s30] =	ssyncset.done $0x0  }
0x51: {  	[sflag:s30] =	ssyncadd.s32 $0xFFFFC000  }
.Ltmp0:
0x52: {  	_ =	swait.ge [sflag:s31], $0x4000;
	(pc) =	sbr.rel @p0 .LBB2_2-.Ltmp0, $4  }
0x53: {  	[sflag:s31] =	ssyncset.done $0x0  }
0x54: {  	[sflag:s31] =	ssyncadd.s32 $0xFFFFC000  }
0x55: {  	[tilespmem:s19], [sflag:$0x1] =	stream.indirect.gather [spmem:s3], $0x80, s8, s17, $0xb8;
	[tilespmem:$0x1E800] =	vst v63  }
0x56: {  	s9 =	sadd.s32 $0x8000, s9;
	s10 =	sadd.s32 s10, s21;
	s8 =	sadd.s32 $0x100, s8  }
0x57: {  	[hbm4b:s10+s4] =	stream.linear.scatter [tilespmem:s29], [sflag:$0x4], $0x4000, $0x38;
	[tilespmem:$0x1E800] =	vst v63  }
0x58: {  	_ =	swait.ge [sflag:s26], $0x4000  }
0x59: {  	[sflag:s26] =	ssyncset.done $0x0  }
0x5a: {  	[sflag:s26] =	ssyncadd.s32 $0xFFFFC000  }
0x5b: {  	_ =	swait.ge [sflag:s0], $0x4000  }
0x5c: {  	[sflag:s0] =	ssyncset.done $0x0  }
0x5d: {  	[sflag:s0] =	ssyncadd.s32 $0xFFFFC000  }
0x5e: {  	[tilespmem:s29], [sflag:$0x2] =	stream.indirect.gather [spmem:s3], $0x80, s28, s17, $0xb8;
	[tilespmem:$0x1E800] =	vst v63  }
0x5f: {  	s5 =	simm.s32 $0x0  }
0x60: {  	[hbm4b:s22+s5] =	stream.linear.scatter [tilespmem:s19], [sflag:$0x3], $0x4000, $0x38;
	[tilespmem:$0x1E800] =	vst v63  }
0x61: {  	_ =	swait.ge [sflag:s30], $0x4000  }
0x62: {  	[sflag:s30] =	ssyncset.done $0x0  }
0x63: {  	[sflag:s30] =	ssyncadd.s32 $0xFFFFC000  }
0x64: {  	_ =	swait.ge [sflag:s31], $0x4000  }
0x65: {  	[sflag:s31] =	ssyncset.done $0x0  }
0x66: {  	[sflag:s31] =	ssyncadd.s32 $0xFFFFC000  }
0x67: {  	[hbm4b:s23+s5] =	stream.linear.scatter [tilespmem:s29], [sflag:$0x4], $0x4000, $0x38;
	[tilespmem:$0x1E800] =	vst v63  }
0x68: {  	_ =	swait.ge [sflag:s0], $0x4000  }
0x69: {  	[sflag:s0] =	ssyncset.done $0x0  }
0x6a: {  	[sflag:s0] =	ssyncadd.s32 $0xFFFFC000  }
0x6b: {  	[bflag:$0x0] =	sbarrier.arrive $0xFFFF  }
0x6c: {  	s6 =	rddreg [dreg:$0x7]  }
0x6d: {  	[spmem:s14], [sflag:s7] =	dma.local [hbm:s6], $0x2780  }
0x6e: {  	_ =	swait.ge [sflag:s15], $0x2780  }
0x6f: {  	[sflag:s15] =	ssyncset.done $0x0  }
0x70: {  	s10 =	simm.s32 $0x13C00;
	s8 =	rddreg [dreg:$0x8];
	[sflag:s15] =	ssyncadd.s32 $0xFFFFD880  }
0x71: {  	[tilespmem:s10], [sflag:$0x5] =	stream.linear.gather [hbm4b:s8+s5], $0x2900, $0x38;
	[tilespmem:$0x1E800] =	vst v63  }
0x72: {  	_ =	swait.ge [sflag:s15], $0x2900  }
0x73: {  	[sflag:s15] =	ssyncset.done $0x0  }
0x74: {  	[sflag:s15] =	ssyncadd.s32 $0xFFFFD700  }
0x75: {  	[bflag:$0x0] =	sbarrier.arrive $0xFFFF  }
0x76: {  	s11 =	rddreg [dreg:$0x4]  }
0x77: {  	s8 =	sadd.s32 s11, s2  }
0x78: {  	[tilespmem:s19], [sflag:$0x1] =	stream.linear.gather [hbm4b:s8+s5], $0x4000, $0x38;
	[tilespmem:$0x1E800] =	vst v63  }
0x79: {  	s9 =	sadd.s32 $0x0, s25  }
0x7a: {  	[tilespmem:s29], [sflag:$0x2] =	stream.linear.gather [hbm4b:s9+s4], $0x4000, $0x38;
	[tilespmem:$0x1E800] =	vst v63  }
0x7b: {  	_ =	swait.ge [sflag:s26], $0x4000  }
0x7c: {  	[sflag:s26] =	ssyncset.done $0x0  }
0x7d: {  	[sflag:s26] =	ssyncadd.s32 $0xFFFFC000  }
0x7e: {  	[spmem:s3] =	stream.indirect.scatter.add.f32 [tilespmem:s19], [sflag:$0x5], $0x80, s10, s17, $0xb8;
	[tilespmem:$0x1E800] =	vst v63  }
0x7f: {  	_ =	swait.ge [sflag:s15], $0x4000  }
0x80: {  	[sflag:s15] =	ssyncset.done $0x0  }
0x81: {  	s10 =	sadd.s32 $0x0, s24;
	[sflag:s15] =	ssyncadd.s32 $0xFFFFC000  }
0x82: {  	[tilespmem:s19], [sflag:$0x1] =	stream.linear.gather [hbm4b:s10+s4], $0x4000, $0x38;
	[tilespmem:$0x1E800] =	vst v63  }
0x83: {  	_ =	swait.ge [sflag:s30], $0x4000  }
0x84: {  	[sflag:s30] =	ssyncset.done $0x0  }
0x85: {  	s11 =	simm.s32 $0x13C80;
	[sflag:s30] =	ssyncadd.s32 $0xFFFFC000  }
0x86: {  	[spmem:s3] =	stream.indirect.scatter.add.f32 [tilespmem:s29], [sflag:$0x5], $0x80, s11, s17, $0xb8;
	[tilespmem:$0x1E800] =	vst v63  }
0x87: {  	s6 =	simm.s32 $0x13D00;
	_ =	swait.ge [sflag:s15], $0x4000  }
0x88: {  	s8 =	simm.s32 $0x1000;
	s9 =	simm.s32 $0x2000;
	[sflag:s15] =	ssyncset.done $0x0  }
.LBB2_4:
0x89: {  	s5 =	sadd.s32 s8, s25  }
0x8a: {  	[sflag:s15] =	ssyncadd.s32 $0xFFFFC000;
	s10 =	smov.u32 s9;
	s11 =	sadd.s32 $0x1000, s9  }
0x8b: {  	[tilespmem:s29], [sflag:$0x2] =	stream.linear.gather [hbm4b:s5+s4], $0x4000, $0x38;
	[tilespmem:$0x1E800] =	vst v63  }
0x8c: {  	p0 =	sne.s32 s9, $0x27000;
	_ =	swait.ge [sflag:s26], $0x4000  }
0x8d: {  	[sflag:s26] =	ssyncset.done $0x0  }
0x8e: {  	[sflag:s26] =	ssyncadd.s32 $0xFFFFC000  }
0x8f: {  	[spmem:s3] =	stream.indirect.scatter.add.f32 [tilespmem:s19], [sflag:$0x5], $0x80, s6, s17, $0xb8;
	[tilespmem:$0x1E800] =	vst v63  }
0x90: {  	_ =	swait.ge [sflag:s15], $0x4000  }
0x91: {  	[sflag:s15] =	ssyncset.done $0x0  }
0x92: {  	s5 =	sadd.s32 s8, s24;
	s8 =	smov.u32 s10;
	[sflag:s15] =	ssyncadd.s32 $0xFFFFC000  }
0x93: {  	[tilespmem:s19], [sflag:$0x1] =	stream.linear.gather [hbm4b:s5+s4], $0x4000, $0x38;
	[tilespmem:$0x1E800] =	vst v63  }
0x94: {  	_ =	swait.ge [sflag:s30], $0x4000  }
.Ltmp1:
0x95: {  	[sflag:s30] =	ssyncset.done $0x0;
	(pc) =	sbr.rel @p0 .LBB2_4-.Ltmp1, $4  }
0x96: {  	s5 =	sadd.s32 $0x80, s6;
	[sflag:s30] =	ssyncadd.s32 $0xFFFFC000  }
0x97: {  	[spmem:s3] =	stream.indirect.scatter.add.f32 [tilespmem:s29], [sflag:$0x5], $0x80, s5, s17, $0xb8;
	[tilespmem:$0x1E800] =	vst v63  }
0x98: {  	_ =	swait.ge [sflag:s15], $0x4000  }
0x99: {  	s9 =	smov.u32 s11;
	s6 =	sadd.s32 $0x100, s6;
	[sflag:s15] =	ssyncset.done $0x0  }
0x9a: {  	s5 =	sadd.s32 s8, s25;
	[sflag:s15] =	ssyncadd.s32 $0xFFFFC000  }
0x9b: {  	[tilespmem:s29], [sflag:$0x2] =	stream.linear.gather [hbm4b:s5+s4], $0x4000, $0x38;
	[tilespmem:$0x1E800] =	vst v63  }
0x9c: {  	_ =	swait.ge [sflag:s26], $0x4000  }
0x9d: {  	[sflag:s26] =	ssyncset.done $0x0  }
0x9e: {  	[sflag:s26] =	ssyncadd.s32 $0xFFFFC000  }
0x9f: {  	[spmem:s3] =	stream.indirect.scatter.add.f32 [tilespmem:s19], [sflag:$0x5], $0x80, s6, s17, $0xb8;
	[tilespmem:$0x1E800] =	vst v63  }
0xa0: {  	_ =	swait.ge [sflag:s15], $0x4000  }
0xa1: {  	[sflag:s15] =	ssyncset.done $0x0  }
0xa2: {  	s8 =	sadd.s32 s8, s24;
	[sflag:s15] =	ssyncadd.s32 $0xFFFFC000  }
0xa3: {  	[tilespmem:s19], [sflag:$0x1] =	stream.linear.gather [hbm4b:s8+s4], $0x4000, $0x38;
	[tilespmem:$0x1E800] =	vst v63  }
0xa4: {  	_ =	swait.ge [sflag:s30], $0x4000  }
0xa5: {  	[sflag:s30] =	ssyncset.done $0x0  }
0xa6: {  	s9 =	sadd.s32 $0x80, s6;
	[sflag:s30] =	ssyncadd.s32 $0xFFFFC000  }
0xa7: {  	[spmem:s3] =	stream.indirect.scatter.add.f32 [tilespmem:s29], [sflag:$0x5], $0x80, s9, s17, $0xb8;
	[tilespmem:$0x1E800] =	vst v63  }
0xa8: {  	_ =	swait.ge [sflag:s15], $0x4000  }
0xa9: {  	[sflag:s15] =	ssyncset.done $0x0  }
0xaa: {  	[sflag:s15] =	ssyncadd.s32 $0xFFFFC000  }
0xab: {  	[tilespmem:s29], [sflag:$0x2] =	stream.linear.gather [hbm4b:s23+s4], $0x4000, $0x38;
	[tilespmem:$0x1E800] =	vst v63  }
0xac: {  	_ =	swait.ge [sflag:s26], $0x4000  }
0xad: {  	[sflag:s26] =	ssyncset.done $0x0  }
0xae: {  	s10 =	simm.s32 $0x16400;
	[sflag:s26] =	ssyncadd.s32 $0xFFFFC000  }
0xaf: {  	[spmem:s3] =	stream.indirect.scatter.add.f32 [tilespmem:s19], [sflag:$0x5], $0x80, s10, s17, $0xb8;
	[tilespmem:$0x1E800] =	vst v63  }
0xb0: {  	_ =	swait.ge [sflag:s15], $0x4000  }
0xb1: {  	[sflag:s15] =	ssyncset.done $0x0  }
0xb2: {  	[sflag:s15] =	ssyncadd.s32 $0xFFFFC000  }
0xb3: {  	_ =	swait.ge [sflag:s30], $0x4000  }
0xb4: {  	[sflag:s30] =	ssyncset.done $0x0  }
0xb5: {  	[sflag:s30] =	ssyncadd.s32 $0xFFFFC000  }
0xb6: {  	[spmem:s3] =	stream.indirect.scatter.add.f32 [tilespmem:s29], [sflag:$0x5], $0x80, s28, s17, $0xb8;
	[tilespmem:$0x1E800] =	vst v63  }
0xb7: {  	_ =	swait.ge [sflag:s15], $0x4000  }
0xb8: {  	[sflag:s15] =	ssyncset.done $0x0  }
0xb9: {  	[sflag:s15] =	ssyncadd.s32 $0xFFFFC000  }
0xba: {  	[bflag:$0x0] =	sbarrier.arrive $0xFFFF  }
0xbb: {  	[hbm:s18], [sflag:s7] =	dma.local [spmem:s14], $0x2780  }
0xbc: {  	_ =	swait.ge [sflag:s15], $0x2780  }
0xbd: {  	s1 =	sadd.s32 $0x1, s1;
	s11 =	rddreg [dreg:$0x9]  }
0xbe: {  	p0 =	sne.s32 s1, s11  }
.Ltmp2:
0xbf: {  	_ = 	snop;
	(pc) =	sbr.rel @p0 .LBB2_1-.Ltmp2, $3  }
0xc0: {  	_ =	sdelay $0x1  }
0xc1: {  	[sflag:s15] =	ssyncset.done $0x0  }
0xc2: {  	[sflag:s15] =	ssyncadd.s32 $0xFFFFD880  }
0xc3: {  	_ =	sfence.sel $0x180000  }
0xc4: {  	[bflag:$0x0] =	sbarrier.arrive $0xFFFF  }
0xc5: {  	_ =	strace $0x90000050  }
0xc6: {  	s0 =	stileid.u32;
	[bflag:$0x2] =	sbarrier.arrive $0xFFFF  }
0xc7: {  	p0 =	sne.s32 s0, $0x0;
	s0 =	rddreg [dreg:$0x3]  }
0xc8: {  	s0 =	sadd.s32 @!p0 $0x100000, s0  }
0xc9: {  	[sflag:s0] =	ssyncadd.tile.s32 @!p0 $0x1;
	_ =	shalt  }
.Lfunc_end2:
_tile_overlayer_lowered:
.L_overlay_start_2:
0xca: {  	(tag) =	ssettag $0x2  }
0xcb: {  	s0 =	rddreg [dreg:$0x0];
	s2 =	stileid.u32  }
0xcc: {  	s1 =	rddreg [dreg:$0x1];
	p0 =	sne.s32 s2, $0x0  }
0xcd: {  	s3 =	rddreg [dreg:$0x2];
	[bflag:$0x3] =	sbarrier.arrive $0xFFFF;
	s2 =	simm.s32 @!p0 $0x1C05  }
0xce: {  	[timem:s3], [sflag:s2] =	dma.local @!p0 [hbm:s0], s1  }
0xcf: {  	s0 =	simm.s32 @!p0 $0x5  }
0xd0: {  	_ =	swait.ge @!p0 [sflag:s0], s1  }
0xd1: {  	s1 =	ssub.s32 @!p0 $0x0, s1;
	[sflag:s0] =	ssyncset.done @!p0 $0x0  }
0xd2: {  	[sflag:s0] =	ssyncadd.s32 @!p0 s1  }
0xd3: {  	[bflag:$0x3] =	sbarrier.arrive $0xFFFF  }
0xd4: {  	_ =	shalt  }

</sc_bundles>
